<compile_context>
chip_gen: v7x
topology: tpu7x:2x2x1
jax: 0.10.2.dev20260603
libtpu: 0.0.44.dev20260713+nightly
codegen_flags: <defaults>
</compile_context>

<pallas_src>
import functools

import jax
import jax.numpy as jnp
from jax import lax
from jax.experimental import pallas as pl
from jax.experimental.pallas import tpu as pltpu
from jax.experimental.pallas import tpu_sc as plsc

D = 64
NC = 2
NS = 16
NW = NC * NS
GRP = 128
HIST = 50
BATCH = 16384
NGRP_TOT = HIST * (BATCH // GRP)
NGRP_W = NGRP_TOT // NW
BG = BATCH // GRP
VOCAB_ROWS = 1000000


TBLK = 16384


def _tc_transpose(table_t):
    n = table_t.shape[1]
    grid = (n + TBLK - 1) // TBLK

    def body(in_ref, out_ref):
        t = in_ref[...].T
        out_ref[...] = jnp.concatenate([t, t], axis=1)

    return pl.pallas_call(
        body,
        grid=(grid,),
        in_specs=[pl.BlockSpec((D, TBLK), lambda i: (0, i))],
        out_specs=pl.BlockSpec((TBLK, 2 * D), lambda i: (i, 0)),
        out_shape=jax.ShapeDtypeStruct((n, 2 * D), jnp.float32),
    )(table_t)


@jax.jit
def _sc_gather(table, idx3d):
    mesh = plsc.VectorSubcoreMesh(core_axis_name="c", subcore_axis_name="s")

    @functools.partial(
        pl.kernel,
        mesh=mesh,
        out_type=jax.ShapeDtypeStruct((HIST, D // 8, BG, 8, GRP), jnp.float32),
        scratch_types=[
            pltpu.VMEM((NGRP_W, GRP), jnp.int32),
            pltpu.VMEM((GRP, D), jnp.float32),
            pltpu.VMEM((GRP, D), jnp.float32),
            pltpu.VMEM((8, 8, GRP + 1), jnp.float32),
            pltpu.VMEM((8, 8, GRP + 1), jnp.float32),
            pltpu.SemaphoreType.DMA,
            pltpu.SemaphoreType.DMA,
            pltpu.SemaphoreType.DMA,
            pltpu.SemaphoreType.DMA,
        ],
        compiler_params=pltpu.CompilerParams(
            use_tc_tiling_on_sc=False, needs_layout_passes=False
        ),
    )
    def k(table_hbm, idx_hbm, out_hbm, idx_v, ga, gb, ta, tb, gsa, gsb, osa, osb):
        wid = lax.axis_index("s") * NC + lax.axis_index("c")
        base = wid * NGRP_W
        pltpu.sync_copy(idx_hbm.at[wid], idx_v)

        iota = lax.iota(jnp.int32, 16)
        rows = [kb * 16 + iota for kb in range(4)]
        dgv = [r >> 3 for r in rows]
        div = [r & 7 for r in rows]

        def fill(t, gbuf, sem):
            pltpu.async_copy(table_hbm.at[idx_v.at[t]], gbuf, sem)

        def drain_fill(gbuf, sem):
            pltpu.make_async_copy(
                table_hbm.at[pl.ds(0, GRP)], gbuf, sem
            ).wait()

        def transpose(gbuf, tbuf):
            def bbody(b4, carry):
                bi0 = b4 * 4
                for u in range(4):
                    col = jnp.full((16,), bi0 + u, jnp.int32)
                    for kb in range(4):
                        v = gbuf[bi0 + u, pl.ds(kb * 16, 16)]
                        plsc.store_scatter(tbuf, [dgv[kb], div[kb], col], v)
                return carry

            lax.fori_loop(0, GRP // 4, bbody, 0)

        def write(t, tbuf, sem):
            g = base + t
            h = g // BG
            bg = g % BG
            pltpu.async_copy(
                tbuf.at[:, :, pl.ds(0, GRP)], out_hbm.at[h, :, bg], sem
            )

        def drain_write(tbuf, sem):
            pltpu.make_async_copy(
                out_hbm.at[0, :, 0], tbuf.at[:, :, pl.ds(0, GRP)], sem
            ).wait()

        fill(0, ga, gsa)
        fill(1, gb, gsb)
        drain_fill(ga, gsa)
        transpose(ga, ta)
        write(0, ta, osa)
        drain_fill(gb, gsb)
        transpose(gb, tb)
        write(1, tb, osb)
        fill(2, ga, gsa)
        fill(3, gb, gsb)

        def body(p, carry):
            t0 = 2 * p
            drain_fill(ga, gsa)
            drain_write(ta, osa)
            transpose(ga, ta)
            write(t0, ta, osa)
            fill(t0 + 2, ga, gsa)
            drain_fill(gb, gsb)
            drain_write(tb, osb)
            transpose(gb, tb)
            write(t0 + 1, tb, osb)
            fill(t0 + 3, gb, gsb)
            return carry

        lax.fori_loop(1, NGRP_W // 2 - 1, body, 0)

        drain_fill(ga, gsa)
        drain_write(ta, osa)
        transpose(ga, ta)
        write(NGRP_W - 2, ta, osa)
        drain_fill(gb, gsb)
        drain_write(tb, osb)
        transpose(gb, tb)
        write(NGRP_W - 1, tb, osb)
        drain_write(ta, osa)
        drain_write(tb, osb)

    return k(table, idx3d)


def kernel(input_items, embeddings):
    idx3d = (
        (input_items.astype(jnp.int32) * 2)
        .T.reshape(NW, NGRP_W, GRP)
    )
    table_rm = _tc_transpose(embeddings.T).reshape(2 * VOCAB_ROWS, D)
    p = _sc_gather(table_rm, idx3d)
    return p.transpose(2, 4, 0, 1, 3).reshape(BATCH, HIST, D)

# --- scband reference (transcript-rebuilt; emitter-appended) ---
"""Pipeline reference for scband-item2-vec-model-5669356831110 (READ-ONLY COPY).

The authoritative reference and input builder live on the scoring server;
editing this copy changes nothing except your own understanding.
"""

import jax, jax.numpy as jnp
import numpy as np

VOCAB_SIZE = 1000000
EMBED_DIM = 64
BATCH = 16384
HIST = 50

def setup_inputs(seed: int = 0) -> dict:
    key = jax.random.key(seed)
    k_idx, k_emb = jax.random.split(key)
    input_items = jax.random.randint(k_idx, (BATCH, HIST), 0, VOCAB_SIZE, dtype=jnp.int64) if jax.config.jax_enable_x64 else jax.random.randint(k_idx, (BATCH, HIST), 0, VOCAB_SIZE, dtype=jnp.int32)
    # nn.Embedding default init: N(0, 1)
    embeddings = jax.random.normal(k_emb, (VOCAB_SIZE, EMBED_DIM), dtype=jnp.float32)
    return {"input_items": input_items, "embeddings": embeddings}

def reference(input_items, embeddings):
    # Faithful translation of nn.Embedding lookup: table[idx]
    return jnp.take(embeddings, input_items, axis=0)

if __name__ == "__main__":
    import jax
    _d = setup_inputs()
    print(jax.jit(kernel)(*tuple(_d.values())))

</pallas_src>

<mosaic_0001>
#map = affine_map<(d0, d1) -> (0, 0)>
#map1 = affine_map<(d0, d1) -> (0, 0, 0)>
#map2 = affine_map<(d0, d1) -> (0, 0, 0, 0, 0)>
module attributes {stable_mosaic.version = 14 : i64} {
  func.func @k(%arg0: i32, %arg1: i32, %arg2: memref<2000000x64xf32, #tpu.memory_space<hbm>>, %arg3: memref<32x200x128xi32, #tpu.memory_space<hbm>>, %arg4: memref<50x8x128x8x128xf32, #tpu.memory_space<hbm>>, %arg5: memref<200x128xi32, #tpu.memory_space<vmem>>, %arg6: memref<128x64xf32, #tpu.memory_space<vmem>>, %arg7: memref<128x64xf32, #tpu.memory_space<vmem>>, %arg8: memref<8x8x129xf32, #tpu.memory_space<vmem>>, %arg9: memref<8x8x129xf32, #tpu.memory_space<vmem>>, %arg10: memref<!tpu.dma_semaphore, #tpu.memory_space<semaphore_mem>>, %arg11: memref<!tpu.dma_semaphore, #tpu.memory_space<semaphore_mem>>, %arg12: memref<!tpu.dma_semaphore, #tpu.memory_space<semaphore_mem>>, %arg13: memref<!tpu.dma_semaphore, #tpu.memory_space<semaphore_mem>>) attributes {dimension_semantics = [#tpu.dimension_semantics<core_parallel>, #tpu.dimension_semantics<subcore_parallel>], iteration_bounds = array<i64: 2, 16>, scalar_prefetch = 0 : i64, scratch_operands = 9 : i64, tpu.core_type = #tpu.core_type<sc_vector_subcore>, window_params = [{transform_indices = #map}, {transform_indices = #map1}, {transform_indices = #map2}]} {
    %mul3A = arith.constant 2 : i32
    %mul3A_0 = arith.muli %arg1, %mul3A : i32
    %add3A = arith.addi %mul3A_0, %arg0 : i32
    %mul3A_1 = arith.constant 200 : i32
    %mul3A_2 = arith.muli %add3A, %mul3A_1 : i32
    "tpu.region"() ({
      %run_scoped3A = tpu.sem_alloc : memref<!tpu.dma_semaphore, #tpu.memory_space<semaphore_mem>>
      %dma_start3A_427 = arith.constant 0 : i32
      %dma_start3A_428 = arith.constant 0 : i32
      %dma_start3A_429 = tpu.memref_slice %arg3[%add3A, %dma_start3A_427, %dma_start3A_428] : memref<32x200x128xi32, #tpu.memory_space<hbm>> -> memref<1x200x128xi32, #tpu.memory_space<hbm>>
      %dma_start3A_430 = tpu.memref_squeeze %dma_start3A_429 : memref<1x200x128xi32, #tpu.memory_space<hbm>> -> memref<200x128xi32, #tpu.memory_space<hbm>>
      %dma_start3A_431 = arith.constant 0 : i32
      %dma_start3A_432 = arith.constant 0 : i32
      %dma_start3A_433 = tpu.memref_slice %arg3[%add3A, %dma_start3A_431, %dma_start3A_432] : memref<32x200x128xi32, #tpu.memory_space<hbm>> -> memref<1x200x128xi32, #tpu.memory_space<hbm>>
      %dma_start3A_434 = tpu.memref_squeeze %dma_start3A_433 : memref<1x200x128xi32, #tpu.memory_space<hbm>> -> memref<200x128xi32, #tpu.memory_space<hbm>>
      tpu.enqueue_dma source(%dma_start3A_434 : memref<200x128xi32, #tpu.memory_space<hbm>>) target(%arg5 : memref<200x128xi32, #tpu.memory_space<vmem>>) target_semaphore(%run_scoped3A : memref<!tpu.dma_semaphore, #tpu.memory_space<semaphore_mem>>)
      %dma_wait3A_435 = arith.constant 0 : i32
      %dma_wait3A_436 = arith.constant 0 : i32
      %dma_wait3A_437 = tpu.memref_slice %arg3[%add3A, %dma_wait3A_435, %dma_wait3A_436] : memref<32x200x128xi32, #tpu.memory_space<hbm>> -> memref<1x200x128xi32, #tpu.memory_space<hbm>>
      %dma_wait3A_438 = tpu.memref_squeeze %dma_wait3A_437 : memref<1x200x128xi32, #tpu.memory_space<hbm>> -> memref<200x128xi32, #tpu.memory_space<hbm>>
      %dma_wait3A_439 = arith.constant 0 : i32
      %dma_wait3A_440 = arith.constant 0 : i32
      %dma_wait3A_441 = tpu.memref_slice %arg3[%add3A, %dma_wait3A_439, %dma_wait3A_440] : memref<32x200x128xi32, #tpu.memory_space<hbm>> -> memref<1x200x128xi32, #tpu.memory_space<hbm>>
      %dma_wait3A_442 = tpu.memref_squeeze %dma_wait3A_441 : memref<1x200x128xi32, #tpu.memory_space<hbm>> -> memref<200x128xi32, #tpu.memory_space<hbm>>
      tpu.wait_dma2 semaphore(%run_scoped3A : memref<!tpu.dma_semaphore, #tpu.memory_space<semaphore_mem>>) src(%dma_wait3A_442 : memref<200x128xi32, #tpu.memory_space<hbm>>) dst(%arg5 : memref<200x128xi32, #tpu.memory_space<vmem>>)
      tpu.yield
    }) : () -> ()
    %iota3A = tpu.iota {dimensions = array<i32: 0>} : vector<16xi32>
    %add3A_3 = arith.constant 0 : i32
    %add3A_4 = vector.broadcast %add3A_3 : i32 to vector<16xi32>
    %add3A_5 = arith.addi %add3A_4, %iota3A : vector<16xi32>
    %add3A_6 = arith.constant 16 : i32
    %add3A_7 = vector.broadcast %add3A_6 : i32 to vector<16xi32>
    %add3A_8 = arith.addi %add3A_7, %iota3A : vector<16xi32>
    %add3A_9 = arith.constant 32 : i32
    %add3A_10 = vector.broadcast %add3A_9 : i32 to vector<16xi32>
    %add3A_11 = arith.addi %add3A_10, %iota3A : vector<16xi32>
    %add3A_12 = arith.constant 48 : i32
    %add3A_13 = vector.broadcast %add3A_12 : i32 to vector<16xi32>
    %add3A_14 = arith.addi %add3A_13, %iota3A : vector<16xi32>
    %shift_right_arithmetic3A = arith.constant 3 : i32
    %shift_right_arithmetic3A_15 = vector.broadcast %shift_right_arithmetic3A : i32 to vector<16xi32>
    %shift_right_arithmetic3A_16 = arith.shrsi %add3A_5, %shift_right_arithmetic3A_15 : vector<16xi32>
    %shift_right_arithmetic3A_17 = arith.constant 3 : i32
    %shift_right_arithmetic3A_18 = vector.broadcast %shift_right_arithmetic3A_17 : i32 to vector<16xi32>
    %shift_right_arithmetic3A_19 = arith.shrsi %add3A_8, %shift_right_arithmetic3A_18 : vector<16xi32>
    %shift_right_arithmetic3A_20 = arith.constant 3 : i32
    %shift_right_arithmetic3A_21 = vector.broadcast %shift_right_arithmetic3A_20 : i32 to vector<16xi32>
    %shift_right_arithmetic3A_22 = arith.shrsi %add3A_11, %shift_right_arithmetic3A_21 : vector<16xi32>
    %shift_right_arithmetic3A_23 = arith.constant 3 : i32
    %shift_right_arithmetic3A_24 = vector.broadcast %shift_right_arithmetic3A_23 : i32 to vector<16xi32>
    %shift_right_arithmetic3A_25 = arith.shrsi %add3A_14, %shift_right_arithmetic3A_24 : vector<16xi32>
    %and3A = arith.constant 7 : i32
    %and3A_26 = vector.broadcast %and3A : i32 to vector<16xi32>
    %and3A_27 = arith.andi %add3A_5, %and3A_26 : vector<16xi32>
    %and3A_28 = arith.constant 7 : i32
    %and3A_29 = vector.broadcast %and3A_28 : i32 to vector<16xi32>
    %and3A_30 = arith.andi %add3A_8, %and3A_29 : vector<16xi32>
    %and3A_31 = arith.constant 7 : i32
    %and3A_32 = vector.broadcast %and3A_31 : i32 to vector<16xi32>
    %and3A_33 = arith.andi %add3A_11, %and3A_32 : vector<16xi32>
    %and3A_34 = arith.constant 7 : i32
    %and3A_35 = vector.broadcast %and3A_34 : i32 to vector<16xi32>
    %and3A_36 = arith.andi %add3A_14, %and3A_35 : vector<16xi32>
    %dma_start3A = arith.constant 0 : i32
    %dma_start3A_37 = arith.constant 0 : i32
    %dma_start3A_38 = tpu.memref_slice %arg5[%dma_start3A, %dma_start3A_37] : memref<200x128xi32, #tpu.memory_space<vmem>> -> memref<1x128xi32, #tpu.memory_space<vmem>>
    %dma_start3A_39 = tpu.memref_squeeze %dma_start3A_38 : memref<1x128xi32, #tpu.memory_space<vmem>> -> memref<128xi32, #tpu.memory_space<vmem>>
    %dma_start3A_40 = arith.constant 0 : i32
    %dma_start3A_41 = arith.constant 0 : i32
    %dma_start3A_42 = tpu.memref_slice %arg2[%dma_start3A_40, %dma_start3A_41] : memref<2000000x64xf32, #tpu.memory_space<hbm>> -> memref<2000000x64xf32, #tpu.memory_space<hbm>>
    tpu.enqueue_indirect_dma source(%dma_start3A_42 : memref<2000000x64xf32, #tpu.memory_space<hbm>>) target(%arg6 : memref<128x64xf32, #tpu.memory_space<vmem>>) offsets(%dma_start3A_39 : memref<128xi32, #tpu.memory_space<vmem>>) semaphore(%arg10 : memref<!tpu.dma_semaphore, #tpu.memory_space<semaphore_mem>>)
    %dma_start3A_43 = arith.constant 1 : i32
    %dma_start3A_44 = arith.constant 0 : i32
    %dma_start3A_45 = tpu.memref_slice %arg5[%dma_start3A_43, %dma_start3A_44] : memref<200x128xi32, #tpu.memory_space<vmem>> -> memref<1x128xi32, #tpu.memory_space<vmem>>
    %dma_start3A_46 = tpu.memref_squeeze %dma_start3A_45 : memref<1x128xi32, #tpu.memory_space<vmem>> -> memref<128xi32, #tpu.memory_space<vmem>>
    %dma_start3A_47 = arith.constant 0 : i32
    %dma_start3A_48 = arith.constant 0 : i32
    %dma_start3A_49 = tpu.memref_slice %arg2[%dma_start3A_47, %dma_start3A_48] : memref<2000000x64xf32, #tpu.memory_space<hbm>> -> memref<2000000x64xf32, #tpu.memory_space<hbm>>
    tpu.enqueue_indirect_dma source(%dma_start3A_49 : memref<2000000x64xf32, #tpu.memory_space<hbm>>) target(%arg7 : memref<128x64xf32, #tpu.memory_space<vmem>>) offsets(%dma_start3A_46 : memref<128xi32, #tpu.memory_space<vmem>>) semaphore(%arg11 : memref<!tpu.dma_semaphore, #tpu.memory_space<semaphore_mem>>)
    %dma_wait3A = arith.constant 0 : i32
    %dma_wait3A_50 = arith.constant 0 : i32
    %dma_wait3A_51 = tpu.memref_slice %arg2[%dma_wait3A, %dma_wait3A_50] : memref<2000000x64xf32, #tpu.memory_space<hbm>> -> memref<128x64xf32, #tpu.memory_space<hbm>>
    %dma_wait3A_52 = arith.constant 0 : i32
    %dma_wait3A_53 = arith.constant 0 : i32
    %dma_wait3A_54 = tpu.memref_slice %arg2[%dma_wait3A_52, %dma_wait3A_53] : memref<2000000x64xf32, #tpu.memory_space<hbm>> -> memref<128x64xf32, #tpu.memory_space<hbm>>
    tpu.wait_dma2 semaphore(%arg10 : memref<!tpu.dma_semaphore, #tpu.memory_space<semaphore_mem>>) src(%dma_wait3A_54 : memref<128x64xf32, #tpu.memory_space<hbm>>) dst(%arg6 : memref<128x64xf32, #tpu.memory_space<vmem>>)
    %scan3A = arith.constant 0 : i32
    %scan3A_55 = arith.constant 0 : i32
    %scan3A_56 = arith.constant 32 : i32
    %scan3A_57 = arith.addi %scan3A_55, %scan3A_56 : i32
    %scan3A_58 = arith.constant 1 : i32
    scf.for %scan3A_427 = %scan3A_55 to %scan3A_57 step %scan3A_58  : i32 {
      %mul3A_428 = arith.constant 4 : i32
      %mul3A_429 = arith.muli %scan3A_427, %mul3A_428 : i32
      %add3A_430 = arith.constant 0 : i32
      %add3A_431 = arith.addi %mul3A_429, %add3A_430 : i32
      %broadcast_in_dim3A = vector.broadcast %add3A_431 : i32 to vector<16xi32>
      %add3A_432 = arith.constant 0 : i32
      %add3A_433 = arith.addi %mul3A_429, %add3A_432 : i32
      %get3A = arith.index_cast %add3A_433 : i32 to index
      %get3A_434 = arith.constant 0 : index
      %get3A_435 = tpu.vector_load %arg6[%get3A, %get3A_434] {strides = array<i32>} : memref<128x64xf32, #tpu.memory_space<vmem>>, vector<16xf32>,
      tpu.vector_store_idx %arg8[%shift_right_arithmetic3A_16, %and3A_27, %broadcast_in_dim3A], %get3A_435 : memref<8x8x129xf32, #tpu.memory_space<vmem>>[vector<16xi32>, vector<16xi32>, vector<16xi32>], vector<16xf32>,
      %add3A_436 = arith.constant 0 : i32
      %add3A_437 = arith.addi %mul3A_429, %add3A_436 : i32
      %get3A_438 = arith.index_cast %add3A_437 : i32 to index
      %get3A_439 = arith.constant 16 : index
      %get3A_440 = tpu.vector_load %arg6[%get3A_438, %get3A_439] {strides = array<i32>} : memref<128x64xf32, #tpu.memory_space<vmem>>, vector<16xf32>,
      tpu.vector_store_idx %arg8[%shift_right_arithmetic3A_19, %and3A_30, %broadcast_in_dim3A], %get3A_440 : memref<8x8x129xf32, #tpu.memory_space<vmem>>[vector<16xi32>, vector<16xi32>, vector<16xi32>], vector<16xf32>,
      %add3A_441 = arith.constant 0 : i32
      %add3A_442 = arith.addi %mul3A_429, %add3A_441 : i32
      %get3A_443 = arith.index_cast %add3A_442 : i32 to index
      %get3A_444 = arith.constant 32 : index
      %get3A_445 = tpu.vector_load %arg6[%get3A_443, %get3A_444] {strides = array<i32>} : memref<128x64xf32, #tpu.memory_space<vmem>>, vector<16xf32>,
      tpu.vector_store_idx %arg8[%shift_right_arithmetic3A_22, %and3A_33, %broadcast_in_dim3A], %get3A_445 : memref<8x8x129xf32, #tpu.memory_space<vmem>>[vector<16xi32>, vector<16xi32>, vector<16xi32>], vector<16xf32>,
      %add3A_446 = arith.constant 0 : i32
      %add3A_447 = arith.addi %mul3A_429, %add3A_446 : i32
      %get3A_448 = arith.index_cast %add3A_447 : i32 to index
      %get3A_449 = arith.constant 48 : index
      %get3A_450 = tpu.vector_load %arg6[%get3A_448, %get3A_449] {strides = array<i32>} : memref<128x64xf32, #tpu.memory_space<vmem>>, vector<16xf32>,
      tpu.vector_store_idx %arg8[%shift_right_arithmetic3A_25, %and3A_36, %broadcast_in_dim3A], %get3A_450 : memref<8x8x129xf32, #tpu.memory_space<vmem>>[vector<16xi32>, vector<16xi32>, vector<16xi32>], vector<16xf32>,
      %add3A_451 = arith.constant 1 : i32
      %add3A_452 = arith.addi %mul3A_429, %add3A_451 : i32
      %broadcast_in_dim3A_453 = vector.broadcast %add3A_452 : i32 to vector<16xi32>
      %add3A_454 = arith.constant 1 : i32
      %add3A_455 = arith.addi %mul3A_429, %add3A_454 : i32
      %get3A_456 = arith.index_cast %add3A_455 : i32 to index
      %get3A_457 = arith.constant 0 : index
      %get3A_458 = tpu.vector_load %arg6[%get3A_456, %get3A_457] {strides = array<i32>} : memref<128x64xf32, #tpu.memory_space<vmem>>, vector<16xf32>,
      tpu.vector_store_idx %arg8[%shift_right_arithmetic3A_16, %and3A_27, %broadcast_in_dim3A_453], %get3A_458 : memref<8x8x129xf32, #tpu.memory_space<vmem>>[vector<16xi32>, vector<16xi32>, vector<16xi32>], vector<16xf32>,
      %add3A_459 = arith.constant 1 : i32
      %add3A_460 = arith.addi %mul3A_429, %add3A_459 : i32
      %get3A_461 = arith.index_cast %add3A_460 : i32 to index
      %get3A_462 = arith.constant 16 : index
      %get3A_463 = tpu.vector_load %arg6[%get3A_461, %get3A_462] {strides = array<i32>} : memref<128x64xf32, #tpu.memory_space<vmem>>, vector<16xf32>,
      tpu.vector_store_idx %arg8[%shift_right_arithmetic3A_19, %and3A_30, %broadcast_in_dim3A_453], %get3A_463 : memref<8x8x129xf32, #tpu.memory_space<vmem>>[vector<16xi32>, vector<16xi32>, vector<16xi32>], vector<16xf32>,
      %add3A_464 = arith.constant 1 : i32
      %add3A_465 = arith.addi %mul3A_429, %add3A_464 : i32
      %get3A_466 = arith.index_cast %add3A_465 : i32 to index
      %get3A_467 = arith.constant 32 : index
      %get3A_468 = tpu.vector_load %arg6[%get3A_466, %get3A_467] {strides = array<i32>} : memref<128x64xf32, #tpu.memory_space<vmem>>, vector<16xf32>,
      tpu.vector_store_idx %arg8[%shift_right_arithmetic3A_22, %and3A_33, %broadcast_in_dim3A_453], %get3A_468 : memref<8x8x129xf32, #tpu.memory_space<vmem>>[vector<16xi32>, vector<16xi32>, vector<16xi32>], vector<16xf32>,
      %add3A_469 = arith.constant 1 : i32
      %add3A_470 = arith.addi %mul3A_429, %add3A_469 : i32
      %get3A_471 = arith.index_cast %add3A_470 : i32 to index
      %get3A_472 = arith.constant 48 : index
      %get3A_473 = tpu.vector_load %arg6[%get3A_471, %get3A_472] {strides = array<i32>} : memref<128x64xf32, #tpu.memory_space<vmem>>, vector<16xf32>,
      tpu.vector_store_idx %arg8[%shift_right_arithmetic3A_25, %and3A_36, %broadcast_in_dim3A_453], %get3A_473 : memref<8x8x129xf32, #tpu.memory_space<vmem>>[vector<16xi32>, vector<16xi32>, vector<16xi32>], vector<16xf32>,
      %add3A_474 = arith.constant 2 : i32
      %add3A_475 = arith.addi %mul3A_429, %add3A_474 : i32
      %broadcast_in_dim3A_476 = vector.broadcast %add3A_475 : i32 to vector<16xi32>
      %add3A_477 = arith.constant 2 : i32
      %add3A_478 = arith.addi %mul3A_429, %add3A_477 : i32
      %get3A_479 = arith.index_cast %add3A_478 : i32 to index
      %get3A_480 = arith.constant 0 : index
      %get3A_481 = tpu.vector_load %arg6[%get3A_479, %get3A_480] {strides = array<i32>} : memref<128x64xf32, #tpu.memory_space<vmem>>, vector<16xf32>,
      tpu.vector_store_idx %arg8[%shift_right_arithmetic3A_16, %and3A_27, %broadcast_in_dim3A_476], %get3A_481 : memref<8x8x129xf32, #tpu.memory_space<vmem>>[vector<16xi32>, vector<16xi32>, vector<16xi32>], vector<16xf32>,
      %add3A_482 = arith.constant 2 : i32
      %add3A_483 = arith.addi %mul3A_429, %add3A_482 : i32
      %get3A_484 = arith.index_cast %add3A_483 : i32 to index
      %get3A_485 = arith.constant 16 : index
      %get3A_486 = tpu.vector_load %arg6[%get3A_484, %get3A_485] {strides = array<i32>} : memref<128x64xf32, #tpu.memory_space<vmem>>, vector<16xf32>,
      tpu.vector_store_idx %arg8[%shift_right_arithmetic3A_19, %and3A_30, %broadcast_in_dim3A_476], %get3A_486 : memref<8x8x129xf32, #tpu.memory_space<vmem>>[vector<16xi32>, vector<16xi32>, vector<16xi32>], vector<16xf32>,
      %add3A_487 = arith.constant 2 : i32
      %add3A_488 = arith.addi %mul3A_429, %add3A_487 : i32
      %get3A_489 = arith.index_cast %add3A_488 : i32 to index
      %get3A_490 = arith.constant 32 : index
      %get3A_491 = tpu.vector_load %arg6[%get3A_489, %get3A_490] {strides = array<i32>} : memref<128x64xf32, #tpu.memory_space<vmem>>, vector<16xf32>,
      tpu.vector_store_idx %arg8[%shift_right_arithmetic3A_22, %and3A_33, %broadcast_in_dim3A_476], %get3A_491 : memref<8x8x129xf32, #tpu.memory_space<vmem>>[vector<16xi32>, vector<16xi32>, vector<16xi32>], vector<16xf32>,
      %add3A_492 = arith.constant 2 : i32
      %add3A_493 = arith.addi %mul3A_429, %add3A_492 : i32
      %get3A_494 = arith.index_cast %add3A_493 : i32 to index
      %get3A_495 = arith.constant 48 : index
      %get3A_496 = tpu.vector_load %arg6[%get3A_494, %get3A_495] {strides = array<i32>} : memref<128x64xf32, #tpu.memory_space<vmem>>, vector<16xf32>,
      tpu.vector_store_idx %arg8[%shift_right_arithmetic3A_25, %and3A_36, %broadcast_in_dim3A_476], %get3A_496 : memref<8x8x129xf32, #tpu.memory_space<vmem>>[vector<16xi32>, vector<16xi32>, vector<16xi32>], vector<16xf32>,
      %add3A_497 = arith.constant 3 : i32
      %add3A_498 = arith.addi %mul3A_429, %add3A_497 : i32
      %broadcast_in_dim3A_499 = vector.broadcast %add3A_498 : i32 to vector<16xi32>
      %add3A_500 = arith.constant 3 : i32
      %add3A_501 = arith.addi %mul3A_429, %add3A_500 : i32
      %get3A_502 = arith.index_cast %add3A_501 : i32 to index
      %get3A_503 = arith.constant 0 : index
      %get3A_504 = tpu.vector_load %arg6[%get3A_502, %get3A_503] {strides = array<i32>} : memref<128x64xf32, #tpu.memory_space<vmem>>, vector<16xf32>,
      tpu.vector_store_idx %arg8[%shift_right_arithmetic3A_16, %and3A_27, %broadcast_in_dim3A_499], %get3A_504 : memref<8x8x129xf32, #tpu.memory_space<vmem>>[vector<16xi32>, vector<16xi32>, vector<16xi32>], vector<16xf32>,
      %add3A_505 = arith.constant 3 : i32
      %add3A_506 = arith.addi %mul3A_429, %add3A_505 : i32
      %get3A_507 = arith.index_cast %add3A_506 : i32 to index
      %get3A_508 = arith.constant 16 : index
      %get3A_509 = tpu.vector_load %arg6[%get3A_507, %get3A_508] {strides = array<i32>} : memref<128x64xf32, #tpu.memory_space<vmem>>, vector<16xf32>,
      tpu.vector_store_idx %arg8[%shift_right_arithmetic3A_19, %and3A_30, %broadcast_in_dim3A_499], %get3A_509 : memref<8x8x129xf32, #tpu.memory_space<vmem>>[vector<16xi32>, vector<16xi32>, vector<16xi32>], vector<16xf32>,
      %add3A_510 = arith.constant 3 : i32
      %add3A_511 = arith.addi %mul3A_429, %add3A_510 : i32
      %get3A_512 = arith.index_cast %add3A_511 : i32 to index
      %get3A_513 = arith.constant 32 : index
      %get3A_514 = tpu.vector_load %arg6[%get3A_512, %get3A_513] {strides = array<i32>} : memref<128x64xf32, #tpu.memory_space<vmem>>, vector<16xf32>,
      tpu.vector_store_idx %arg8[%shift_right_arithmetic3A_22, %and3A_33, %broadcast_in_dim3A_499], %get3A_514 : memref<8x8x129xf32, #tpu.memory_space<vmem>>[vector<16xi32>, vector<16xi32>, vector<16xi32>], vector<16xf32>,
      %add3A_515 = arith.constant 3 : i32
      %add3A_516 = arith.addi %mul3A_429, %add3A_515 : i32
      %get3A_517 = arith.index_cast %add3A_516 : i32 to index
      %get3A_518 = arith.constant 48 : index
      %get3A_519 = tpu.vector_load %arg6[%get3A_517, %get3A_518] {strides = array<i32>} : memref<128x64xf32, #tpu.memory_space<vmem>>, vector<16xf32>,
      tpu.vector_store_idx %arg8[%shift_right_arithmetic3A_25, %and3A_36, %broadcast_in_dim3A_499], %get3A_519 : memref<8x8x129xf32, #tpu.memory_space<vmem>>[vector<16xi32>, vector<16xi32>, vector<16xi32>], vector<16xf32>,
    }
    %scan3A_59 = arith.constant 32 : i32
    %add3A_60 = arith.constant 0 : i32
    %add3A_61 = arith.addi %mul3A_2, %add3A_60 : i32
    %jit3A = arith.constant 128 : i32
    %div3A = arith.divsi %add3A_61, %jit3A : i32
    %sign3A = arith.constant 0 : i32
    %sign3A_62 = arith.cmpi sgt, %add3A_61, %sign3A : i32
    %sign3A_63 = arith.extui %sign3A_62 : i1 to i32
    %sign3A_64 = arith.constant 0 : i32
    %sign3A_65 = arith.cmpi slt, %add3A_61, %sign3A_64 : i32
    %sign3A_66 = arith.extui %sign3A_65 : i1 to i32
    %sign3A_67 = arith.subi %sign3A_63, %sign3A_66 : i32
    %sign3A_68 = arith.constant 0 : i32
    %sign3A_69 = arith.cmpi sgt, %jit3A, %sign3A_68 : i32
    %sign3A_70 = arith.extui %sign3A_69 : i1 to i32
    %sign3A_71 = arith.constant 0 : i32
    %sign3A_72 = arith.cmpi slt, %jit3A, %sign3A_71 : i32
    %sign3A_73 = arith.extui %sign3A_72 : i1 to i32
    %sign3A_74 = arith.subi %sign3A_70, %sign3A_73 : i32
    %ne3A = arith.cmpi ne, %sign3A_67, %sign3A_74 : i32
    %rem3A = arith.remsi %add3A_61, %jit3A : i32
    %ne3A_75 = arith.constant 0 : i32
    %ne3A_76 = arith.cmpi ne, %rem3A, %ne3A_75 : i32
    %and3A_77 = arith.andi %ne3A, %ne3A_76 : i1
    %sub3A = arith.constant 1 : i32
    %sub3A_78 = arith.subi %div3A, %sub3A : i32
    %select_n3A = arith.select %and3A_77, %sub3A_78, %div3A : i32
    %jit3A_79 = arith.constant 128 : i32
    %eq3A = arith.constant 0 : i32
    %eq3A_80 = arith.cmpi eq, %jit3A_79, %eq3A : i32
    %jit3A_81 = arith.constant 1 : i32
    %select_n3A_82 = arith.select %eq3A_80, %jit3A_81, %jit3A_79 : i32
    %rem3A_83 = arith.remsi %add3A_61, %select_n3A_82 : i32
    %ne3A_84 = arith.constant 0 : i32
    %ne3A_85 = arith.cmpi ne, %rem3A_83, %ne3A_84 : i32
    %lt3A = arith.constant 0 : i32
    %lt3A_86 = arith.cmpi slt, %rem3A_83, %lt3A : i32
    %lt3A_87 = arith.constant 0 : i32
    %lt3A_88 = arith.cmpi slt, %select_n3A_82, %lt3A_87 : i32
    %ne3A_89 = arith.xori %lt3A_86, %lt3A_88 : i1
    %and3A_90 = arith.andi %ne3A_89, %ne3A_85 : i1
    %add3A_91 = arith.addi %rem3A_83, %select_n3A_82 : i32
    %select_n3A_92 = arith.select %and3A_90, %add3A_91, %rem3A_83 : i32
    %dma_start3A_93 = arith.constant 0 : i32
    %dma_start3A_94 = arith.constant 0 : i32
    %dma_start3A_95 = arith.constant 0 : i32
    %dma_start3A_96 = tpu.memref_slice %arg8[%dma_start3A_93, %dma_start3A_94, %dma_start3A_95] : memref<8x8x129xf32, #tpu.memory_space<vmem>> -> memref<8x8x128xf32, #tpu.memory_space<vmem>>
    %dma_start3A_97 = arith.constant 0 : i32
    %dma_start3A_98 = arith.constant 0 : i32
    %dma_start3A_99 = arith.constant 0 : i32
    %dma_start3A_100 = tpu.memref_slice %arg4[%select_n3A, %dma_start3A_97, %select_n3A_92, %dma_start3A_98, %dma_start3A_99] : memref<50x8x128x8x128xf32, #tpu.memory_space<hbm>> -> memref<1x8x1x8x128xf32, #tpu.memory_space<hbm>>
    %dma_start3A_101 = tpu.memref_squeeze %dma_start3A_100 : memref<1x8x1x8x128xf32, #tpu.memory_space<hbm>> -> memref<8x8x128xf32, #tpu.memory_space<hbm>>
    %dma_start3A_102 = arith.constant 0 : i32
    %dma_start3A_103 = arith.constant 0 : i32
    %dma_start3A_104 = arith.constant 0 : i32
    %dma_start3A_105 = tpu.memref_slice %arg4[%select_n3A, %dma_start3A_102, %select_n3A_92, %dma_start3A_103, %dma_start3A_104] : memref<50x8x128x8x128xf32, #tpu.memory_space<hbm>> -> memref<1x8x1x8x128xf32, #tpu.memory_space<hbm>>
    %dma_start3A_106 = tpu.memref_squeeze %dma_start3A_105 : memref<1x8x1x8x128xf32, #tpu.memory_space<hbm>> -> memref<8x8x128xf32, #tpu.memory_space<hbm>>
    %dma_start3A_107 = arith.constant 0 : i32
    %dma_start3A_108 = arith.constant 0 : i32
    %dma_start3A_109 = arith.constant 0 : i32
    %dma_start3A_110 = tpu.memref_slice %arg8[%dma_start3A_107, %dma_start3A_108, %dma_start3A_109] : memref<8x8x129xf32, #tpu.memory_space<vmem>> -> memref<8x8x128xf32, #tpu.memory_space<vmem>>
    tpu.enqueue_dma source(%dma_start3A_110 : memref<8x8x128xf32, #tpu.memory_space<vmem>>) target(%dma_start3A_106 : memref<8x8x128xf32, #tpu.memory_space<hbm>>) target_semaphore(%arg12 : memref<!tpu.dma_semaphore, #tpu.memory_space<semaphore_mem>>)
    %dma_wait3A_111 = arith.constant 0 : i32
    %dma_wait3A_112 = arith.constant 0 : i32
    %dma_wait3A_113 = tpu.memref_slice %arg2[%dma_wait3A_111, %dma_wait3A_112] : memref<2000000x64xf32, #tpu.memory_space<hbm>> -> memref<128x64xf32, #tpu.memory_space<hbm>>
    %dma_wait3A_114 = arith.constant 0 : i32
    %dma_wait3A_115 = arith.constant 0 : i32
    %dma_wait3A_116 = tpu.memref_slice %arg2[%dma_wait3A_114, %dma_wait3A_115] : memref<2000000x64xf32, #tpu.memory_space<hbm>> -> memref<128x64xf32, #tpu.memory_space<hbm>>
    tpu.wait_dma2 semaphore(%arg11 : memref<!tpu.dma_semaphore, #tpu.memory_space<semaphore_mem>>) src(%dma_wait3A_116 : memref<128x64xf32, #tpu.memory_space<hbm>>) dst(%arg7 : memref<128x64xf32, #tpu.memory_space<vmem>>)
    %scan3A_117 = arith.constant 0 : i32
    %scan3A_118 = arith.constant 0 : i32
    %scan3A_119 = arith.constant 32 : i32
    %scan3A_120 = arith.addi %scan3A_118, %scan3A_119 : i32
    %scan3A_121 = arith.constant 1 : i32
    scf.for %scan3A_427 = %scan3A_118 to %scan3A_120 step %scan3A_121  : i32 {
      %mul3A_428 = arith.constant 4 : i32
      %mul3A_429 = arith.muli %scan3A_427, %mul3A_428 : i32
      %add3A_430 = arith.constant 0 : i32
      %add3A_431 = arith.addi %mul3A_429, %add3A_430 : i32
      %broadcast_in_dim3A = vector.broadcast %add3A_431 : i32 to vector<16xi32>
      %add3A_432 = arith.constant 0 : i32
      %add3A_433 = arith.addi %mul3A_429, %add3A_432 : i32
      %get3A = arith.index_cast %add3A_433 : i32 to index
      %get3A_434 = arith.constant 0 : index
      %get3A_435 = tpu.vector_load %arg7[%get3A, %get3A_434] {strides = array<i32>} : memref<128x64xf32, #tpu.memory_space<vmem>>, vector<16xf32>,
      tpu.vector_store_idx %arg9[%shift_right_arithmetic3A_16, %and3A_27, %broadcast_in_dim3A], %get3A_435 : memref<8x8x129xf32, #tpu.memory_space<vmem>>[vector<16xi32>, vector<16xi32>, vector<16xi32>], vector<16xf32>,
      %add3A_436 = arith.constant 0 : i32
      %add3A_437 = arith.addi %mul3A_429, %add3A_436 : i32
      %get3A_438 = arith.index_cast %add3A_437 : i32 to index
      %get3A_439 = arith.constant 16 : index
      %get3A_440 = tpu.vector_load %arg7[%get3A_438, %get3A_439] {strides = array<i32>} : memref<128x64xf32, #tpu.memory_space<vmem>>, vector<16xf32>,
      tpu.vector_store_idx %arg9[%shift_right_arithmetic3A_19, %and3A_30, %broadcast_in_dim3A], %get3A_440 : memref<8x8x129xf32, #tpu.memory_space<vmem>>[vector<16xi32>, vector<16xi32>, vector<16xi32>], vector<16xf32>,
      %add3A_441 = arith.constant 0 : i32
      %add3A_442 = arith.addi %mul3A_429, %add3A_441 : i32
      %get3A_443 = arith.index_cast %add3A_442 : i32 to index
      %get3A_444 = arith.constant 32 : index
      %get3A_445 = tpu.vector_load %arg7[%get3A_443, %get3A_444] {strides = array<i32>} : memref<128x64xf32, #tpu.memory_space<vmem>>, vector<16xf32>,
      tpu.vector_store_idx %arg9[%shift_right_arithmetic3A_22, %and3A_33, %broadcast_in_dim3A], %get3A_445 : memref<8x8x129xf32, #tpu.memory_space<vmem>>[vector<16xi32>, vector<16xi32>, vector<16xi32>], vector<16xf32>,
      %add3A_446 = arith.constant 0 : i32
      %add3A_447 = arith.addi %mul3A_429, %add3A_446 : i32
      %get3A_448 = arith.index_cast %add3A_447 : i32 to index
      %get3A_449 = arith.constant 48 : index
      %get3A_450 = tpu.vector_load %arg7[%get3A_448, %get3A_449] {strides = array<i32>} : memref<128x64xf32, #tpu.memory_space<vmem>>, vector<16xf32>,
      tpu.vector_store_idx %arg9[%shift_right_arithmetic3A_25, %and3A_36, %broadcast_in_dim3A], %get3A_450 : memref<8x8x129xf32, #tpu.memory_space<vmem>>[vector<16xi32>, vector<16xi32>, vector<16xi32>], vector<16xf32>,
      %add3A_451 = arith.constant 1 : i32
      %add3A_452 = arith.addi %mul3A_429, %add3A_451 : i32
      %broadcast_in_dim3A_453 = vector.broadcast %add3A_452 : i32 to vector<16xi32>
      %add3A_454 = arith.constant 1 : i32
      %add3A_455 = arith.addi %mul3A_429, %add3A_454 : i32
      %get3A_456 = arith.index_cast %add3A_455 : i32 to index
      %get3A_457 = arith.constant 0 : index
      %get3A_458 = tpu.vector_load %arg7[%get3A_456, %get3A_457] {strides = array<i32>} : memref<128x64xf32, #tpu.memory_space<vmem>>, vector<16xf32>,
      tpu.vector_store_idx %arg9[%shift_right_arithmetic3A_16, %and3A_27, %broadcast_in_dim3A_453], %get3A_458 : memref<8x8x129xf32, #tpu.memory_space<vmem>>[vector<16xi32>, vector<16xi32>, vector<16xi32>], vector<16xf32>,
      %add3A_459 = arith.constant 1 : i32
      %add3A_460 = arith.addi %mul3A_429, %add3A_459 : i32
      %get3A_461 = arith.index_cast %add3A_460 : i32 to index
      %get3A_462 = arith.constant 16 : index
      %get3A_463 = tpu.vector_load %arg7[%get3A_461, %get3A_462] {strides = array<i32>} : memref<128x64xf32, #tpu.memory_space<vmem>>, vector<16xf32>,
      tpu.vector_store_idx %arg9[%shift_right_arithmetic3A_19, %and3A_30, %broadcast_in_dim3A_453], %get3A_463 : memref<8x8x129xf32, #tpu.memory_space<vmem>>[vector<16xi32>, vector<16xi32>, vector<16xi32>], vector<16xf32>,
      %add3A_464 = arith.constant 1 : i32
      %add3A_465 = arith.addi %mul3A_429, %add3A_464 : i32
      %get3A_466 = arith.index_cast %add3A_465 : i32 to index
      %get3A_467 = arith.constant 32 : index
      %get3A_468 = tpu.vector_load %arg7[%get3A_466, %get3A_467] {strides = array<i32>} : memref<128x64xf32, #tpu.memory_space<vmem>>, vector<16xf32>,
      tpu.vector_store_idx %arg9[%shift_right_arithmetic3A_22, %and3A_33, %broadcast_in_dim3A_453], %get3A_468 : memref<8x8x129xf32, #tpu.memory_space<vmem>>[vector<16xi32>, vector<16xi32>, vector<16xi32>], vector<16xf32>,
      %add3A_469 = arith.constant 1 : i32
      %add3A_470 = arith.addi %mul3A_429, %add3A_469 : i32
      %get3A_471 = arith.index_cast %add3A_470 : i32 to index
      %get3A_472 = arith.constant 48 : index
      %get3A_473 = tpu.vector_load %arg7[%get3A_471, %get3A_472] {strides = array<i32>} : memref<128x64xf32, #tpu.memory_space<vmem>>, vector<16xf32>,
      tpu.vector_store_idx %arg9[%shift_right_arithmetic3A_25, %and3A_36, %broadcast_in_dim3A_453], %get3A_473 : memref<8x8x129xf32, #tpu.memory_space<vmem>>[vector<16xi32>, vector<16xi32>, vector<16xi32>], vector<16xf32>,
      %add3A_474 = arith.constant 2 : i32
      %add3A_475 = arith.addi %mul3A_429, %add3A_474 : i32
      %broadcast_in_dim3A_476 = vector.broadcast %add3A_475 : i32 to vector<16xi32>
      %add3A_477 = arith.constant 2 : i32
      %add3A_478 = arith.addi %mul3A_429, %add3A_477 : i32
      %get3A_479 = arith.index_cast %add3A_478 : i32 to index
      %get3A_480 = arith.constant 0 : index
      %get3A_481 = tpu.vector_load %arg7[%get3A_479, %get3A_480] {strides = array<i32>} : memref<128x64xf32, #tpu.memory_space<vmem>>, vector<16xf32>,
      tpu.vector_store_idx %arg9[%shift_right_arithmetic3A_16, %and3A_27, %broadcast_in_dim3A_476], %get3A_481 : memref<8x8x129xf32, #tpu.memory_space<vmem>>[vector<16xi32>, vector<16xi32>, vector<16xi32>], vector<16xf32>,
      %add3A_482 = arith.constant 2 : i32
      %add3A_483 = arith.addi %mul3A_429, %add3A_482 : i32
      %get3A_484 = arith.index_cast %add3A_483 : i32 to index
      %get3A_485 = arith.constant 16 : index
      %get3A_486 = tpu.vector_load %arg7[%get3A_484, %get3A_485] {strides = array<i32>} : memref<128x64xf32, #tpu.memory_space<vmem>>, vector<16xf32>,
      tpu.vector_store_idx %arg9[%shift_right_arithmetic3A_19, %and3A_30, %broadcast_in_dim3A_476], %get3A_486 : memref<8x8x129xf32, #tpu.memory_space<vmem>>[vector<16xi32>, vector<16xi32>, vector<16xi32>], vector<16xf32>,
      %add3A_487 = arith.constant 2 : i32
      %add3A_488 = arith.addi %mul3A_429, %add3A_487 : i32
      %get3A_489 = arith.index_cast %add3A_488 : i32 to index
      %get3A_490 = arith.constant 32 : index
      %get3A_491 = tpu.vector_load %arg7[%get3A_489, %get3A_490] {strides = array<i32>} : memref<128x64xf32, #tpu.memory_space<vmem>>, vector<16xf32>,
      tpu.vector_store_idx %arg9[%shift_right_arithmetic3A_22, %and3A_33, %broadcast_in_dim3A_476], %get3A_491 : memref<8x8x129xf32, #tpu.memory_space<vmem>>[vector<16xi32>, vector<16xi32>, vector<16xi32>], vector<16xf32>,
      %add3A_492 = arith.constant 2 : i32
      %add3A_493 = arith.addi %mul3A_429, %add3A_492 : i32
      %get3A_494 = arith.index_cast %add3A_493 : i32 to index
      %get3A_495 = arith.constant 48 : index
      %get3A_496 = tpu.vector_load %arg7[%get3A_494, %get3A_495] {strides = array<i32>} : memref<128x64xf32, #tpu.memory_space<vmem>>, vector<16xf32>,
      tpu.vector_store_idx %arg9[%shift_right_arithmetic3A_25, %and3A_36, %broadcast_in_dim3A_476], %get3A_496 : memref<8x8x129xf32, #tpu.memory_space<vmem>>[vector<16xi32>, vector<16xi32>, vector<16xi32>], vector<16xf32>,
      %add3A_497 = arith.constant 3 : i32
      %add3A_498 = arith.addi %mul3A_429, %add3A_497 : i32
      %broadcast_in_dim3A_499 = vector.broadcast %add3A_498 : i32 to vector<16xi32>
      %add3A_500 = arith.constant 3 : i32
      %add3A_501 = arith.addi %mul3A_429, %add3A_500 : i32
      %get3A_502 = arith.index_cast %add3A_501 : i32 to index
      %get3A_503 = arith.constant 0 : index
      %get3A_504 = tpu.vector_load %arg7[%get3A_502, %get3A_503] {strides = array<i32>} : memref<128x64xf32, #tpu.memory_space<vmem>>, vector<16xf32>,
      tpu.vector_store_idx %arg9[%shift_right_arithmetic3A_16, %and3A_27, %broadcast_in_dim3A_499], %get3A_504 : memref<8x8x129xf32, #tpu.memory_space<vmem>>[vector<16xi32>, vector<16xi32>, vector<16xi32>], vector<16xf32>,
      %add3A_505 = arith.constant 3 : i32
      %add3A_506 = arith.addi %mul3A_429, %add3A_505 : i32
      %get3A_507 = arith.index_cast %add3A_506 : i32 to index
      %get3A_508 = arith.constant 16 : index
      %get3A_509 = tpu.vector_load %arg7[%get3A_507, %get3A_508] {strides = array<i32>} : memref<128x64xf32, #tpu.memory_space<vmem>>, vector<16xf32>,
      tpu.vector_store_idx %arg9[%shift_right_arithmetic3A_19, %and3A_30, %broadcast_in_dim3A_499], %get3A_509 : memref<8x8x129xf32, #tpu.memory_space<vmem>>[vector<16xi32>, vector<16xi32>, vector<16xi32>], vector<16xf32>,
      %add3A_510 = arith.constant 3 : i32
      %add3A_511 = arith.addi %mul3A_429, %add3A_510 : i32
      %get3A_512 = arith.index_cast %add3A_511 : i32 to index
      %get3A_513 = arith.constant 32 : index
      %get3A_514 = tpu.vector_load %arg7[%get3A_512, %get3A_513] {strides = array<i32>} : memref<128x64xf32, #tpu.memory_space<vmem>>, vector<16xf32>,
      tpu.vector_store_idx %arg9[%shift_right_arithmetic3A_22, %and3A_33, %broadcast_in_dim3A_499], %get3A_514 : memref<8x8x129xf32, #tpu.memory_space<vmem>>[vector<16xi32>, vector<16xi32>, vector<16xi32>], vector<16xf32>,
      %add3A_515 = arith.constant 3 : i32
      %add3A_516 = arith.addi %mul3A_429, %add3A_515 : i32
      %get3A_517 = arith.index_cast %add3A_516 : i32 to index
      %get3A_518 = arith.constant 48 : index
      %get3A_519 = tpu.vector_load %arg7[%get3A_517, %get3A_518] {strides = array<i32>} : memref<128x64xf32, #tpu.memory_space<vmem>>, vector<16xf32>,
      tpu.vector_store_idx %arg9[%shift_right_arithmetic3A_25, %and3A_36, %broadcast_in_dim3A_499], %get3A_519 : memref<8x8x129xf32, #tpu.memory_space<vmem>>[vector<16xi32>, vector<16xi32>, vector<16xi32>], vector<16xf32>,
    }
    %scan3A_122 = arith.constant 32 : i32
    %add3A_123 = arith.constant 1 : i32
    %add3A_124 = arith.addi %mul3A_2, %add3A_123 : i32
    %jit3A_125 = arith.constant 128 : i32
    %div3A_126 = arith.divsi %add3A_124, %jit3A_125 : i32
    %sign3A_127 = arith.constant 0 : i32
    %sign3A_128 = arith.cmpi sgt, %add3A_124, %sign3A_127 : i32
    %sign3A_129 = arith.extui %sign3A_128 : i1 to i32
    %sign3A_130 = arith.constant 0 : i32
    %sign3A_131 = arith.cmpi slt, %add3A_124, %sign3A_130 : i32
    %sign3A_132 = arith.extui %sign3A_131 : i1 to i32
    %sign3A_133 = arith.subi %sign3A_129, %sign3A_132 : i32
    %sign3A_134 = arith.constant 0 : i32
    %sign3A_135 = arith.cmpi sgt, %jit3A_125, %sign3A_134 : i32
    %sign3A_136 = arith.extui %sign3A_135 : i1 to i32
    %sign3A_137 = arith.constant 0 : i32
    %sign3A_138 = arith.cmpi slt, %jit3A_125, %sign3A_137 : i32
    %sign3A_139 = arith.extui %sign3A_138 : i1 to i32
    %sign3A_140 = arith.subi %sign3A_136, %sign3A_139 : i32
    %ne3A_141 = arith.cmpi ne, %sign3A_133, %sign3A_140 : i32
    %rem3A_142 = arith.remsi %add3A_124, %jit3A_125 : i32
    %ne3A_143 = arith.constant 0 : i32
    %ne3A_144 = arith.cmpi ne, %rem3A_142, %ne3A_143 : i32
    %and3A_145 = arith.andi %ne3A_141, %ne3A_144 : i1
    %sub3A_146 = arith.constant 1 : i32
    %sub3A_147 = arith.subi %div3A_126, %sub3A_146 : i32
    %select_n3A_148 = arith.select %and3A_145, %sub3A_147, %div3A_126 : i32
    %jit3A_149 = arith.constant 128 : i32
    %eq3A_150 = arith.constant 0 : i32
    %eq3A_151 = arith.cmpi eq, %jit3A_149, %eq3A_150 : i32
    %jit3A_152 = arith.constant 1 : i32
    %select_n3A_153 = arith.select %eq3A_151, %jit3A_152, %jit3A_149 : i32
    %rem3A_154 = arith.remsi %add3A_124, %select_n3A_153 : i32
    %ne3A_155 = arith.constant 0 : i32
    %ne3A_156 = arith.cmpi ne, %rem3A_154, %ne3A_155 : i32
    %lt3A_157 = arith.constant 0 : i32
    %lt3A_158 = arith.cmpi slt, %rem3A_154, %lt3A_157 : i32
    %lt3A_159 = arith.constant 0 : i32
    %lt3A_160 = arith.cmpi slt, %select_n3A_153, %lt3A_159 : i32
    %ne3A_161 = arith.xori %lt3A_158, %lt3A_160 : i1
    %and3A_162 = arith.andi %ne3A_161, %ne3A_156 : i1
    %add3A_163 = arith.addi %rem3A_154, %select_n3A_153 : i32
    %select_n3A_164 = arith.select %and3A_162, %add3A_163, %rem3A_154 : i32
    %dma_start3A_165 = arith.constant 0 : i32
    %dma_start3A_166 = arith.constant 0 : i32
    %dma_start3A_167 = arith.constant 0 : i32
    %dma_start3A_168 = tpu.memref_slice %arg9[%dma_start3A_165, %dma_start3A_166, %dma_start3A_167] : memref<8x8x129xf32, #tpu.memory_space<vmem>> -> memref<8x8x128xf32, #tpu.memory_space<vmem>>
    %dma_start3A_169 = arith.constant 0 : i32
    %dma_start3A_170 = arith.constant 0 : i32
    %dma_start3A_171 = arith.constant 0 : i32
    %dma_start3A_172 = tpu.memref_slice %arg4[%select_n3A_148, %dma_start3A_169, %select_n3A_164, %dma_start3A_170, %dma_start3A_171] : memref<50x8x128x8x128xf32, #tpu.memory_space<hbm>> -> memref<1x8x1x8x128xf32, #tpu.memory_space<hbm>>
    %dma_start3A_173 = tpu.memref_squeeze %dma_start3A_172 : memref<1x8x1x8x128xf32, #tpu.memory_space<hbm>> -> memref<8x8x128xf32, #tpu.memory_space<hbm>>
    %dma_start3A_174 = arith.constant 0 : i32
    %dma_start3A_175 = arith.constant 0 : i32
    %dma_start3A_176 = arith.constant 0 : i32
    %dma_start3A_177 = tpu.memref_slice %arg4[%select_n3A_148, %dma_start3A_174, %select_n3A_164, %dma_start3A_175, %dma_start3A_176] : memref<50x8x128x8x128xf32, #tpu.memory_space<hbm>> -> memref<1x8x1x8x128xf32, #tpu.memory_space<hbm>>
    %dma_start3A_178 = tpu.memref_squeeze %dma_start3A_177 : memref<1x8x1x8x128xf32, #tpu.memory_space<hbm>> -> memref<8x8x128xf32, #tpu.memory_space<hbm>>
    %dma_start3A_179 = arith.constant 0 : i32
    %dma_start3A_180 = arith.constant 0 : i32
    %dma_start3A_181 = arith.constant 0 : i32
    %dma_start3A_182 = tpu.memref_slice %arg9[%dma_start3A_179, %dma_start3A_180, %dma_start3A_181] : memref<8x8x129xf32, #tpu.memory_space<vmem>> -> memref<8x8x128xf32, #tpu.memory_space<vmem>>
    tpu.enqueue_dma source(%dma_start3A_182 : memref<8x8x128xf32, #tpu.memory_space<vmem>>) target(%dma_start3A_178 : memref<8x8x128xf32, #tpu.memory_space<hbm>>) target_semaphore(%arg13 : memref<!tpu.dma_semaphore, #tpu.memory_space<semaphore_mem>>)
    %dma_start3A_183 = arith.constant 2 : i32
    %dma_start3A_184 = arith.constant 0 : i32
    %dma_start3A_185 = tpu.memref_slice %arg5[%dma_start3A_183, %dma_start3A_184] : memref<200x128xi32, #tpu.memory_space<vmem>> -> memref<1x128xi32, #tpu.memory_space<vmem>>
    %dma_start3A_186 = tpu.memref_squeeze %dma_start3A_185 : memref<1x128xi32, #tpu.memory_space<vmem>> -> memref<128xi32, #tpu.memory_space<vmem>>
    %dma_start3A_187 = arith.constant 0 : i32
    %dma_start3A_188 = arith.constant 0 : i32
    %dma_start3A_189 = tpu.memref_slice %arg2[%dma_start3A_187, %dma_start3A_188] : memref<2000000x64xf32, #tpu.memory_space<hbm>> -> memref<2000000x64xf32, #tpu.memory_space<hbm>>
    tpu.enqueue_indirect_dma source(%dma_start3A_189 : memref<2000000x64xf32, #tpu.memory_space<hbm>>) target(%arg6 : memref<128x64xf32, #tpu.memory_space<vmem>>) offsets(%dma_start3A_186 : memref<128xi32, #tpu.memory_space<vmem>>) semaphore(%arg10 : memref<!tpu.dma_semaphore, #tpu.memory_space<semaphore_mem>>)
    %dma_start3A_190 = arith.constant 3 : i32
    %dma_start3A_191 = arith.constant 0 : i32
    %dma_start3A_192 = tpu.memref_slice %arg5[%dma_start3A_190, %dma_start3A_191] : memref<200x128xi32, #tpu.memory_space<vmem>> -> memref<1x128xi32, #tpu.memory_space<vmem>>
    %dma_start3A_193 = tpu.memref_squeeze %dma_start3A_192 : memref<1x128xi32, #tpu.memory_space<vmem>> -> memref<128xi32, #tpu.memory_space<vmem>>
    %dma_start3A_194 = arith.constant 0 : i32
    %dma_start3A_195 = arith.constant 0 : i32
    %dma_start3A_196 = tpu.memref_slice %arg2[%dma_start3A_194, %dma_start3A_195] : memref<2000000x64xf32, #tpu.memory_space<hbm>> -> memref<2000000x64xf32, #tpu.memory_space<hbm>>
    tpu.enqueue_indirect_dma source(%dma_start3A_196 : memref<2000000x64xf32, #tpu.memory_space<hbm>>) target(%arg7 : memref<128x64xf32, #tpu.memory_space<vmem>>) offsets(%dma_start3A_193 : memref<128xi32, #tpu.memory_space<vmem>>) semaphore(%arg11 : memref<!tpu.dma_semaphore, #tpu.memory_space<semaphore_mem>>)
    %scan3A_197 = arith.constant 0 : i32
    %scan3A_198 = arith.constant 1 : i32
    %scan3A_199 = arith.constant 98 : i32
    %scan3A_200 = arith.addi %scan3A_198, %scan3A_199 : i32
    %scan3A_201 = arith.constant 1 : i32
    scf.for %scan3A_427 = %scan3A_198 to %scan3A_200 step %scan3A_201  : i32 {
      %mul3A_428 = arith.constant 2 : i32
      %mul3A_429 = arith.muli %mul3A_428, %scan3A_427 : i32
      %dma_wait3A_430 = arith.constant 0 : i32
      %dma_wait3A_431 = arith.constant 0 : i32
      %dma_wait3A_432 = tpu.memref_slice %arg2[%dma_wait3A_430, %dma_wait3A_431] : memref<2000000x64xf32, #tpu.memory_space<hbm>> -> memref<128x64xf32, #tpu.memory_space<hbm>>
      %dma_wait3A_433 = arith.constant 0 : i32
      %dma_wait3A_434 = arith.constant 0 : i32
      %dma_wait3A_435 = tpu.memref_slice %arg2[%dma_wait3A_433, %dma_wait3A_434] : memref<2000000x64xf32, #tpu.memory_space<hbm>> -> memref<128x64xf32, #tpu.memory_space<hbm>>
      tpu.wait_dma2 semaphore(%arg10 : memref<!tpu.dma_semaphore, #tpu.memory_space<semaphore_mem>>) src(%dma_wait3A_435 : memref<128x64xf32, #tpu.memory_space<hbm>>) dst(%arg6 : memref<128x64xf32, #tpu.memory_space<vmem>>)
      %dma_wait3A_436 = arith.constant 0 : i32
      %dma_wait3A_437 = arith.constant 0 : i32
      %dma_wait3A_438 = arith.constant 0 : i32
      %dma_wait3A_439 = arith.constant 0 : i32
      %dma_wait3A_440 = arith.constant 0 : i32
      %dma_wait3A_441 = tpu.memref_slice %arg8[%dma_wait3A_438, %dma_wait3A_439, %dma_wait3A_440] : memref<8x8x129xf32, #tpu.memory_space<vmem>> -> memref<8x8x128xf32, #tpu.memory_space<vmem>>
      %dma_wait3A_442 = arith.constant 0 : i32
      %dma_wait3A_443 = arith.constant 0 : i32
      %dma_wait3A_444 = arith.constant 0 : i32
      %dma_wait3A_445 = tpu.memref_slice %arg4[%dma_wait3A_436, %dma_wait3A_442, %dma_wait3A_437, %dma_wait3A_443, %dma_wait3A_444] : memref<50x8x128x8x128xf32, #tpu.memory_space<hbm>> -> memref<1x8x1x8x128xf32, #tpu.memory_space<hbm>>
      %dma_wait3A_446 = tpu.memref_squeeze %dma_wait3A_445 : memref<1x8x1x8x128xf32, #tpu.memory_space<hbm>> -> memref<8x8x128xf32, #tpu.memory_space<hbm>>
      %dma_wait3A_447 = arith.constant 0 : i32
      %dma_wait3A_448 = arith.constant 0 : i32
      %dma_wait3A_449 = arith.constant 0 : i32
      %dma_wait3A_450 = tpu.memref_slice %arg8[%dma_wait3A_447, %dma_wait3A_448, %dma_wait3A_449] : memref<8x8x129xf32, #tpu.memory_space<vmem>> -> memref<8x8x128xf32, #tpu.memory_space<vmem>>
      %dma_wait3A_451 = arith.constant 0 : i32
      %dma_wait3A_452 = arith.constant 0 : i32
      %dma_wait3A_453 = arith.constant 0 : i32
      %dma_wait3A_454 = tpu.memref_slice %arg4[%dma_wait3A_436, %dma_wait3A_451, %dma_wait3A_437, %dma_wait3A_452, %dma_wait3A_453] : memref<50x8x128x8x128xf32, #tpu.memory_space<hbm>> -> memref<1x8x1x8x128xf32, #tpu.memory_space<hbm>>
      %dma_wait3A_455 = tpu.memref_squeeze %dma_wait3A_454 : memref<1x8x1x8x128xf32, #tpu.memory_space<hbm>> -> memref<8x8x128xf32, #tpu.memory_space<hbm>>
      tpu.wait_dma2 semaphore(%arg12 : memref<!tpu.dma_semaphore, #tpu.memory_space<semaphore_mem>>) src(%dma_wait3A_455 : memref<8x8x128xf32, #tpu.memory_space<hbm>>) dst(%dma_wait3A_450 : memref<8x8x128xf32, #tpu.memory_space<vmem>>)
      %scan3A_456 = arith.constant 0 : i32
      %scan3A_457 = arith.constant 0 : i32
      %scan3A_458 = arith.constant 32 : i32
      %scan3A_459 = arith.addi %scan3A_457, %scan3A_458 : i32
      %scan3A_460 = arith.constant 1 : i32
      scf.for %scan3A_630 = %scan3A_457 to %scan3A_459 step %scan3A_460  : i32 {
        %mul3A_631 = arith.constant 4 : i32
        %mul3A_632 = arith.muli %scan3A_630, %mul3A_631 : i32
        %add3A_633 = arith.constant 0 : i32
        %add3A_634 = arith.addi %mul3A_632, %add3A_633 : i32
        %broadcast_in_dim3A = vector.broadcast %add3A_634 : i32 to vector<16xi32>
        %add3A_635 = arith.constant 0 : i32
        %add3A_636 = arith.addi %mul3A_632, %add3A_635 : i32
        %get3A = arith.index_cast %add3A_636 : i32 to index
        %get3A_637 = arith.constant 0 : index
        %get3A_638 = tpu.vector_load %arg6[%get3A, %get3A_637] {strides = array<i32>} : memref<128x64xf32, #tpu.memory_space<vmem>>, vector<16xf32>,
        tpu.vector_store_idx %arg8[%shift_right_arithmetic3A_16, %and3A_27, %broadcast_in_dim3A], %get3A_638 : memref<8x8x129xf32, #tpu.memory_space<vmem>>[vector<16xi32>, vector<16xi32>, vector<16xi32>], vector<16xf32>,
        %add3A_639 = arith.constant 0 : i32
        %add3A_640 = arith.addi %mul3A_632, %add3A_639 : i32
        %get3A_641 = arith.index_cast %add3A_640 : i32 to index
        %get3A_642 = arith.constant 16 : index
        %get3A_643 = tpu.vector_load %arg6[%get3A_641, %get3A_642] {strides = array<i32>} : memref<128x64xf32, #tpu.memory_space<vmem>>, vector<16xf32>,
        tpu.vector_store_idx %arg8[%shift_right_arithmetic3A_19, %and3A_30, %broadcast_in_dim3A], %get3A_643 : memref<8x8x129xf32, #tpu.memory_space<vmem>>[vector<16xi32>, vector<16xi32>, vector<16xi32>], vector<16xf32>,
        %add3A_644 = arith.constant 0 : i32
        %add3A_645 = arith.addi %mul3A_632, %add3A_644 : i32
        %get3A_646 = arith.index_cast %add3A_645 : i32 to index
        %get3A_647 = arith.constant 32 : index
        %get3A_648 = tpu.vector_load %arg6[%get3A_646, %get3A_647] {strides = array<i32>} : memref<128x64xf32, #tpu.memory_space<vmem>>, vector<16xf32>,
        tpu.vector_store_idx %arg8[%shift_right_arithmetic3A_22, %and3A_33, %broadcast_in_dim3A], %get3A_648 : memref<8x8x129xf32, #tpu.memory_space<vmem>>[vector<16xi32>, vector<16xi32>, vector<16xi32>], vector<16xf32>,
        %add3A_649 = arith.constant 0 : i32
        %add3A_650 = arith.addi %mul3A_632, %add3A_649 : i32
        %get3A_651 = arith.index_cast %add3A_650 : i32 to index
        %get3A_652 = arith.constant 48 : index
        %get3A_653 = tpu.vector_load %arg6[%get3A_651, %get3A_652] {strides = array<i32>} : memref<128x64xf32, #tpu.memory_space<vmem>>, vector<16xf32>,
        tpu.vector_store_idx %arg8[%shift_right_arithmetic3A_25, %and3A_36, %broadcast_in_dim3A], %get3A_653 : memref<8x8x129xf32, #tpu.memory_space<vmem>>[vector<16xi32>, vector<16xi32>, vector<16xi32>], vector<16xf32>,
        %add3A_654 = arith.constant 1 : i32
        %add3A_655 = arith.addi %mul3A_632, %add3A_654 : i32
        %broadcast_in_dim3A_656 = vector.broadcast %add3A_655 : i32 to vector<16xi32>
        %add3A_657 = arith.constant 1 : i32
        %add3A_658 = arith.addi %mul3A_632, %add3A_657 : i32
        %get3A_659 = arith.index_cast %add3A_658 : i32 to index
        %get3A_660 = arith.constant 0 : index
        %get3A_661 = tpu.vector_load %arg6[%get3A_659, %get3A_660] {strides = array<i32>} : memref<128x64xf32, #tpu.memory_space<vmem>>, vector<16xf32>,
        tpu.vector_store_idx %arg8[%shift_right_arithmetic3A_16, %and3A_27, %broadcast_in_dim3A_656], %get3A_661 : memref<8x8x129xf32, #tpu.memory_space<vmem>>[vector<16xi32>, vector<16xi32>, vector<16xi32>], vector<16xf32>,
        %add3A_662 = arith.constant 1 : i32
        %add3A_663 = arith.addi %mul3A_632, %add3A_662 : i32
        %get3A_664 = arith.index_cast %add3A_663 : i32 to index
        %get3A_665 = arith.constant 16 : index
        %get3A_666 = tpu.vector_load %arg6[%get3A_664, %get3A_665] {strides = array<i32>} : memref<128x64xf32, #tpu.memory_space<vmem>>, vector<16xf32>,
        tpu.vector_store_idx %arg8[%shift_right_arithmetic3A_19, %and3A_30, %broadcast_in_dim3A_656], %get3A_666 : memref<8x8x129xf32, #tpu.memory_space<vmem>>[vector<16xi32>, vector<16xi32>, vector<16xi32>], vector<16xf32>,
        %add3A_667 = arith.constant 1 : i32
        %add3A_668 = arith.addi %mul3A_632, %add3A_667 : i32
        %get3A_669 = arith.index_cast %add3A_668 : i32 to index
        %get3A_670 = arith.constant 32 : index
        %get3A_671 = tpu.vector_load %arg6[%get3A_669, %get3A_670] {strides = array<i32>} : memref<128x64xf32, #tpu.memory_space<vmem>>, vector<16xf32>,
        tpu.vector_store_idx %arg8[%shift_right_arithmetic3A_22, %and3A_33, %broadcast_in_dim3A_656], %get3A_671 : memref<8x8x129xf32, #tpu.memory_space<vmem>>[vector<16xi32>, vector<16xi32>, vector<16xi32>], vector<16xf32>,
        %add3A_672 = arith.constant 1 : i32
        %add3A_673 = arith.addi %mul3A_632, %add3A_672 : i32
        %get3A_674 = arith.index_cast %add3A_673 : i32 to index
        %get3A_675 = arith.constant 48 : index
        %get3A_676 = tpu.vector_load %arg6[%get3A_674, %get3A_675] {strides = array<i32>} : memref<128x64xf32, #tpu.memory_space<vmem>>, vector<16xf32>,
        tpu.vector_store_idx %arg8[%shift_right_arithmetic3A_25, %and3A_36, %broadcast_in_dim3A_656], %get3A_676 : memref<8x8x129xf32, #tpu.memory_space<vmem>>[vector<16xi32>, vector<16xi32>, vector<16xi32>], vector<16xf32>,
        %add3A_677 = arith.constant 2 : i32
        %add3A_678 = arith.addi %mul3A_632, %add3A_677 : i32
        %broadcast_in_dim3A_679 = vector.broadcast %add3A_678 : i32 to vector<16xi32>
        %add3A_680 = arith.constant 2 : i32
        %add3A_681 = arith.addi %mul3A_632, %add3A_680 : i32
        %get3A_682 = arith.index_cast %add3A_681 : i32 to index
        %get3A_683 = arith.constant 0 : index
        %get3A_684 = tpu.vector_load %arg6[%get3A_682, %get3A_683] {strides = array<i32>} : memref<128x64xf32, #tpu.memory_space<vmem>>, vector<16xf32>,
        tpu.vector_store_idx %arg8[%shift_right_arithmetic3A_16, %and3A_27, %broadcast_in_dim3A_679], %get3A_684 : memref<8x8x129xf32, #tpu.memory_space<vmem>>[vector<16xi32>, vector<16xi32>, vector<16xi32>], vector<16xf32>,
        %add3A_685 = arith.constant 2 : i32
        %add3A_686 = arith.addi %mul3A_632, %add3A_685 : i32
        %get3A_687 = arith.index_cast %add3A_686 : i32 to index
        %get3A_688 = arith.constant 16 : index
        %get3A_689 = tpu.vector_load %arg6[%get3A_687, %get3A_688] {strides = array<i32>} : memref<128x64xf32, #tpu.memory_space<vmem>>, vector<16xf32>,
        tpu.vector_store_idx %arg8[%shift_right_arithmetic3A_19, %and3A_30, %broadcast_in_dim3A_679], %get3A_689 : memref<8x8x129xf32, #tpu.memory_space<vmem>>[vector<16xi32>, vector<16xi32>, vector<16xi32>], vector<16xf32>,
        %add3A_690 = arith.constant 2 : i32
        %add3A_691 = arith.addi %mul3A_632, %add3A_690 : i32
        %get3A_692 = arith.index_cast %add3A_691 : i32 to index
        %get3A_693 = arith.constant 32 : index
        %get3A_694 = tpu.vector_load %arg6[%get3A_692, %get3A_693] {strides = array<i32>} : memref<128x64xf32, #tpu.memory_space<vmem>>, vector<16xf32>,
        tpu.vector_store_idx %arg8[%shift_right_arithmetic3A_22, %and3A_33, %broadcast_in_dim3A_679], %get3A_694 : memref<8x8x129xf32, #tpu.memory_space<vmem>>[vector<16xi32>, vector<16xi32>, vector<16xi32>], vector<16xf32>,
        %add3A_695 = arith.constant 2 : i32
        %add3A_696 = arith.addi %mul3A_632, %add3A_695 : i32
        %get3A_697 = arith.index_cast %add3A_696 : i32 to index
        %get3A_698 = arith.constant 48 : index
        %get3A_699 = tpu.vector_load %arg6[%get3A_697, %get3A_698] {strides = array<i32>} : memref<128x64xf32, #tpu.memory_space<vmem>>, vector<16xf32>,
        tpu.vector_store_idx %arg8[%shift_right_arithmetic3A_25, %and3A_36, %broadcast_in_dim3A_679], %get3A_699 : memref<8x8x129xf32, #tpu.memory_space<vmem>>[vector<16xi32>, vector<16xi32>, vector<16xi32>], vector<16xf32>,
        %add3A_700 = arith.constant 3 : i32
        %add3A_701 = arith.addi %mul3A_632, %add3A_700 : i32
        %broadcast_in_dim3A_702 = vector.broadcast %add3A_701 : i32 to vector<16xi32>
        %add3A_703 = arith.constant 3 : i32
        %add3A_704 = arith.addi %mul3A_632, %add3A_703 : i32
        %get3A_705 = arith.index_cast %add3A_704 : i32 to index
        %get3A_706 = arith.constant 0 : index
        %get3A_707 = tpu.vector_load %arg6[%get3A_705, %get3A_706] {strides = array<i32>} : memref<128x64xf32, #tpu.memory_space<vmem>>, vector<16xf32>,
        tpu.vector_store_idx %arg8[%shift_right_arithmetic3A_16, %and3A_27, %broadcast_in_dim3A_702], %get3A_707 : memref<8x8x129xf32, #tpu.memory_space<vmem>>[vector<16xi32>, vector<16xi32>, vector<16xi32>], vector<16xf32>,
        %add3A_708 = arith.constant 3 : i32
        %add3A_709 = arith.addi %mul3A_632, %add3A_708 : i32
        %get3A_710 = arith.index_cast %add3A_709 : i32 to index
        %get3A_711 = arith.constant 16 : index
        %get3A_712 = tpu.vector_load %arg6[%get3A_710, %get3A_711] {strides = array<i32>} : memref<128x64xf32, #tpu.memory_space<vmem>>, vector<16xf32>,
        tpu.vector_store_idx %arg8[%shift_right_arithmetic3A_19, %and3A_30, %broadcast_in_dim3A_702], %get3A_712 : memref<8x8x129xf32, #tpu.memory_space<vmem>>[vector<16xi32>, vector<16xi32>, vector<16xi32>], vector<16xf32>,
        %add3A_713 = arith.constant 3 : i32
        %add3A_714 = arith.addi %mul3A_632, %add3A_713 : i32
        %get3A_715 = arith.index_cast %add3A_714 : i32 to index
        %get3A_716 = arith.constant 32 : index
        %get3A_717 = tpu.vector_load %arg6[%get3A_715, %get3A_716] {strides = array<i32>} : memref<128x64xf32, #tpu.memory_space<vmem>>, vector<16xf32>,
        tpu.vector_store_idx %arg8[%shift_right_arithmetic3A_22, %and3A_33, %broadcast_in_dim3A_702], %get3A_717 : memref<8x8x129xf32, #tpu.memory_space<vmem>>[vector<16xi32>, vector<16xi32>, vector<16xi32>], vector<16xf32>,
        %add3A_718 = arith.constant 3 : i32
        %add3A_719 = arith.addi %mul3A_632, %add3A_718 : i32
        %get3A_720 = arith.index_cast %add3A_719 : i32 to index
        %get3A_721 = arith.constant 48 : index
        %get3A_722 = tpu.vector_load %arg6[%get3A_720, %get3A_721] {strides = array<i32>} : memref<128x64xf32, #tpu.memory_space<vmem>>, vector<16xf32>,
        tpu.vector_store_idx %arg8[%shift_right_arithmetic3A_25, %and3A_36, %broadcast_in_dim3A_702], %get3A_722 : memref<8x8x129xf32, #tpu.memory_space<vmem>>[vector<16xi32>, vector<16xi32>, vector<16xi32>], vector<16xf32>,
      }
      %scan3A_461 = arith.constant 32 : i32
      %add3A_462 = arith.addi %mul3A_2, %mul3A_429 : i32
      %jit3A_463 = arith.constant 128 : i32
      %div3A_464 = arith.divsi %add3A_462, %jit3A_463 : i32
      %sign3A_465 = arith.constant 0 : i32
      %sign3A_466 = arith.cmpi sgt, %add3A_462, %sign3A_465 : i32
      %sign3A_467 = arith.extui %sign3A_466 : i1 to i32
      %sign3A_468 = arith.constant 0 : i32
      %sign3A_469 = arith.cmpi slt, %add3A_462, %sign3A_468 : i32
      %sign3A_470 = arith.extui %sign3A_469 : i1 to i32
      %sign3A_471 = arith.subi %sign3A_467, %sign3A_470 : i32
      %sign3A_472 = arith.constant 0 : i32
      %sign3A_473 = arith.cmpi sgt, %jit3A_463, %sign3A_472 : i32
      %sign3A_474 = arith.extui %sign3A_473 : i1 to i32
      %sign3A_475 = arith.constant 0 : i32
      %sign3A_476 = arith.cmpi slt, %jit3A_463, %sign3A_475 : i32
      %sign3A_477 = arith.extui %sign3A_476 : i1 to i32
      %sign3A_478 = arith.subi %sign3A_474, %sign3A_477 : i32
      %ne3A_479 = arith.cmpi ne, %sign3A_471, %sign3A_478 : i32
      %rem3A_480 = arith.remsi %add3A_462, %jit3A_463 : i32
      %ne3A_481 = arith.constant 0 : i32
      %ne3A_482 = arith.cmpi ne, %rem3A_480, %ne3A_481 : i32
      %and3A_483 = arith.andi %ne3A_479, %ne3A_482 : i1
      %sub3A_484 = arith.constant 1 : i32
      %sub3A_485 = arith.subi %div3A_464, %sub3A_484 : i32
      %select_n3A_486 = arith.select %and3A_483, %sub3A_485, %div3A_464 : i32
      %jit3A_487 = arith.constant 128 : i32
      %eq3A_488 = arith.constant 0 : i32
      %eq3A_489 = arith.cmpi eq, %jit3A_487, %eq3A_488 : i32
      %jit3A_490 = arith.constant 1 : i32
      %select_n3A_491 = arith.select %eq3A_489, %jit3A_490, %jit3A_487 : i32
      %rem3A_492 = arith.remsi %add3A_462, %select_n3A_491 : i32
      %ne3A_493 = arith.constant 0 : i32
      %ne3A_494 = arith.cmpi ne, %rem3A_492, %ne3A_493 : i32
      %lt3A_495 = arith.constant 0 : i32
      %lt3A_496 = arith.cmpi slt, %rem3A_492, %lt3A_495 : i32
      %lt3A_497 = arith.constant 0 : i32
      %lt3A_498 = arith.cmpi slt, %select_n3A_491, %lt3A_497 : i32
      %ne3A_499 = arith.xori %lt3A_496, %lt3A_498 : i1
      %and3A_500 = arith.andi %ne3A_499, %ne3A_494 : i1
      %add3A_501 = arith.addi %rem3A_492, %select_n3A_491 : i32
      %select_n3A_502 = arith.select %and3A_500, %add3A_501, %rem3A_492 : i32
      %dma_start3A_503 = arith.constant 0 : i32
      %dma_start3A_504 = arith.constant 0 : i32
      %dma_start3A_505 = arith.constant 0 : i32
      %dma_start3A_506 = tpu.memref_slice %arg8[%dma_start3A_503, %dma_start3A_504, %dma_start3A_505] : memref<8x8x129xf32, #tpu.memory_space<vmem>> -> memref<8x8x128xf32, #tpu.memory_space<vmem>>
      %dma_start3A_507 = arith.constant 0 : i32
      %dma_start3A_508 = arith.constant 0 : i32
      %dma_start3A_509 = arith.constant 0 : i32
      %dma_start3A_510 = tpu.memref_slice %arg4[%select_n3A_486, %dma_start3A_507, %select_n3A_502, %dma_start3A_508, %dma_start3A_509] : memref<50x8x128x8x128xf32, #tpu.memory_space<hbm>> -> memref<1x8x1x8x128xf32, #tpu.memory_space<hbm>>
      %dma_start3A_511 = tpu.memref_squeeze %dma_start3A_510 : memref<1x8x1x8x128xf32, #tpu.memory_space<hbm>> -> memref<8x8x128xf32, #tpu.memory_space<hbm>>
      %dma_start3A_512 = arith.constant 0 : i32
      %dma_start3A_513 = arith.constant 0 : i32
      %dma_start3A_514 = arith.constant 0 : i32
      %dma_start3A_515 = tpu.memref_slice %arg4[%select_n3A_486, %dma_start3A_512, %select_n3A_502, %dma_start3A_513, %dma_start3A_514] : memref<50x8x128x8x128xf32, #tpu.memory_space<hbm>> -> memref<1x8x1x8x128xf32, #tpu.memory_space<hbm>>
      %dma_start3A_516 = tpu.memref_squeeze %dma_start3A_515 : memref<1x8x1x8x128xf32, #tpu.memory_space<hbm>> -> memref<8x8x128xf32, #tpu.memory_space<hbm>>
      %dma_start3A_517 = arith.constant 0 : i32
      %dma_start3A_518 = arith.constant 0 : i32
      %dma_start3A_519 = arith.constant 0 : i32
      %dma_start3A_520 = tpu.memref_slice %arg8[%dma_start3A_517, %dma_start3A_518, %dma_start3A_519] : memref<8x8x129xf32, #tpu.memory_space<vmem>> -> memref<8x8x128xf32, #tpu.memory_space<vmem>>
      tpu.enqueue_dma source(%dma_start3A_520 : memref<8x8x128xf32, #tpu.memory_space<vmem>>) target(%dma_start3A_516 : memref<8x8x128xf32, #tpu.memory_space<hbm>>) target_semaphore(%arg12 : memref<!tpu.dma_semaphore, #tpu.memory_space<semaphore_mem>>)
      %add3A_521 = arith.constant 2 : i32
      %add3A_522 = arith.addi %mul3A_429, %add3A_521 : i32
      %dma_start3A_523 = arith.constant 0 : i32
      %dma_start3A_524 = tpu.memref_slice %arg5[%add3A_522, %dma_start3A_523] : memref<200x128xi32, #tpu.memory_space<vmem>> -> memref<1x128xi32, #tpu.memory_space<vmem>>
      %dma_start3A_525 = tpu.memref_squeeze %dma_start3A_524 : memref<1x128xi32, #tpu.memory_space<vmem>> -> memref<128xi32, #tpu.memory_space<vmem>>
      %dma_start3A_526 = arith.constant 0 : i32
      %dma_start3A_527 = arith.constant 0 : i32
      %dma_start3A_528 = tpu.memref_slice %arg2[%dma_start3A_526, %dma_start3A_527] : memref<2000000x64xf32, #tpu.memory_space<hbm>> -> memref<2000000x64xf32, #tpu.memory_space<hbm>>
      tpu.enqueue_indirect_dma source(%dma_start3A_528 : memref<2000000x64xf32, #tpu.memory_space<hbm>>) target(%arg6 : memref<128x64xf32, #tpu.memory_space<vmem>>) offsets(%dma_start3A_525 : memref<128xi32, #tpu.memory_space<vmem>>) semaphore(%arg10 : memref<!tpu.dma_semaphore, #tpu.memory_space<semaphore_mem>>)
      %dma_wait3A_529 = arith.constant 0 : i32
      %dma_wait3A_530 = arith.constant 0 : i32
      %dma_wait3A_531 = tpu.memref_slice %arg2[%dma_wait3A_529, %dma_wait3A_530] : memref<2000000x64xf32, #tpu.memory_space<hbm>> -> memref<128x64xf32, #tpu.memory_space<hbm>>
      %dma_wait3A_532 = arith.constant 0 : i32
      %dma_wait3A_533 = arith.constant 0 : i32
      %dma_wait3A_534 = tpu.memref_slice %arg2[%dma_wait3A_532, %dma_wait3A_533] : memref<2000000x64xf32, #tpu.memory_space<hbm>> -> memref<128x64xf32, #tpu.memory_space<hbm>>
      tpu.wait_dma2 semaphore(%arg11 : memref<!tpu.dma_semaphore, #tpu.memory_space<semaphore_mem>>) src(%dma_wait3A_534 : memref<128x64xf32, #tpu.memory_space<hbm>>) dst(%arg7 : memref<128x64xf32, #tpu.memory_space<vmem>>)
      %dma_wait3A_535 = arith.constant 0 : i32
      %dma_wait3A_536 = arith.constant 0 : i32
      %dma_wait3A_537 = arith.constant 0 : i32
      %dma_wait3A_538 = arith.constant 0 : i32
      %dma_wait3A_539 = arith.constant 0 : i32
      %dma_wait3A_540 = tpu.memref_slice %arg9[%dma_wait3A_537, %dma_wait3A_538, %dma_wait3A_539] : memref<8x8x129xf32, #tpu.memory_space<vmem>> -> memref<8x8x128xf32, #tpu.memory_space<vmem>>
      %dma_wait3A_541 = arith.constant 0 : i32
      %dma_wait3A_542 = arith.constant 0 : i32
      %dma_wait3A_543 = arith.constant 0 : i32
      %dma_wait3A_544 = tpu.memref_slice %arg4[%dma_wait3A_535, %dma_wait3A_541, %dma_wait3A_536, %dma_wait3A_542, %dma_wait3A_543] : memref<50x8x128x8x128xf32, #tpu.memory_space<hbm>> -> memref<1x8x1x8x128xf32, #tpu.memory_space<hbm>>
      %dma_wait3A_545 = tpu.memref_squeeze %dma_wait3A_544 : memref<1x8x1x8x128xf32, #tpu.memory_space<hbm>> -> memref<8x8x128xf32, #tpu.memory_space<hbm>>
      %dma_wait3A_546 = arith.constant 0 : i32
      %dma_wait3A_547 = arith.constant 0 : i32
      %dma_wait3A_548 = arith.constant 0 : i32
      %dma_wait3A_549 = tpu.memref_slice %arg9[%dma_wait3A_546, %dma_wait3A_547, %dma_wait3A_548] : memref<8x8x129xf32, #tpu.memory_space<vmem>> -> memref<8x8x128xf32, #tpu.memory_space<vmem>>
      %dma_wait3A_550 = arith.constant 0 : i32
      %dma_wait3A_551 = arith.constant 0 : i32
      %dma_wait3A_552 = arith.constant 0 : i32
      %dma_wait3A_553 = tpu.memref_slice %arg4[%dma_wait3A_535, %dma_wait3A_550, %dma_wait3A_536, %dma_wait3A_551, %dma_wait3A_552] : memref<50x8x128x8x128xf32, #tpu.memory_space<hbm>> -> memref<1x8x1x8x128xf32, #tpu.memory_space<hbm>>
      %dma_wait3A_554 = tpu.memref_squeeze %dma_wait3A_553 : memref<1x8x1x8x128xf32, #tpu.memory_space<hbm>> -> memref<8x8x128xf32, #tpu.memory_space<hbm>>
      tpu.wait_dma2 semaphore(%arg13 : memref<!tpu.dma_semaphore, #tpu.memory_space<semaphore_mem>>) src(%dma_wait3A_554 : memref<8x8x128xf32, #tpu.memory_space<hbm>>) dst(%dma_wait3A_549 : memref<8x8x128xf32, #tpu.memory_space<vmem>>)
      %scan3A_555 = arith.constant 0 : i32
      %scan3A_556 = arith.constant 0 : i32
      %scan3A_557 = arith.constant 32 : i32
      %scan3A_558 = arith.addi %scan3A_556, %scan3A_557 : i32
      %scan3A_559 = arith.constant 1 : i32
      scf.for %scan3A_630 = %scan3A_556 to %scan3A_558 step %scan3A_559  : i32 {
        %mul3A_631 = arith.constant 4 : i32
        %mul3A_632 = arith.muli %scan3A_630, %mul3A_631 : i32
        %add3A_633 = arith.constant 0 : i32
        %add3A_634 = arith.addi %mul3A_632, %add3A_633 : i32
        %broadcast_in_dim3A = vector.broadcast %add3A_634 : i32 to vector<16xi32>
        %add3A_635 = arith.constant 0 : i32
        %add3A_636 = arith.addi %mul3A_632, %add3A_635 : i32
        %get3A = arith.index_cast %add3A_636 : i32 to index
        %get3A_637 = arith.constant 0 : index
        %get3A_638 = tpu.vector_load %arg7[%get3A, %get3A_637] {strides = array<i32>} : memref<128x64xf32, #tpu.memory_space<vmem>>, vector<16xf32>,
        tpu.vector_store_idx %arg9[%shift_right_arithmetic3A_16, %and3A_27, %broadcast_in_dim3A], %get3A_638 : memref<8x8x129xf32, #tpu.memory_space<vmem>>[vector<16xi32>, vector<16xi32>, vector<16xi32>], vector<16xf32>,
        %add3A_639 = arith.constant 0 : i32
        %add3A_640 = arith.addi %mul3A_632, %add3A_639 : i32
        %get3A_641 = arith.index_cast %add3A_640 : i32 to index
        %get3A_642 = arith.constant 16 : index
        %get3A_643 = tpu.vector_load %arg7[%get3A_641, %get3A_642] {strides = array<i32>} : memref<128x64xf32, #tpu.memory_space<vmem>>, vector<16xf32>,
        tpu.vector_store_idx %arg9[%shift_right_arithmetic3A_19, %and3A_30, %broadcast_in_dim3A], %get3A_643 : memref<8x8x129xf32, #tpu.memory_space<vmem>>[vector<16xi32>, vector<16xi32>, vector<16xi32>], vector<16xf32>,
        %add3A_644 = arith.constant 0 : i32
        %add3A_645 = arith.addi %mul3A_632, %add3A_644 : i32
        %get3A_646 = arith.index_cast %add3A_645 : i32 to index
        %get3A_647 = arith.constant 32 : index
        %get3A_648 = tpu.vector_load %arg7[%get3A_646, %get3A_647] {strides = array<i32>} : memref<128x64xf32, #tpu.memory_space<vmem>>, vector<16xf32>,
        tpu.vector_store_idx %arg9[%shift_right_arithmetic3A_22, %and3A_33, %broadcast_in_dim3A], %get3A_648 : memref<8x8x129xf32, #tpu.memory_space<vmem>>[vector<16xi32>, vector<16xi32>, vector<16xi32>], vector<16xf32>,
        %add3A_649 = arith.constant 0 : i32
        %add3A_650 = arith.addi %mul3A_632, %add3A_649 : i32
        %get3A_651 = arith.index_cast %add3A_650 : i32 to index
        %get3A_652 = arith.constant 48 : index
        %get3A_653 = tpu.vector_load %arg7[%get3A_651, %get3A_652] {strides = array<i32>} : memref<128x64xf32, #tpu.memory_space<vmem>>, vector<16xf32>,
        tpu.vector_store_idx %arg9[%shift_right_arithmetic3A_25, %and3A_36, %broadcast_in_dim3A], %get3A_653 : memref<8x8x129xf32, #tpu.memory_space<vmem>>[vector<16xi32>, vector<16xi32>, vector<16xi32>], vector<16xf32>,
        %add3A_654 = arith.constant 1 : i32
        %add3A_655 = arith.addi %mul3A_632, %add3A_654 : i32
        %broadcast_in_dim3A_656 = vector.broadcast %add3A_655 : i32 to vector<16xi32>
        %add3A_657 = arith.constant 1 : i32
        %add3A_658 = arith.addi %mul3A_632, %add3A_657 : i32
        %get3A_659 = arith.index_cast %add3A_658 : i32 to index
        %get3A_660 = arith.constant 0 : index
        %get3A_661 = tpu.vector_load %arg7[%get3A_659, %get3A_660] {strides = array<i32>} : memref<128x64xf32, #tpu.memory_space<vmem>>, vector<16xf32>,
        tpu.vector_store_idx %arg9[%shift_right_arithmetic3A_16, %and3A_27, %broadcast_in_dim3A_656], %get3A_661 : memref<8x8x129xf32, #tpu.memory_space<vmem>>[vector<16xi32>, vector<16xi32>, vector<16xi32>], vector<16xf32>,
        %add3A_662 = arith.constant 1 : i32
        %add3A_663 = arith.addi %mul3A_632, %add3A_662 : i32
        %get3A_664 = arith.index_cast %add3A_663 : i32 to index
        %get3A_665 = arith.constant 16 : index
        %get3A_666 = tpu.vector_load %arg7[%get3A_664, %get3A_665] {strides = array<i32>} : memref<128x64xf32, #tpu.memory_space<vmem>>, vector<16xf32>,
        tpu.vector_store_idx %arg9[%shift_right_arithmetic3A_19, %and3A_30, %broadcast_in_dim3A_656], %get3A_666 : memref<8x8x129xf32, #tpu.memory_space<vmem>>[vector<16xi32>, vector<16xi32>, vector<16xi32>], vector<16xf32>,
        %add3A_667 = arith.constant 1 : i32
        %add3A_668 = arith.addi %mul3A_632, %add3A_667 : i32
        %get3A_669 = arith.index_cast %add3A_668 : i32 to index
        %get3A_670 = arith.constant 32 : index
        %get3A_671 = tpu.vector_load %arg7[%get3A_669, %get3A_670] {strides = array<i32>} : memref<128x64xf32, #tpu.memory_space<vmem>>, vector<16xf32>,
        tpu.vector_store_idx %arg9[%shift_right_arithmetic3A_22, %and3A_33, %broadcast_in_dim3A_656], %get3A_671 : memref<8x8x129xf32, #tpu.memory_space<vmem>>[vector<16xi32>, vector<16xi32>, vector<16xi32>], vector<16xf32>,
        %add3A_672 = arith.constant 1 : i32
        %add3A_673 = arith.addi %mul3A_632, %add3A_672 : i32
        %get3A_674 = arith.index_cast %add3A_673 : i32 to index
        %get3A_675 = arith.constant 48 : index
        %get3A_676 = tpu.vector_load %arg7[%get3A_674, %get3A_675] {strides = array<i32>} : memref<128x64xf32, #tpu.memory_space<vmem>>, vector<16xf32>,
        tpu.vector_store_idx %arg9[%shift_right_arithmetic3A_25, %and3A_36, %broadcast_in_dim3A_656], %get3A_676 : memref<8x8x129xf32, #tpu.memory_space<vmem>>[vector<16xi32>, vector<16xi32>, vector<16xi32>], vector<16xf32>,
        %add3A_677 = arith.constant 2 : i32
        %add3A_678 = arith.addi %mul3A_632, %add3A_677 : i32
        %broadcast_in_dim3A_679 = vector.broadcast %add3A_678 : i32 to vector<16xi32>
        %add3A_680 = arith.constant 2 : i32
        %add3A_681 = arith.addi %mul3A_632, %add3A_680 : i32
        %get3A_682 = arith.index_cast %add3A_681 : i32 to index
        %get3A_683 = arith.constant 0 : index
        %get3A_684 = tpu.vector_load %arg7[%get3A_682, %get3A_683] {strides = array<i32>} : memref<128x64xf32, #tpu.memory_space<vmem>>, vector<16xf32>,
        tpu.vector_store_idx %arg9[%shift_right_arithmetic3A_16, %and3A_27, %broadcast_in_dim3A_679], %get3A_684 : memref<8x8x129xf32, #tpu.memory_space<vmem>>[vector<16xi32>, vector<16xi32>, vector<16xi32>], vector<16xf32>,
        %add3A_685 = arith.constant 2 : i32
        %add3A_686 = arith.addi %mul3A_632, %add3A_685 : i32
        %get3A_687 = arith.index_cast %add3A_686 : i32 to index
        %get3A_688 = arith.constant 16 : index
        %get3A_689 = tpu.vector_load %arg7[%get3A_687, %get3A_688] {strides = array<i32>} : memref<128x64xf32, #tpu.memory_space<vmem>>, vector<16xf32>,
        tpu.vector_store_idx %arg9[%shift_right_arithmetic3A_19, %and3A_30, %broadcast_in_dim3A_679], %get3A_689 : memref<8x8x129xf32, #tpu.memory_space<vmem>>[vector<16xi32>, vector<16xi32>, vector<16xi32>], vector<16xf32>,
        %add3A_690 = arith.constant 2 : i32
        %add3A_691 = arith.addi %mul3A_632, %add3A_690 : i32
        %get3A_692 = arith.index_cast %add3A_691 : i32 to index
        %get3A_693 = arith.constant 32 : index
        %get3A_694 = tpu.vector_load %arg7[%get3A_692, %get3A_693] {strides = array<i32>} : memref<128x64xf32, #tpu.memory_space<vmem>>, vector<16xf32>,
        tpu.vector_store_idx %arg9[%shift_right_arithmetic3A_22, %and3A_33, %broadcast_in_dim3A_679], %get3A_694 : memref<8x8x129xf32, #tpu.memory_space<vmem>>[vector<16xi32>, vector<16xi32>, vector<16xi32>], vector<16xf32>,
        %add3A_695 = arith.constant 2 : i32
        %add3A_696 = arith.addi %mul3A_632, %add3A_695 : i32
        %get3A_697 = arith.index_cast %add3A_696 : i32 to index
        %get3A_698 = arith.constant 48 : index
        %get3A_699 = tpu.vector_load %arg7[%get3A_697, %get3A_698] {strides = array<i32>} : memref<128x64xf32, #tpu.memory_space<vmem>>, vector<16xf32>,
        tpu.vector_store_idx %arg9[%shift_right_arithmetic3A_25, %and3A_36, %broadcast_in_dim3A_679], %get3A_699 : memref<8x8x129xf32, #tpu.memory_space<vmem>>[vector<16xi32>, vector<16xi32>, vector<16xi32>], vector<16xf32>,
        %add3A_700 = arith.constant 3 : i32
        %add3A_701 = arith.addi %mul3A_632, %add3A_700 : i32
        %broadcast_in_dim3A_702 = vector.broadcast %add3A_701 : i32 to vector<16xi32>
        %add3A_703 = arith.constant 3 : i32
        %add3A_704 = arith.addi %mul3A_632, %add3A_703 : i32
        %get3A_705 = arith.index_cast %add3A_704 : i32 to index
        %get3A_706 = arith.constant 0 : index
        %get3A_707 = tpu.vector_load %arg7[%get3A_705, %get3A_706] {strides = array<i32>} : memref<128x64xf32, #tpu.memory_space<vmem>>, vector<16xf32>,
        tpu.vector_store_idx %arg9[%shift_right_arithmetic3A_16, %and3A_27, %broadcast_in_dim3A_702], %get3A_707 : memref<8x8x129xf32, #tpu.memory_space<vmem>>[vector<16xi32>, vector<16xi32>, vector<16xi32>], vector<16xf32>,
        %add3A_708 = arith.constant 3 : i32
        %add3A_709 = arith.addi %mul3A_632, %add3A_708 : i32
        %get3A_710 = arith.index_cast %add3A_709 : i32 to index
        %get3A_711 = arith.constant 16 : index
        %get3A_712 = tpu.vector_load %arg7[%get3A_710, %get3A_711] {strides = array<i32>} : memref<128x64xf32, #tpu.memory_space<vmem>>, vector<16xf32>,
        tpu.vector_store_idx %arg9[%shift_right_arithmetic3A_19, %and3A_30, %broadcast_in_dim3A_702], %get3A_712 : memref<8x8x129xf32, #tpu.memory_space<vmem>>[vector<16xi32>, vector<16xi32>, vector<16xi32>], vector<16xf32>,
        %add3A_713 = arith.constant 3 : i32
        %add3A_714 = arith.addi %mul3A_632, %add3A_713 : i32
        %get3A_715 = arith.index_cast %add3A_714 : i32 to index
        %get3A_716 = arith.constant 32 : index
        %get3A_717 = tpu.vector_load %arg7[%get3A_715, %get3A_716] {strides = array<i32>} : memref<128x64xf32, #tpu.memory_space<vmem>>, vector<16xf32>,
        tpu.vector_store_idx %arg9[%shift_right_arithmetic3A_22, %and3A_33, %broadcast_in_dim3A_702], %get3A_717 : memref<8x8x129xf32, #tpu.memory_space<vmem>>[vector<16xi32>, vector<16xi32>, vector<16xi32>], vector<16xf32>,
        %add3A_718 = arith.constant 3 : i32
        %add3A_719 = arith.addi %mul3A_632, %add3A_718 : i32
        %get3A_720 = arith.index_cast %add3A_719 : i32 to index
        %get3A_721 = arith.constant 48 : index
        %get3A_722 = tpu.vector_load %arg7[%get3A_720, %get3A_721] {strides = array<i32>} : memref<128x64xf32, #tpu.memory_space<vmem>>, vector<16xf32>,
        tpu.vector_store_idx %arg9[%shift_right_arithmetic3A_25, %and3A_36, %broadcast_in_dim3A_702], %get3A_722 : memref<8x8x129xf32, #tpu.memory_space<vmem>>[vector<16xi32>, vector<16xi32>, vector<16xi32>], vector<16xf32>,
      }
      %scan3A_560 = arith.constant 32 : i32
      %add3A_561 = arith.constant 1 : i32
      %add3A_562 = arith.addi %mul3A_429, %add3A_561 : i32
      %add3A_563 = arith.addi %mul3A_2, %add3A_562 : i32
      %jit3A_564 = arith.constant 128 : i32
      %div3A_565 = arith.divsi %add3A_563, %jit3A_564 : i32
      %sign3A_566 = arith.constant 0 : i32
      %sign3A_567 = arith.cmpi sgt, %add3A_563, %sign3A_566 : i32
      %sign3A_568 = arith.extui %sign3A_567 : i1 to i32
      %sign3A_569 = arith.constant 0 : i32
      %sign3A_570 = arith.cmpi slt, %add3A_563, %sign3A_569 : i32
      %sign3A_571 = arith.extui %sign3A_570 : i1 to i32
      %sign3A_572 = arith.subi %sign3A_568, %sign3A_571 : i32
      %sign3A_573 = arith.constant 0 : i32
      %sign3A_574 = arith.cmpi sgt, %jit3A_564, %sign3A_573 : i32
      %sign3A_575 = arith.extui %sign3A_574 : i1 to i32
      %sign3A_576 = arith.constant 0 : i32
      %sign3A_577 = arith.cmpi slt, %jit3A_564, %sign3A_576 : i32
      %sign3A_578 = arith.extui %sign3A_577 : i1 to i32
      %sign3A_579 = arith.subi %sign3A_575, %sign3A_578 : i32
      %ne3A_580 = arith.cmpi ne, %sign3A_572, %sign3A_579 : i32
      %rem3A_581 = arith.remsi %add3A_563, %jit3A_564 : i32
      %ne3A_582 = arith.constant 0 : i32
      %ne3A_583 = arith.cmpi ne, %rem3A_581, %ne3A_582 : i32
      %and3A_584 = arith.andi %ne3A_580, %ne3A_583 : i1
      %sub3A_585 = arith.constant 1 : i32
      %sub3A_586 = arith.subi %div3A_565, %sub3A_585 : i32
      %select_n3A_587 = arith.select %and3A_584, %sub3A_586, %div3A_565 : i32
      %jit3A_588 = arith.constant 128 : i32
      %eq3A_589 = arith.constant 0 : i32
      %eq3A_590 = arith.cmpi eq, %jit3A_588, %eq3A_589 : i32
      %jit3A_591 = arith.constant 1 : i32
      %select_n3A_592 = arith.select %eq3A_590, %jit3A_591, %jit3A_588 : i32
      %rem3A_593 = arith.remsi %add3A_563, %select_n3A_592 : i32
      %ne3A_594 = arith.constant 0 : i32
      %ne3A_595 = arith.cmpi ne, %rem3A_593, %ne3A_594 : i32
      %lt3A_596 = arith.constant 0 : i32
      %lt3A_597 = arith.cmpi slt, %rem3A_593, %lt3A_596 : i32
      %lt3A_598 = arith.constant 0 : i32
      %lt3A_599 = arith.cmpi slt, %select_n3A_592, %lt3A_598 : i32
      %ne3A_600 = arith.xori %lt3A_597, %lt3A_599 : i1
      %and3A_601 = arith.andi %ne3A_600, %ne3A_595 : i1
      %add3A_602 = arith.addi %rem3A_593, %select_n3A_592 : i32
      %select_n3A_603 = arith.select %and3A_601, %add3A_602, %rem3A_593 : i32
      %dma_start3A_604 = arith.constant 0 : i32
      %dma_start3A_605 = arith.constant 0 : i32
      %dma_start3A_606 = arith.constant 0 : i32
      %dma_start3A_607 = tpu.memref_slice %arg9[%dma_start3A_604, %dma_start3A_605, %dma_start3A_606] : memref<8x8x129xf32, #tpu.memory_space<vmem>> -> memref<8x8x128xf32, #tpu.memory_space<vmem>>
      %dma_start3A_608 = arith.constant 0 : i32
      %dma_start3A_609 = arith.constant 0 : i32
      %dma_start3A_610 = arith.constant 0 : i32
      %dma_start3A_611 = tpu.memref_slice %arg4[%select_n3A_587, %dma_start3A_608, %select_n3A_603, %dma_start3A_609, %dma_start3A_610] : memref<50x8x128x8x128xf32, #tpu.memory_space<hbm>> -> memref<1x8x1x8x128xf32, #tpu.memory_space<hbm>>
      %dma_start3A_612 = tpu.memref_squeeze %dma_start3A_611 : memref<1x8x1x8x128xf32, #tpu.memory_space<hbm>> -> memref<8x8x128xf32, #tpu.memory_space<hbm>>
      %dma_start3A_613 = arith.constant 0 : i32
      %dma_start3A_614 = arith.constant 0 : i32
      %dma_start3A_615 = arith.constant 0 : i32
      %dma_start3A_616 = tpu.memref_slice %arg4[%select_n3A_587, %dma_start3A_613, %select_n3A_603, %dma_start3A_614, %dma_start3A_615] : memref<50x8x128x8x128xf32, #tpu.memory_space<hbm>> -> memref<1x8x1x8x128xf32, #tpu.memory_space<hbm>>
      %dma_start3A_617 = tpu.memref_squeeze %dma_start3A_616 : memref<1x8x1x8x128xf32, #tpu.memory_space<hbm>> -> memref<8x8x128xf32, #tpu.memory_space<hbm>>
      %dma_start3A_618 = arith.constant 0 : i32
      %dma_start3A_619 = arith.constant 0 : i32
      %dma_start3A_620 = arith.constant 0 : i32
      %dma_start3A_621 = tpu.memref_slice %arg9[%dma_start3A_618, %dma_start3A_619, %dma_start3A_620] : memref<8x8x129xf32, #tpu.memory_space<vmem>> -> memref<8x8x128xf32, #tpu.memory_space<vmem>>
      tpu.enqueue_dma source(%dma_start3A_621 : memref<8x8x128xf32, #tpu.memory_space<vmem>>) target(%dma_start3A_617 : memref<8x8x128xf32, #tpu.memory_space<hbm>>) target_semaphore(%arg13 : memref<!tpu.dma_semaphore, #tpu.memory_space<semaphore_mem>>)
      %add3A_622 = arith.constant 3 : i32
      %add3A_623 = arith.addi %mul3A_429, %add3A_622 : i32
      %dma_start3A_624 = arith.constant 0 : i32
      %dma_start3A_625 = tpu.memref_slice %arg5[%add3A_623, %dma_start3A_624] : memref<200x128xi32, #tpu.memory_space<vmem>> -> memref<1x128xi32, #tpu.memory_space<vmem>>
      %dma_start3A_626 = tpu.memref_squeeze %dma_start3A_625 : memref<1x128xi32, #tpu.memory_space<vmem>> -> memref<128xi32, #tpu.memory_space<vmem>>
      %dma_start3A_627 = arith.constant 0 : i32
      %dma_start3A_628 = arith.constant 0 : i32
      %dma_start3A_629 = tpu.memref_slice %arg2[%dma_start3A_627, %dma_start3A_628] : memref<2000000x64xf32, #tpu.memory_space<hbm>> -> memref<2000000x64xf32, #tpu.memory_space<hbm>>
      tpu.enqueue_indirect_dma source(%dma_start3A_629 : memref<2000000x64xf32, #tpu.memory_space<hbm>>) target(%arg7 : memref<128x64xf32, #tpu.memory_space<vmem>>) offsets(%dma_start3A_626 : memref<128xi32, #tpu.memory_space<vmem>>) semaphore(%arg11 : memref<!tpu.dma_semaphore, #tpu.memory_space<semaphore_mem>>)
    }
    %scan3A_202 = arith.constant 98 : i32
    %dma_wait3A_203 = arith.constant 0 : i32
    %dma_wait3A_204 = arith.constant 0 : i32
    %dma_wait3A_205 = tpu.memref_slice %arg2[%dma_wait3A_203, %dma_wait3A_204] : memref<2000000x64xf32, #tpu.memory_space<hbm>> -> memref<128x64xf32, #tpu.memory_space<hbm>>
    %dma_wait3A_206 = arith.constant 0 : i32
    %dma_wait3A_207 = arith.constant 0 : i32
    %dma_wait3A_208 = tpu.memref_slice %arg2[%dma_wait3A_206, %dma_wait3A_207] : memref<2000000x64xf32, #tpu.memory_space<hbm>> -> memref<128x64xf32, #tpu.memory_space<hbm>>
    tpu.wait_dma2 semaphore(%arg10 : memref<!tpu.dma_semaphore, #tpu.memory_space<semaphore_mem>>) src(%dma_wait3A_208 : memref<128x64xf32, #tpu.memory_space<hbm>>) dst(%arg6 : memref<128x64xf32, #tpu.memory_space<vmem>>)
    %dma_wait3A_209 = arith.constant 0 : i32
    %dma_wait3A_210 = arith.constant 0 : i32
    %dma_wait3A_211 = arith.constant 0 : i32
    %dma_wait3A_212 = arith.constant 0 : i32
    %dma_wait3A_213 = arith.constant 0 : i32
    %dma_wait3A_214 = tpu.memref_slice %arg8[%dma_wait3A_211, %dma_wait3A_212, %dma_wait3A_213] : memref<8x8x129xf32, #tpu.memory_space<vmem>> -> memref<8x8x128xf32, #tpu.memory_space<vmem>>
    %dma_wait3A_215 = arith.constant 0 : i32
    %dma_wait3A_216 = arith.constant 0 : i32
    %dma_wait3A_217 = arith.constant 0 : i32
    %dma_wait3A_218 = tpu.memref_slice %arg4[%dma_wait3A_209, %dma_wait3A_215, %dma_wait3A_210, %dma_wait3A_216, %dma_wait3A_217] : memref<50x8x128x8x128xf32, #tpu.memory_space<hbm>> -> memref<1x8x1x8x128xf32, #tpu.memory_space<hbm>>
    %dma_wait3A_219 = tpu.memref_squeeze %dma_wait3A_218 : memref<1x8x1x8x128xf32, #tpu.memory_space<hbm>> -> memref<8x8x128xf32, #tpu.memory_space<hbm>>
    %dma_wait3A_220 = arith.constant 0 : i32
    %dma_wait3A_221 = arith.constant 0 : i32
    %dma_wait3A_222 = arith.constant 0 : i32
    %dma_wait3A_223 = tpu.memref_slice %arg8[%dma_wait3A_220, %dma_wait3A_221, %dma_wait3A_222] : memref<8x8x129xf32, #tpu.memory_space<vmem>> -> memref<8x8x128xf32, #tpu.memory_space<vmem>>
    %dma_wait3A_224 = arith.constant 0 : i32
    %dma_wait3A_225 = arith.constant 0 : i32
    %dma_wait3A_226 = arith.constant 0 : i32
    %dma_wait3A_227 = tpu.memref_slice %arg4[%dma_wait3A_209, %dma_wait3A_224, %dma_wait3A_210, %dma_wait3A_225, %dma_wait3A_226] : memref<50x8x128x8x128xf32, #tpu.memory_space<hbm>> -> memref<1x8x1x8x128xf32, #tpu.memory_space<hbm>>
    %dma_wait3A_228 = tpu.memref_squeeze %dma_wait3A_227 : memref<1x8x1x8x128xf32, #tpu.memory_space<hbm>> -> memref<8x8x128xf32, #tpu.memory_space<hbm>>
    tpu.wait_dma2 semaphore(%arg12 : memref<!tpu.dma_semaphore, #tpu.memory_space<semaphore_mem>>) src(%dma_wait3A_228 : memref<8x8x128xf32, #tpu.memory_space<hbm>>) dst(%dma_wait3A_223 : memref<8x8x128xf32, #tpu.memory_space<vmem>>)
    %scan3A_229 = arith.constant 0 : i32
    %scan3A_230 = arith.constant 0 : i32
    %scan3A_231 = arith.constant 32 : i32
    %scan3A_232 = arith.addi %scan3A_230, %scan3A_231 : i32
    %scan3A_233 = arith.constant 1 : i32
    scf.for %scan3A_427 = %scan3A_230 to %scan3A_232 step %scan3A_233  : i32 {
      %mul3A_428 = arith.constant 4 : i32
      %mul3A_429 = arith.muli %scan3A_427, %mul3A_428 : i32
      %add3A_430 = arith.constant 0 : i32
      %add3A_431 = arith.addi %mul3A_429, %add3A_430 : i32
      %broadcast_in_dim3A = vector.broadcast %add3A_431 : i32 to vector<16xi32>
      %add3A_432 = arith.constant 0 : i32
      %add3A_433 = arith.addi %mul3A_429, %add3A_432 : i32
      %get3A = arith.index_cast %add3A_433 : i32 to index
      %get3A_434 = arith.constant 0 : index
      %get3A_435 = tpu.vector_load %arg6[%get3A, %get3A_434] {strides = array<i32>} : memref<128x64xf32, #tpu.memory_space<vmem>>, vector<16xf32>,
      tpu.vector_store_idx %arg8[%shift_right_arithmetic3A_16, %and3A_27, %broadcast_in_dim3A], %get3A_435 : memref<8x8x129xf32, #tpu.memory_space<vmem>>[vector<16xi32>, vector<16xi32>, vector<16xi32>], vector<16xf32>,
      %add3A_436 = arith.constant 0 : i32
      %add3A_437 = arith.addi %mul3A_429, %add3A_436 : i32
      %get3A_438 = arith.index_cast %add3A_437 : i32 to index
      %get3A_439 = arith.constant 16 : index
      %get3A_440 = tpu.vector_load %arg6[%get3A_438, %get3A_439] {strides = array<i32>} : memref<128x64xf32, #tpu.memory_space<vmem>>, vector<16xf32>,
      tpu.vector_store_idx %arg8[%shift_right_arithmetic3A_19, %and3A_30, %broadcast_in_dim3A], %get3A_440 : memref<8x8x129xf32, #tpu.memory_space<vmem>>[vector<16xi32>, vector<16xi32>, vector<16xi32>], vector<16xf32>,
      %add3A_441 = arith.constant 0 : i32
      %add3A_442 = arith.addi %mul3A_429, %add3A_441 : i32
      %get3A_443 = arith.index_cast %add3A_442 : i32 to index
      %get3A_444 = arith.constant 32 : index
      %get3A_445 = tpu.vector_load %arg6[%get3A_443, %get3A_444] {strides = array<i32>} : memref<128x64xf32, #tpu.memory_space<vmem>>, vector<16xf32>,
      tpu.vector_store_idx %arg8[%shift_right_arithmetic3A_22, %and3A_33, %broadcast_in_dim3A], %get3A_445 : memref<8x8x129xf32, #tpu.memory_space<vmem>>[vector<16xi32>, vector<16xi32>, vector<16xi32>], vector<16xf32>,
      %add3A_446 = arith.constant 0 : i32
      %add3A_447 = arith.addi %mul3A_429, %add3A_446 : i32
      %get3A_448 = arith.index_cast %add3A_447 : i32 to index
      %get3A_449 = arith.constant 48 : index
      %get3A_450 = tpu.vector_load %arg6[%get3A_448, %get3A_449] {strides = array<i32>} : memref<128x64xf32, #tpu.memory_space<vmem>>, vector<16xf32>,
      tpu.vector_store_idx %arg8[%shift_right_arithmetic3A_25, %and3A_36, %broadcast_in_dim3A], %get3A_450 : memref<8x8x129xf32, #tpu.memory_space<vmem>>[vector<16xi32>, vector<16xi32>, vector<16xi32>], vector<16xf32>,
      %add3A_451 = arith.constant 1 : i32
      %add3A_452 = arith.addi %mul3A_429, %add3A_451 : i32
      %broadcast_in_dim3A_453 = vector.broadcast %add3A_452 : i32 to vector<16xi32>
      %add3A_454 = arith.constant 1 : i32
      %add3A_455 = arith.addi %mul3A_429, %add3A_454 : i32
      %get3A_456 = arith.index_cast %add3A_455 : i32 to index
      %get3A_457 = arith.constant 0 : index
      %get3A_458 = tpu.vector_load %arg6[%get3A_456, %get3A_457] {strides = array<i32>} : memref<128x64xf32, #tpu.memory_space<vmem>>, vector<16xf32>,
      tpu.vector_store_idx %arg8[%shift_right_arithmetic3A_16, %and3A_27, %broadcast_in_dim3A_453], %get3A_458 : memref<8x8x129xf32, #tpu.memory_space<vmem>>[vector<16xi32>, vector<16xi32>, vector<16xi32>], vector<16xf32>,
      %add3A_459 = arith.constant 1 : i32
      %add3A_460 = arith.addi %mul3A_429, %add3A_459 : i32
      %get3A_461 = arith.index_cast %add3A_460 : i32 to index
      %get3A_462 = arith.constant 16 : index
      %get3A_463 = tpu.vector_load %arg6[%get3A_461, %get3A_462] {strides = array<i32>} : memref<128x64xf32, #tpu.memory_space<vmem>>, vector<16xf32>,
      tpu.vector_store_idx %arg8[%shift_right_arithmetic3A_19, %and3A_30, %broadcast_in_dim3A_453], %get3A_463 : memref<8x8x129xf32, #tpu.memory_space<vmem>>[vector<16xi32>, vector<16xi32>, vector<16xi32>], vector<16xf32>,
      %add3A_464 = arith.constant 1 : i32
      %add3A_465 = arith.addi %mul3A_429, %add3A_464 : i32
      %get3A_466 = arith.index_cast %add3A_465 : i32 to index
      %get3A_467 = arith.constant 32 : index
      %get3A_468 = tpu.vector_load %arg6[%get3A_466, %get3A_467] {strides = array<i32>} : memref<128x64xf32, #tpu.memory_space<vmem>>, vector<16xf32>,
      tpu.vector_store_idx %arg8[%shift_right_arithmetic3A_22, %and3A_33, %broadcast_in_dim3A_453], %get3A_468 : memref<8x8x129xf32, #tpu.memory_space<vmem>>[vector<16xi32>, vector<16xi32>, vector<16xi32>], vector<16xf32>,
      %add3A_469 = arith.constant 1 : i32
      %add3A_470 = arith.addi %mul3A_429, %add3A_469 : i32
      %get3A_471 = arith.index_cast %add3A_470 : i32 to index
      %get3A_472 = arith.constant 48 : index
      %get3A_473 = tpu.vector_load %arg6[%get3A_471, %get3A_472] {strides = array<i32>} : memref<128x64xf32, #tpu.memory_space<vmem>>, vector<16xf32>,
      tpu.vector_store_idx %arg8[%shift_right_arithmetic3A_25, %and3A_36, %broadcast_in_dim3A_453], %get3A_473 : memref<8x8x129xf32, #tpu.memory_space<vmem>>[vector<16xi32>, vector<16xi32>, vector<16xi32>], vector<16xf32>,
      %add3A_474 = arith.constant 2 : i32
      %add3A_475 = arith.addi %mul3A_429, %add3A_474 : i32
      %broadcast_in_dim3A_476 = vector.broadcast %add3A_475 : i32 to vector<16xi32>
      %add3A_477 = arith.constant 2 : i32
      %add3A_478 = arith.addi %mul3A_429, %add3A_477 : i32
      %get3A_479 = arith.index_cast %add3A_478 : i32 to index
      %get3A_480 = arith.constant 0 : index
      %get3A_481 = tpu.vector_load %arg6[%get3A_479, %get3A_480] {strides = array<i32>} : memref<128x64xf32, #tpu.memory_space<vmem>>, vector<16xf32>,
      tpu.vector_store_idx %arg8[%shift_right_arithmetic3A_16, %and3A_27, %broadcast_in_dim3A_476], %get3A_481 : memref<8x8x129xf32, #tpu.memory_space<vmem>>[vector<16xi32>, vector<16xi32>, vector<16xi32>], vector<16xf32>,
      %add3A_482 = arith.constant 2 : i32
      %add3A_483 = arith.addi %mul3A_429, %add3A_482 : i32
      %get3A_484 = arith.index_cast %add3A_483 : i32 to index
      %get3A_485 = arith.constant 16 : index
      %get3A_486 = tpu.vector_load %arg6[%get3A_484, %get3A_485] {strides = array<i32>} : memref<128x64xf32, #tpu.memory_space<vmem>>, vector<16xf32>,
      tpu.vector_store_idx %arg8[%shift_right_arithmetic3A_19, %and3A_30, %broadcast_in_dim3A_476], %get3A_486 : memref<8x8x129xf32, #tpu.memory_space<vmem>>[vector<16xi32>, vector<16xi32>, vector<16xi32>], vector<16xf32>,
      %add3A_487 = arith.constant 2 : i32
      %add3A_488 = arith.addi %mul3A_429, %add3A_487 : i32
      %get3A_489 = arith.index_cast %add3A_488 : i32 to index
      %get3A_490 = arith.constant 32 : index
      %get3A_491 = tpu.vector_load %arg6[%get3A_489, %get3A_490] {strides = array<i32>} : memref<128x64xf32, #tpu.memory_space<vmem>>, vector<16xf32>,
      tpu.vector_store_idx %arg8[%shift_right_arithmetic3A_22, %and3A_33, %broadcast_in_dim3A_476], %get3A_491 : memref<8x8x129xf32, #tpu.memory_space<vmem>>[vector<16xi32>, vector<16xi32>, vector<16xi32>], vector<16xf32>,
      %add3A_492 = arith.constant 2 : i32
      %add3A_493 = arith.addi %mul3A_429, %add3A_492 : i32
      %get3A_494 = arith.index_cast %add3A_493 : i32 to index
      %get3A_495 = arith.constant 48 : index
      %get3A_496 = tpu.vector_load %arg6[%get3A_494, %get3A_495] {strides = array<i32>} : memref<128x64xf32, #tpu.memory_space<vmem>>, vector<16xf32>,
      tpu.vector_store_idx %arg8[%shift_right_arithmetic3A_25, %and3A_36, %broadcast_in_dim3A_476], %get3A_496 : memref<8x8x129xf32, #tpu.memory_space<vmem>>[vector<16xi32>, vector<16xi32>, vector<16xi32>], vector<16xf32>,
      %add3A_497 = arith.constant 3 : i32
      %add3A_498 = arith.addi %mul3A_429, %add3A_497 : i32
      %broadcast_in_dim3A_499 = vector.broadcast %add3A_498 : i32 to vector<16xi32>
      %add3A_500 = arith.constant 3 : i32
      %add3A_501 = arith.addi %mul3A_429, %add3A_500 : i32
      %get3A_502 = arith.index_cast %add3A_501 : i32 to index
      %get3A_503 = arith.constant 0 : index
      %get3A_504 = tpu.vector_load %arg6[%get3A_502, %get3A_503] {strides = array<i32>} : memref<128x64xf32, #tpu.memory_space<vmem>>, vector<16xf32>,
      tpu.vector_store_idx %arg8[%shift_right_arithmetic3A_16, %and3A_27, %broadcast_in_dim3A_499], %get3A_504 : memref<8x8x129xf32, #tpu.memory_space<vmem>>[vector<16xi32>, vector<16xi32>, vector<16xi32>], vector<16xf32>,
      %add3A_505 = arith.constant 3 : i32
      %add3A_506 = arith.addi %mul3A_429, %add3A_505 : i32
      %get3A_507 = arith.index_cast %add3A_506 : i32 to index
      %get3A_508 = arith.constant 16 : index
      %get3A_509 = tpu.vector_load %arg6[%get3A_507, %get3A_508] {strides = array<i32>} : memref<128x64xf32, #tpu.memory_space<vmem>>, vector<16xf32>,
      tpu.vector_store_idx %arg8[%shift_right_arithmetic3A_19, %and3A_30, %broadcast_in_dim3A_499], %get3A_509 : memref<8x8x129xf32, #tpu.memory_space<vmem>>[vector<16xi32>, vector<16xi32>, vector<16xi32>], vector<16xf32>,
      %add3A_510 = arith.constant 3 : i32
      %add3A_511 = arith.addi %mul3A_429, %add3A_510 : i32
      %get3A_512 = arith.index_cast %add3A_511 : i32 to index
      %get3A_513 = arith.constant 32 : index
      %get3A_514 = tpu.vector_load %arg6[%get3A_512, %get3A_513] {strides = array<i32>} : memref<128x64xf32, #tpu.memory_space<vmem>>, vector<16xf32>,
      tpu.vector_store_idx %arg8[%shift_right_arithmetic3A_22, %and3A_33, %broadcast_in_dim3A_499], %get3A_514 : memref<8x8x129xf32, #tpu.memory_space<vmem>>[vector<16xi32>, vector<16xi32>, vector<16xi32>], vector<16xf32>,
      %add3A_515 = arith.constant 3 : i32
      %add3A_516 = arith.addi %mul3A_429, %add3A_515 : i32
      %get3A_517 = arith.index_cast %add3A_516 : i32 to index
      %get3A_518 = arith.constant 48 : index
      %get3A_519 = tpu.vector_load %arg6[%get3A_517, %get3A_518] {strides = array<i32>} : memref<128x64xf32, #tpu.memory_space<vmem>>, vector<16xf32>,
      tpu.vector_store_idx %arg8[%shift_right_arithmetic3A_25, %and3A_36, %broadcast_in_dim3A_499], %get3A_519 : memref<8x8x129xf32, #tpu.memory_space<vmem>>[vector<16xi32>, vector<16xi32>, vector<16xi32>], vector<16xf32>,
    }
    %scan3A_234 = arith.constant 32 : i32
    %add3A_235 = arith.constant 198 : i32
    %add3A_236 = arith.addi %mul3A_2, %add3A_235 : i32
    %jit3A_237 = arith.constant 128 : i32
    %div3A_238 = arith.divsi %add3A_236, %jit3A_237 : i32
    %sign3A_239 = arith.constant 0 : i32
    %sign3A_240 = arith.cmpi sgt, %add3A_236, %sign3A_239 : i32
    %sign3A_241 = arith.extui %sign3A_240 : i1 to i32
    %sign3A_242 = arith.constant 0 : i32
    %sign3A_243 = arith.cmpi slt, %add3A_236, %sign3A_242 : i32
    %sign3A_244 = arith.extui %sign3A_243 : i1 to i32
    %sign3A_245 = arith.subi %sign3A_241, %sign3A_244 : i32
    %sign3A_246 = arith.constant 0 : i32
    %sign3A_247 = arith.cmpi sgt, %jit3A_237, %sign3A_246 : i32
    %sign3A_248 = arith.extui %sign3A_247 : i1 to i32
    %sign3A_249 = arith.constant 0 : i32
    %sign3A_250 = arith.cmpi slt, %jit3A_237, %sign3A_249 : i32
    %sign3A_251 = arith.extui %sign3A_250 : i1 to i32
    %sign3A_252 = arith.subi %sign3A_248, %sign3A_251 : i32
    %ne3A_253 = arith.cmpi ne, %sign3A_245, %sign3A_252 : i32
    %rem3A_254 = arith.remsi %add3A_236, %jit3A_237 : i32
    %ne3A_255 = arith.constant 0 : i32
    %ne3A_256 = arith.cmpi ne, %rem3A_254, %ne3A_255 : i32
    %and3A_257 = arith.andi %ne3A_253, %ne3A_256 : i1
    %sub3A_258 = arith.constant 1 : i32
    %sub3A_259 = arith.subi %div3A_238, %sub3A_258 : i32
    %select_n3A_260 = arith.select %and3A_257, %sub3A_259, %div3A_238 : i32
    %jit3A_261 = arith.constant 128 : i32
    %eq3A_262 = arith.constant 0 : i32
    %eq3A_263 = arith.cmpi eq, %jit3A_261, %eq3A_262 : i32
    %jit3A_264 = arith.constant 1 : i32
    %select_n3A_265 = arith.select %eq3A_263, %jit3A_264, %jit3A_261 : i32
    %rem3A_266 = arith.remsi %add3A_236, %select_n3A_265 : i32
    %ne3A_267 = arith.constant 0 : i32
    %ne3A_268 = arith.cmpi ne, %rem3A_266, %ne3A_267 : i32
    %lt3A_269 = arith.constant 0 : i32
    %lt3A_270 = arith.cmpi slt, %rem3A_266, %lt3A_269 : i32
    %lt3A_271 = arith.constant 0 : i32
    %lt3A_272 = arith.cmpi slt, %select_n3A_265, %lt3A_271 : i32
    %ne3A_273 = arith.xori %lt3A_270, %lt3A_272 : i1
    %and3A_274 = arith.andi %ne3A_273, %ne3A_268 : i1
    %add3A_275 = arith.addi %rem3A_266, %select_n3A_265 : i32
    %select_n3A_276 = arith.select %and3A_274, %add3A_275, %rem3A_266 : i32
    %dma_start3A_277 = arith.constant 0 : i32
    %dma_start3A_278 = arith.constant 0 : i32
    %dma_start3A_279 = arith.constant 0 : i32
    %dma_start3A_280 = tpu.memref_slice %arg8[%dma_start3A_277, %dma_start3A_278, %dma_start3A_279] : memref<8x8x129xf32, #tpu.memory_space<vmem>> -> memref<8x8x128xf32, #tpu.memory_space<vmem>>
    %dma_start3A_281 = arith.constant 0 : i32
    %dma_start3A_282 = arith.constant 0 : i32
    %dma_start3A_283 = arith.constant 0 : i32
    %dma_start3A_284 = tpu.memref_slice %arg4[%select_n3A_260, %dma_start3A_281, %select_n3A_276, %dma_start3A_282, %dma_start3A_283] : memref<50x8x128x8x128xf32, #tpu.memory_space<hbm>> -> memref<1x8x1x8x128xf32, #tpu.memory_space<hbm>>
    %dma_start3A_285 = tpu.memref_squeeze %dma_start3A_284 : memref<1x8x1x8x128xf32, #tpu.memory_space<hbm>> -> memref<8x8x128xf32, #tpu.memory_space<hbm>>
    %dma_start3A_286 = arith.constant 0 : i32
    %dma_start3A_287 = arith.constant 0 : i32
    %dma_start3A_288 = arith.constant 0 : i32
    %dma_start3A_289 = tpu.memref_slice %arg4[%select_n3A_260, %dma_start3A_286, %select_n3A_276, %dma_start3A_287, %dma_start3A_288] : memref<50x8x128x8x128xf32, #tpu.memory_space<hbm>> -> memref<1x8x1x8x128xf32, #tpu.memory_space<hbm>>
    %dma_start3A_290 = tpu.memref_squeeze %dma_start3A_289 : memref<1x8x1x8x128xf32, #tpu.memory_space<hbm>> -> memref<8x8x128xf32, #tpu.memory_space<hbm>>
    %dma_start3A_291 = arith.constant 0 : i32
    %dma_start3A_292 = arith.constant 0 : i32
    %dma_start3A_293 = arith.constant 0 : i32
    %dma_start3A_294 = tpu.memref_slice %arg8[%dma_start3A_291, %dma_start3A_292, %dma_start3A_293] : memref<8x8x129xf32, #tpu.memory_space<vmem>> -> memref<8x8x128xf32, #tpu.memory_space<vmem>>
    tpu.enqueue_dma source(%dma_start3A_294 : memref<8x8x128xf32, #tpu.memory_space<vmem>>) target(%dma_start3A_290 : memref<8x8x128xf32, #tpu.memory_space<hbm>>) target_semaphore(%arg12 : memref<!tpu.dma_semaphore, #tpu.memory_space<semaphore_mem>>)
    %dma_wait3A_295 = arith.constant 0 : i32
    %dma_wait3A_296 = arith.constant 0 : i32
    %dma_wait3A_297 = tpu.memref_slice %arg2[%dma_wait3A_295, %dma_wait3A_296] : memref<2000000x64xf32, #tpu.memory_space<hbm>> -> memref<128x64xf32, #tpu.memory_space<hbm>>
    %dma_wait3A_298 = arith.constant 0 : i32
    %dma_wait3A_299 = arith.constant 0 : i32
    %dma_wait3A_300 = tpu.memref_slice %arg2[%dma_wait3A_298, %dma_wait3A_299] : memref<2000000x64xf32, #tpu.memory_space<hbm>> -> memref<128x64xf32, #tpu.memory_space<hbm>>
    tpu.wait_dma2 semaphore(%arg11 : memref<!tpu.dma_semaphore, #tpu.memory_space<semaphore_mem>>) src(%dma_wait3A_300 : memref<128x64xf32, #tpu.memory_space<hbm>>) dst(%arg7 : memref<128x64xf32, #tpu.memory_space<vmem>>)
    %dma_wait3A_301 = arith.constant 0 : i32
    %dma_wait3A_302 = arith.constant 0 : i32
    %dma_wait3A_303 = arith.constant 0 : i32
    %dma_wait3A_304 = arith.constant 0 : i32
    %dma_wait3A_305 = arith.constant 0 : i32
    %dma_wait3A_306 = tpu.memref_slice %arg9[%dma_wait3A_303, %dma_wait3A_304, %dma_wait3A_305] : memref<8x8x129xf32, #tpu.memory_space<vmem>> -> memref<8x8x128xf32, #tpu.memory_space<vmem>>
    %dma_wait3A_307 = arith.constant 0 : i32
    %dma_wait3A_308 = arith.constant 0 : i32
    %dma_wait3A_309 = arith.constant 0 : i32
    %dma_wait3A_310 = tpu.memref_slice %arg4[%dma_wait3A_301, %dma_wait3A_307, %dma_wait3A_302, %dma_wait3A_308, %dma_wait3A_309] : memref<50x8x128x8x128xf32, #tpu.memory_space<hbm>> -> memref<1x8x1x8x128xf32, #tpu.memory_space<hbm>>
    %dma_wait3A_311 = tpu.memref_squeeze %dma_wait3A_310 : memref<1x8x1x8x128xf32, #tpu.memory_space<hbm>> -> memref<8x8x128xf32, #tpu.memory_space<hbm>>
    %dma_wait3A_312 = arith.constant 0 : i32
    %dma_wait3A_313 = arith.constant 0 : i32
    %dma_wait3A_314 = arith.constant 0 : i32
    %dma_wait3A_315 = tpu.memref_slice %arg9[%dma_wait3A_312, %dma_wait3A_313, %dma_wait3A_314] : memref<8x8x129xf32, #tpu.memory_space<vmem>> -> memref<8x8x128xf32, #tpu.memory_space<vmem>>
    %dma_wait3A_316 = arith.constant 0 : i32
    %dma_wait3A_317 = arith.constant 0 : i32
    %dma_wait3A_318 = arith.constant 0 : i32
    %dma_wait3A_319 = tpu.memref_slice %arg4[%dma_wait3A_301, %dma_wait3A_316, %dma_wait3A_302, %dma_wait3A_317, %dma_wait3A_318] : memref<50x8x128x8x128xf32, #tpu.memory_space<hbm>> -> memref<1x8x1x8x128xf32, #tpu.memory_space<hbm>>
    %dma_wait3A_320 = tpu.memref_squeeze %dma_wait3A_319 : memref<1x8x1x8x128xf32, #tpu.memory_space<hbm>> -> memref<8x8x128xf32, #tpu.memory_space<hbm>>
    tpu.wait_dma2 semaphore(%arg13 : memref<!tpu.dma_semaphore, #tpu.memory_space<semaphore_mem>>) src(%dma_wait3A_320 : memref<8x8x128xf32, #tpu.memory_space<hbm>>) dst(%dma_wait3A_315 : memref<8x8x128xf32, #tpu.memory_space<vmem>>)
    %scan3A_321 = arith.constant 0 : i32
    %scan3A_322 = arith.constant 0 : i32
    %scan3A_323 = arith.constant 32 : i32
    %scan3A_324 = arith.addi %scan3A_322, %scan3A_323 : i32
    %scan3A_325 = arith.constant 1 : i32
    scf.for %scan3A_427 = %scan3A_322 to %scan3A_324 step %scan3A_325  : i32 {
      %mul3A_428 = arith.constant 4 : i32
      %mul3A_429 = arith.muli %scan3A_427, %mul3A_428 : i32
      %add3A_430 = arith.constant 0 : i32
      %add3A_431 = arith.addi %mul3A_429, %add3A_430 : i32
      %broadcast_in_dim3A = vector.broadcast %add3A_431 : i32 to vector<16xi32>
      %add3A_432 = arith.constant 0 : i32
      %add3A_433 = arith.addi %mul3A_429, %add3A_432 : i32
      %get3A = arith.index_cast %add3A_433 : i32 to index
      %get3A_434 = arith.constant 0 : index
      %get3A_435 = tpu.vector_load %arg7[%get3A, %get3A_434] {strides = array<i32>} : memref<128x64xf32, #tpu.memory_space<vmem>>, vector<16xf32>,
      tpu.vector_store_idx %arg9[%shift_right_arithmetic3A_16, %and3A_27, %broadcast_in_dim3A], %get3A_435 : memref<8x8x129xf32, #tpu.memory_space<vmem>>[vector<16xi32>, vector<16xi32>, vector<16xi32>], vector<16xf32>,
      %add3A_436 = arith.constant 0 : i32
      %add3A_437 = arith.addi %mul3A_429, %add3A_436 : i32
      %get3A_438 = arith.index_cast %add3A_437 : i32 to index
      %get3A_439 = arith.constant 16 : index
      %get3A_440 = tpu.vector_load %arg7[%get3A_438, %get3A_439] {strides = array<i32>} : memref<128x64xf32, #tpu.memory_space<vmem>>, vector<16xf32>,
      tpu.vector_store_idx %arg9[%shift_right_arithmetic3A_19, %and3A_30, %broadcast_in_dim3A], %get3A_440 : memref<8x8x129xf32, #tpu.memory_space<vmem>>[vector<16xi32>, vector<16xi32>, vector<16xi32>], vector<16xf32>,
      %add3A_441 = arith.constant 0 : i32
      %add3A_442 = arith.addi %mul3A_429, %add3A_441 : i32
      %get3A_443 = arith.index_cast %add3A_442 : i32 to index
      %get3A_444 = arith.constant 32 : index
      %get3A_445 = tpu.vector_load %arg7[%get3A_443, %get3A_444] {strides = array<i32>} : memref<128x64xf32, #tpu.memory_space<vmem>>, vector<16xf32>,
      tpu.vector_store_idx %arg9[%shift_right_arithmetic3A_22, %and3A_33, %broadcast_in_dim3A], %get3A_445 : memref<8x8x129xf32, #tpu.memory_space<vmem>>[vector<16xi32>, vector<16xi32>, vector<16xi32>], vector<16xf32>,
      %add3A_446 = arith.constant 0 : i32
      %add3A_447 = arith.addi %mul3A_429, %add3A_446 : i32
      %get3A_448 = arith.index_cast %add3A_447 : i32 to index
      %get3A_449 = arith.constant 48 : index
      %get3A_450 = tpu.vector_load %arg7[%get3A_448, %get3A_449] {strides = array<i32>} : memref<128x64xf32, #tpu.memory_space<vmem>>, vector<16xf32>,
      tpu.vector_store_idx %arg9[%shift_right_arithmetic3A_25, %and3A_36, %broadcast_in_dim3A], %get3A_450 : memref<8x8x129xf32, #tpu.memory_space<vmem>>[vector<16xi32>, vector<16xi32>, vector<16xi32>], vector<16xf32>,
      %add3A_451 = arith.constant 1 : i32
      %add3A_452 = arith.addi %mul3A_429, %add3A_451 : i32
      %broadcast_in_dim3A_453 = vector.broadcast %add3A_452 : i32 to vector<16xi32>
      %add3A_454 = arith.constant 1 : i32
      %add3A_455 = arith.addi %mul3A_429, %add3A_454 : i32
      %get3A_456 = arith.index_cast %add3A_455 : i32 to index
      %get3A_457 = arith.constant 0 : index
      %get3A_458 = tpu.vector_load %arg7[%get3A_456, %get3A_457] {strides = array<i32>} : memref<128x64xf32, #tpu.memory_space<vmem>>, vector<16xf32>,
      tpu.vector_store_idx %arg9[%shift_right_arithmetic3A_16, %and3A_27, %broadcast_in_dim3A_453], %get3A_458 : memref<8x8x129xf32, #tpu.memory_space<vmem>>[vector<16xi32>, vector<16xi32>, vector<16xi32>], vector<16xf32>,
      %add3A_459 = arith.constant 1 : i32
      %add3A_460 = arith.addi %mul3A_429, %add3A_459 : i32
      %get3A_461 = arith.index_cast %add3A_460 : i32 to index
      %get3A_462 = arith.constant 16 : index
      %get3A_463 = tpu.vector_load %arg7[%get3A_461, %get3A_462] {strides = array<i32>} : memref<128x64xf32, #tpu.memory_space<vmem>>, vector<16xf32>,
      tpu.vector_store_idx %arg9[%shift_right_arithmetic3A_19, %and3A_30, %broadcast_in_dim3A_453], %get3A_463 : memref<8x8x129xf32, #tpu.memory_space<vmem>>[vector<16xi32>, vector<16xi32>, vector<16xi32>], vector<16xf32>,
      %add3A_464 = arith.constant 1 : i32
      %add3A_465 = arith.addi %mul3A_429, %add3A_464 : i32
      %get3A_466 = arith.index_cast %add3A_465 : i32 to index
      %get3A_467 = arith.constant 32 : index
      %get3A_468 = tpu.vector_load %arg7[%get3A_466, %get3A_467] {strides = array<i32>} : memref<128x64xf32, #tpu.memory_space<vmem>>, vector<16xf32>,
      tpu.vector_store_idx %arg9[%shift_right_arithmetic3A_22, %and3A_33, %broadcast_in_dim3A_453], %get3A_468 : memref<8x8x129xf32, #tpu.memory_space<vmem>>[vector<16xi32>, vector<16xi32>, vector<16xi32>], vector<16xf32>,
      %add3A_469 = arith.constant 1 : i32
      %add3A_470 = arith.addi %mul3A_429, %add3A_469 : i32
      %get3A_471 = arith.index_cast %add3A_470 : i32 to index
      %get3A_472 = arith.constant 48 : index
      %get3A_473 = tpu.vector_load %arg7[%get3A_471, %get3A_472] {strides = array<i32>} : memref<128x64xf32, #tpu.memory_space<vmem>>, vector<16xf32>,
      tpu.vector_store_idx %arg9[%shift_right_arithmetic3A_25, %and3A_36, %broadcast_in_dim3A_453], %get3A_473 : memref<8x8x129xf32, #tpu.memory_space<vmem>>[vector<16xi32>, vector<16xi32>, vector<16xi32>], vector<16xf32>,
      %add3A_474 = arith.constant 2 : i32
      %add3A_475 = arith.addi %mul3A_429, %add3A_474 : i32
      %broadcast_in_dim3A_476 = vector.broadcast %add3A_475 : i32 to vector<16xi32>
      %add3A_477 = arith.constant 2 : i32
      %add3A_478 = arith.addi %mul3A_429, %add3A_477 : i32
      %get3A_479 = arith.index_cast %add3A_478 : i32 to index
      %get3A_480 = arith.constant 0 : index
      %get3A_481 = tpu.vector_load %arg7[%get3A_479, %get3A_480] {strides = array<i32>} : memref<128x64xf32, #tpu.memory_space<vmem>>, vector<16xf32>,
      tpu.vector_store_idx %arg9[%shift_right_arithmetic3A_16, %and3A_27, %broadcast_in_dim3A_476], %get3A_481 : memref<8x8x129xf32, #tpu.memory_space<vmem>>[vector<16xi32>, vector<16xi32>, vector<16xi32>], vector<16xf32>,
      %add3A_482 = arith.constant 2 : i32
      %add3A_483 = arith.addi %mul3A_429, %add3A_482 : i32
      %get3A_484 = arith.index_cast %add3A_483 : i32 to index
      %get3A_485 = arith.constant 16 : index
      %get3A_486 = tpu.vector_load %arg7[%get3A_484, %get3A_485] {strides = array<i32>} : memref<128x64xf32, #tpu.memory_space<vmem>>, vector<16xf32>,
      tpu.vector_store_idx %arg9[%shift_right_arithmetic3A_19, %and3A_30, %broadcast_in_dim3A_476], %get3A_486 : memref<8x8x129xf32, #tpu.memory_space<vmem>>[vector<16xi32>, vector<16xi32>, vector<16xi32>], vector<16xf32>,
      %add3A_487 = arith.constant 2 : i32
      %add3A_488 = arith.addi %mul3A_429, %add3A_487 : i32
      %get3A_489 = arith.index_cast %add3A_488 : i32 to index
      %get3A_490 = arith.constant 32 : index
      %get3A_491 = tpu.vector_load %arg7[%get3A_489, %get3A_490] {strides = array<i32>} : memref<128x64xf32, #tpu.memory_space<vmem>>, vector<16xf32>,
      tpu.vector_store_idx %arg9[%shift_right_arithmetic3A_22, %and3A_33, %broadcast_in_dim3A_476], %get3A_491 : memref<8x8x129xf32, #tpu.memory_space<vmem>>[vector<16xi32>, vector<16xi32>, vector<16xi32>], vector<16xf32>,
      %add3A_492 = arith.constant 2 : i32
      %add3A_493 = arith.addi %mul3A_429, %add3A_492 : i32
      %get3A_494 = arith.index_cast %add3A_493 : i32 to index
      %get3A_495 = arith.constant 48 : index
      %get3A_496 = tpu.vector_load %arg7[%get3A_494, %get3A_495] {strides = array<i32>} : memref<128x64xf32, #tpu.memory_space<vmem>>, vector<16xf32>,
      tpu.vector_store_idx %arg9[%shift_right_arithmetic3A_25, %and3A_36, %broadcast_in_dim3A_476], %get3A_496 : memref<8x8x129xf32, #tpu.memory_space<vmem>>[vector<16xi32>, vector<16xi32>, vector<16xi32>], vector<16xf32>,
      %add3A_497 = arith.constant 3 : i32
      %add3A_498 = arith.addi %mul3A_429, %add3A_497 : i32
      %broadcast_in_dim3A_499 = vector.broadcast %add3A_498 : i32 to vector<16xi32>
      %add3A_500 = arith.constant 3 : i32
      %add3A_501 = arith.addi %mul3A_429, %add3A_500 : i32
      %get3A_502 = arith.index_cast %add3A_501 : i32 to index
      %get3A_503 = arith.constant 0 : index
      %get3A_504 = tpu.vector_load %arg7[%get3A_502, %get3A_503] {strides = array<i32>} : memref<128x64xf32, #tpu.memory_space<vmem>>, vector<16xf32>,
      tpu.vector_store_idx %arg9[%shift_right_arithmetic3A_16, %and3A_27, %broadcast_in_dim3A_499], %get3A_504 : memref<8x8x129xf32, #tpu.memory_space<vmem>>[vector<16xi32>, vector<16xi32>, vector<16xi32>], vector<16xf32>,
      %add3A_505 = arith.constant 3 : i32
      %add3A_506 = arith.addi %mul3A_429, %add3A_505 : i32
      %get3A_507 = arith.index_cast %add3A_506 : i32 to index
      %get3A_508 = arith.constant 16 : index
      %get3A_509 = tpu.vector_load %arg7[%get3A_507, %get3A_508] {strides = array<i32>} : memref<128x64xf32, #tpu.memory_space<vmem>>, vector<16xf32>,
      tpu.vector_store_idx %arg9[%shift_right_arithmetic3A_19, %and3A_30, %broadcast_in_dim3A_499], %get3A_509 : memref<8x8x129xf32, #tpu.memory_space<vmem>>[vector<16xi32>, vector<16xi32>, vector<16xi32>], vector<16xf32>,
      %add3A_510 = arith.constant 3 : i32
      %add3A_511 = arith.addi %mul3A_429, %add3A_510 : i32
      %get3A_512 = arith.index_cast %add3A_511 : i32 to index
      %get3A_513 = arith.constant 32 : index
      %get3A_514 = tpu.vector_load %arg7[%get3A_512, %get3A_513] {strides = array<i32>} : memref<128x64xf32, #tpu.memory_space<vmem>>, vector<16xf32>,
      tpu.vector_store_idx %arg9[%shift_right_arithmetic3A_22, %and3A_33, %broadcast_in_dim3A_499], %get3A_514 : memref<8x8x129xf32, #tpu.memory_space<vmem>>[vector<16xi32>, vector<16xi32>, vector<16xi32>], vector<16xf32>,
      %add3A_515 = arith.constant 3 : i32
      %add3A_516 = arith.addi %mul3A_429, %add3A_515 : i32
      %get3A_517 = arith.index_cast %add3A_516 : i32 to index
      %get3A_518 = arith.constant 48 : index
      %get3A_519 = tpu.vector_load %arg7[%get3A_517, %get3A_518] {strides = array<i32>} : memref<128x64xf32, #tpu.memory_space<vmem>>, vector<16xf32>,
      tpu.vector_store_idx %arg9[%shift_right_arithmetic3A_25, %and3A_36, %broadcast_in_dim3A_499], %get3A_519 : memref<8x8x129xf32, #tpu.memory_space<vmem>>[vector<16xi32>, vector<16xi32>, vector<16xi32>], vector<16xf32>,
    }
    %scan3A_326 = arith.constant 32 : i32
    %add3A_327 = arith.constant 199 : i32
    %add3A_328 = arith.addi %mul3A_2, %add3A_327 : i32
    %jit3A_329 = arith.constant 128 : i32
    %div3A_330 = arith.divsi %add3A_328, %jit3A_329 : i32
    %sign3A_331 = arith.constant 0 : i32
    %sign3A_332 = arith.cmpi sgt, %add3A_328, %sign3A_331 : i32
    %sign3A_333 = arith.extui %sign3A_332 : i1 to i32
    %sign3A_334 = arith.constant 0 : i32
    %sign3A_335 = arith.cmpi slt, %add3A_328, %sign3A_334 : i32
    %sign3A_336 = arith.extui %sign3A_335 : i1 to i32
    %sign3A_337 = arith.subi %sign3A_333, %sign3A_336 : i32
    %sign3A_338 = arith.constant 0 : i32
    %sign3A_339 = arith.cmpi sgt, %jit3A_329, %sign3A_338 : i32
    %sign3A_340 = arith.extui %sign3A_339 : i1 to i32
    %sign3A_341 = arith.constant 0 : i32
    %sign3A_342 = arith.cmpi slt, %jit3A_329, %sign3A_341 : i32
    %sign3A_343 = arith.extui %sign3A_342 : i1 to i32
    %sign3A_344 = arith.subi %sign3A_340, %sign3A_343 : i32
    %ne3A_345 = arith.cmpi ne, %sign3A_337, %sign3A_344 : i32
    %rem3A_346 = arith.remsi %add3A_328, %jit3A_329 : i32
    %ne3A_347 = arith.constant 0 : i32
    %ne3A_348 = arith.cmpi ne, %rem3A_346, %ne3A_347 : i32
    %and3A_349 = arith.andi %ne3A_345, %ne3A_348 : i1
    %sub3A_350 = arith.constant 1 : i32
    %sub3A_351 = arith.subi %div3A_330, %sub3A_350 : i32
    %select_n3A_352 = arith.select %and3A_349, %sub3A_351, %div3A_330 : i32
    %jit3A_353 = arith.constant 128 : i32
    %eq3A_354 = arith.constant 0 : i32
    %eq3A_355 = arith.cmpi eq, %jit3A_353, %eq3A_354 : i32
    %jit3A_356 = arith.constant 1 : i32
    %select_n3A_357 = arith.select %eq3A_355, %jit3A_356, %jit3A_353 : i32
    %rem3A_358 = arith.remsi %add3A_328, %select_n3A_357 : i32
    %ne3A_359 = arith.constant 0 : i32
    %ne3A_360 = arith.cmpi ne, %rem3A_358, %ne3A_359 : i32
    %lt3A_361 = arith.constant 0 : i32
    %lt3A_362 = arith.cmpi slt, %rem3A_358, %lt3A_361 : i32
    %lt3A_363 = arith.constant 0 : i32
    %lt3A_364 = arith.cmpi slt, %select_n3A_357, %lt3A_363 : i32
    %ne3A_365 = arith.xori %lt3A_362, %lt3A_364 : i1
    %and3A_366 = arith.andi %ne3A_365, %ne3A_360 : i1
    %add3A_367 = arith.addi %rem3A_358, %select_n3A_357 : i32
    %select_n3A_368 = arith.select %and3A_366, %add3A_367, %rem3A_358 : i32
    %dma_start3A_369 = arith.constant 0 : i32
    %dma_start3A_370 = arith.constant 0 : i32
    %dma_start3A_371 = arith.constant 0 : i32
    %dma_start3A_372 = tpu.memref_slice %arg9[%dma_start3A_369, %dma_start3A_370, %dma_start3A_371] : memref<8x8x129xf32, #tpu.memory_space<vmem>> -> memref<8x8x128xf32, #tpu.memory_space<vmem>>
    %dma_start3A_373 = arith.constant 0 : i32
    %dma_start3A_374 = arith.constant 0 : i32
    %dma_start3A_375 = arith.constant 0 : i32
    %dma_start3A_376 = tpu.memref_slice %arg4[%select_n3A_352, %dma_start3A_373, %select_n3A_368, %dma_start3A_374, %dma_start3A_375] : memref<50x8x128x8x128xf32, #tpu.memory_space<hbm>> -> memref<1x8x1x8x128xf32, #tpu.memory_space<hbm>>
    %dma_start3A_377 = tpu.memref_squeeze %dma_start3A_376 : memref<1x8x1x8x128xf32, #tpu.memory_space<hbm>> -> memref<8x8x128xf32, #tpu.memory_space<hbm>>
    %dma_start3A_378 = arith.constant 0 : i32
    %dma_start3A_379 = arith.constant 0 : i32
    %dma_start3A_380 = arith.constant 0 : i32
    %dma_start3A_381 = tpu.memref_slice %arg4[%select_n3A_352, %dma_start3A_378, %select_n3A_368, %dma_start3A_379, %dma_start3A_380] : memref<50x8x128x8x128xf32, #tpu.memory_space<hbm>> -> memref<1x8x1x8x128xf32, #tpu.memory_space<hbm>>
    %dma_start3A_382 = tpu.memref_squeeze %dma_start3A_381 : memref<1x8x1x8x128xf32, #tpu.memory_space<hbm>> -> memref<8x8x128xf32, #tpu.memory_space<hbm>>
    %dma_start3A_383 = arith.constant 0 : i32
    %dma_start3A_384 = arith.constant 0 : i32
    %dma_start3A_385 = arith.constant 0 : i32
    %dma_start3A_386 = tpu.memref_slice %arg9[%dma_start3A_383, %dma_start3A_384, %dma_start3A_385] : memref<8x8x129xf32, #tpu.memory_space<vmem>> -> memref<8x8x128xf32, #tpu.memory_space<vmem>>
    tpu.enqueue_dma source(%dma_start3A_386 : memref<8x8x128xf32, #tpu.memory_space<vmem>>) target(%dma_start3A_382 : memref<8x8x128xf32, #tpu.memory_space<hbm>>) target_semaphore(%arg13 : memref<!tpu.dma_semaphore, #tpu.memory_space<semaphore_mem>>)
    %dma_wait3A_387 = arith.constant 0 : i32
    %dma_wait3A_388 = arith.constant 0 : i32
    %dma_wait3A_389 = arith.constant 0 : i32
    %dma_wait3A_390 = arith.constant 0 : i32
    %dma_wait3A_391 = arith.constant 0 : i32
    %dma_wait3A_392 = tpu.memref_slice %arg8[%dma_wait3A_389, %dma_wait3A_390, %dma_wait3A_391] : memref<8x8x129xf32, #tpu.memory_space<vmem>> -> memref<8x8x128xf32, #tpu.memory_space<vmem>>
    %dma_wait3A_393 = arith.constant 0 : i32
    %dma_wait3A_394 = arith.constant 0 : i32
    %dma_wait3A_395 = arith.constant 0 : i32
    %dma_wait3A_396 = tpu.memref_slice %arg4[%dma_wait3A_387, %dma_wait3A_393, %dma_wait3A_388, %dma_wait3A_394, %dma_wait3A_395] : memref<50x8x128x8x128xf32, #tpu.memory_space<hbm>> -> memref<1x8x1x8x128xf32, #tpu.memory_space<hbm>>
    %dma_wait3A_397 = tpu.memref_squeeze %dma_wait3A_396 : memref<1x8x1x8x128xf32, #tpu.memory_space<hbm>> -> memref<8x8x128xf32, #tpu.memory_space<hbm>>
    %dma_wait3A_398 = arith.constant 0 : i32
    %dma_wait3A_399 = arith.constant 0 : i32
    %dma_wait3A_400 = arith.constant 0 : i32
    %dma_wait3A_401 = tpu.memref_slice %arg8[%dma_wait3A_398, %dma_wait3A_399, %dma_wait3A_400] : memref<8x8x129xf32, #tpu.memory_space<vmem>> -> memref<8x8x128xf32, #tpu.memory_space<vmem>>
    %dma_wait3A_402 = arith.constant 0 : i32
    %dma_wait3A_403 = arith.constant 0 : i32
    %dma_wait3A_404 = arith.constant 0 : i32
    %dma_wait3A_405 = tpu.memref_slice %arg4[%dma_wait3A_387, %dma_wait3A_402, %dma_wait3A_388, %dma_wait3A_403, %dma_wait3A_404] : memref<50x8x128x8x128xf32, #tpu.memory_space<hbm>> -> memref<1x8x1x8x128xf32, #tpu.memory_space<hbm>>
    %dma_wait3A_406 = tpu.memref_squeeze %dma_wait3A_405 : memref<1x8x1x8x128xf32, #tpu.memory_space<hbm>> -> memref<8x8x128xf32, #tpu.memory_space<hbm>>
    tpu.wait_dma2 semaphore(%arg12 : memref<!tpu.dma_semaphore, #tpu.memory_space<semaphore_mem>>) src(%dma_wait3A_406 : memref<8x8x128xf32, #tpu.memory_space<hbm>>) dst(%dma_wait3A_401 : memref<8x8x128xf32, #tpu.memory_space<vmem>>)
    %dma_wait3A_407 = arith.constant 0 : i32
    %dma_wait3A_408 = arith.constant 0 : i32
    %dma_wait3A_409 = arith.constant 0 : i32
    %dma_wait3A_410 = arith.constant 0 : i32
    %dma_wait3A_411 = arith.constant 0 : i32
    %dma_wait3A_412 = tpu.memref_slice %arg9[%dma_wait3A_409, %dma_wait3A_410, %dma_wait3A_411] : memref<8x8x129xf32, #tpu.memory_space<vmem>> -> memref<8x8x128xf32, #tpu.memory_space<vmem>>
    %dma_wait3A_413 = arith.constant 0 : i32
    %dma_wait3A_414 = arith.constant 0 : i32
    %dma_wait3A_415 = arith.constant 0 : i32
    %dma_wait3A_416 = tpu.memref_slice %arg4[%dma_wait3A_407, %dma_wait3A_413, %dma_wait3A_408, %dma_wait3A_414, %dma_wait3A_415] : memref<50x8x128x8x128xf32, #tpu.memory_space<hbm>> -> memref<1x8x1x8x128xf32, #tpu.memory_space<hbm>>
    %dma_wait3A_417 = tpu.memref_squeeze %dma_wait3A_416 : memref<1x8x1x8x128xf32, #tpu.memory_space<hbm>> -> memref<8x8x128xf32, #tpu.memory_space<hbm>>
    %dma_wait3A_418 = arith.constant 0 : i32
    %dma_wait3A_419 = arith.constant 0 : i32
    %dma_wait3A_420 = arith.constant 0 : i32
    %dma_wait3A_421 = tpu.memref_slice %arg9[%dma_wait3A_418, %dma_wait3A_419, %dma_wait3A_420] : memref<8x8x129xf32, #tpu.memory_space<vmem>> -> memref<8x8x128xf32, #tpu.memory_space<vmem>>
    %dma_wait3A_422 = arith.constant 0 : i32
    %dma_wait3A_423 = arith.constant 0 : i32
    %dma_wait3A_424 = arith.constant 0 : i32
    %dma_wait3A_425 = tpu.memref_slice %arg4[%dma_wait3A_407, %dma_wait3A_422, %dma_wait3A_408, %dma_wait3A_423, %dma_wait3A_424] : memref<50x8x128x8x128xf32, #tpu.memory_space<hbm>> -> memref<1x8x1x8x128xf32, #tpu.memory_space<hbm>>
    %dma_wait3A_426 = tpu.memref_squeeze %dma_wait3A_425 : memref<1x8x1x8x128xf32, #tpu.memory_space<hbm>> -> memref<8x8x128xf32, #tpu.memory_space<hbm>>
    tpu.wait_dma2 semaphore(%arg13 : memref<!tpu.dma_semaphore, #tpu.memory_space<semaphore_mem>>) src(%dma_wait3A_426 : memref<8x8x128xf32, #tpu.memory_space<hbm>>) dst(%dma_wait3A_421 : memref<8x8x128xf32, #tpu.memory_space<vmem>>)
    return
  }
}

</mosaic_0001>

<sc_bundles>
// kernel: _sc_gather.3.cloned.1.call-start
scs
__scs_entry_jumppad:
0x0: {  	(pc) =	sbr.rel $0x88, $3  }
0x1: {  	(tag) =	ssettag $0x0;
	lr =	simm.s32 $0x1  }
0x2: {  	[smem:$0x3F9F] =	sst lr;
	_ =	strace $0xD0000000  }
0x3: {  	_ = 	snop  }
0x4: {  	_ = 	snop  }
0x5: {  	_ = 	snop  }
0x6: {  	_ = 	snop  }
0x7: {  	_ = 	snop  }
__scs_overlays_trampoline_lowered:
0x8: {  	[smem:$0x3FAE] =	sst s0  }
0x9: {  	[smem:$0x3FAF] =	sst s1  }
0xa: {  	[smem:$0x3FB0] =	sst s2  }
0xb: {  	[smem:$0x3FB1] =	sst s3  }
0xc: {  	[smem:$0x3FB2] =	sst s4  }
0xd: {  	[smem:$0x3FB3] =	sst s5  }
0xe: {  	[smem:$0x3FB4] =	sst s6  }
0xf: {  	[smem:$0x3FB5] =	sst s7  }
0x10: {  	[smem:$0x3FB6] =	sst s8  }
0x11: {  	[smem:$0x3FB7] =	sst s9;
	s0 =	simm.s32 @!p0 $0x0  }
0x12: {  	s1 =	sld [smem:$0x3F9D];
	s0 =	simm.s32 @p0 $0x1  }
0x13: {  	[smem:$0x3FB8] =	sst s0;
	s0 =	simm.s32 @!p1 $0x0  }
0x14: {  	s2 =	sld [smem:$0x3F9C];
	s0 =	simm.s32 @p1 $0x1  }
0x15: {  	[smem:$0x3FB9] =	sst s0;
	s0 =	simm.s32 @!p2 $0x0  }
0x16: {  	s3 =	sld [smem:$0x3FDB];
	s0 =	simm.s32 @p2 $0x1  }
0x17: {  	s4 =	simm.s32 $0x1BF5;
	[smem:$0x3FBB] =	sst s0  }
0x18: {  	s0 =	sld [smem:$0x3F9E];
	_ =	swait.ge [sflag:s4], $0x0  }
0x19: {  	s7 =	sld [smem:$0x3F9F]  }
0x1a: {  	s8 =	sadd.s32 $0xFFFFE003, lr  }
0x1b: {  	s9 =	sadd.s32 $0xFFFFFEF7, lr;
	s5 =	simm.s32 $0xFFFFFFFF;
	p2 =	slt.u32 s8, $0xFFFFF086  }
0x1c: {  	p1 =	slt.u32 s9, $0xF7A;
	s5 =	simm.s32 @!p2 $0x0  }
0x1d: {  	s5 =	simm.s32 @p1 $0x1;
	p0 =	seq.s32 s7, s2  }
0x1e: {  	s7 =	smul.u32 @!p0 $0xF7A, s2;
	p2 =	seq.s32 @!p0 s5, $0x0  }
0x1f: {  	s9 =	smul.u32 $0xF7A, s1;
	s8 =	simm.s32 @!p0 $0x1BF5;
	p2 =	por !p2, p0  }
0x20: {  	[sflag:s8] =	ssyncset.s32 @!p0 $0xFFFFF086;
	s6 =	sadd.s32 @!p0 s3, s7;
	s7 =	simm.s32 @!p0 $0x108  }
0x21: {  	s3 =	sadd.s32 s3, s9;
	s6 =	sadd.s32 @!p0 $0x88, s6;
	s7 =	simm.s32 @p2 $0x1082  }
0x22: {  	[simem:s7], [sflag:s8] =	dma.local @!p0 [hbm:s6], $0xF7A  }
0x23: {  	s9 =	sor.u32 $0xD0000000, s2;
	s6 =	simm.s32 $0x108;
	_ =	swait.ge @!p0 [sflag:s8], $0x0  }
0x24: {  	s3 =	sadd.s32 $0x88, s3;
	s6 =	simm.s32 @!p1 $0x1082;
	[sflag:s4] =	ssyncset.s32 $0xFFFFF086  }
0x25: {  	[simem:s6], [sflag:s4] =	dma.local [hbm:s3], $0xF7A  }
0x26: {  	[smem:$0x3F9F] =	sst s1;
	(tag) =	ssettag s2;
	_ =	strace s9  }
0x27: {  	s1 =	sld [smem:$0x3FAF]  }
0x28: {  	s2 =	sld [smem:$0x3FB0]  }
0x29: {  	s4 =	sld [smem:$0x3FB2]  }
0x2a: {  	p0 =	seq.s32 s5, $0x0;
	s5 =	sld [smem:$0x3FB3]  }
0x2b: {  	s6 =	sld [smem:$0x3FB4]  }
0x2c: {  	s7 =	sld [smem:$0x3FB5]  }
0x2d: {  	s3 =	simm.s32 $0x108;
	s8 =	sld [smem:$0x3FB6]  }
0x2e: {  	s3 =	simm.s32 @!p0 $0x1082;
	s9 =	sld [smem:$0x3FB7]  }
0x2f: {  	lr =	sadd.s32 s0, s3;
	s0 =	sld [smem:$0x3FAE]  }
0x30: {  	s3 =	sld [smem:$0x3FB1]  }
0x31: {  	[smem:$0x3FBA] =	sst s10  }
0x32: {  	s10 =	sld [smem:$0x3FB8];
	_ =	sdelay $0x3  }
0x33: {  	p0 =	seq.s32 s10, $0x1;
	s10 =	sld [smem:$0x3FBA];
	_ =	sdelay $0x3  }
0x34: {  	[smem:$0x3FBA] =	sst s10  }
0x35: {  	s10 =	sld [smem:$0x3FB9];
	_ =	sdelay $0x3  }
0x36: {  	p1 =	seq.s32 s10, $0x1;
	s10 =	sld [smem:$0x3FBA];
	_ =	sdelay $0x3  }
0x37: {  	[smem:$0x3FBA] =	sst s10  }
0x38: {  	s10 =	sld [smem:$0x3FBB]  }
0x39: {  	_ = 	snop;
	(pc) =	sbr.ind lr, $3  }
0x3a: {  	_ = 	snop  }
0x3b: {  	_ = 	snop  }
0x3c: {  	p2 =	seq.s32 s10, $0x1;
	s10 =	sld [smem:$0x3FBA]  }
0x3d: {  	_ =	shalt  }
0x3e: {  	_ =	shalt  }
0x3f: {  	_ =	shalt  }
0x40: {  	_ =	shalt  }
0x41: {  	_ =	shalt  }
0x42: {  	_ =	shalt  }
0x43: {  	_ =	shalt  }
0x44: {  	_ =	shalt  }
0x45: {  	_ =	shalt  }
0x46: {  	_ =	shalt  }
0x47: {  	_ =	shalt  }
0x48: {  	_ =	shalt  }
0x49: {  	_ =	shalt  }
0x4a: {  	_ =	shalt  }
0x4b: {  	_ =	shalt  }
0x4c: {  	_ =	shalt  }
0x4d: {  	_ =	shalt  }
0x4e: {  	_ =	shalt  }
0x4f: {  	_ =	shalt  }
0x50: {  	_ =	shalt  }
0x51: {  	_ =	shalt  }
0x52: {  	_ =	shalt  }
0x53: {  	_ =	shalt  }
0x54: {  	_ =	shalt  }
0x55: {  	_ =	shalt  }
0x56: {  	_ =	shalt  }
0x57: {  	_ =	shalt  }
0x58: {  	_ =	shalt  }
0x59: {  	_ =	shalt  }
0x5a: {  	_ =	shalt  }
0x5b: {  	_ =	shalt  }
0x5c: {  	_ =	shalt  }
0x5d: {  	_ =	shalt  }
0x5e: {  	_ =	shalt  }
0x5f: {  	_ =	shalt  }
0x60: {  	_ =	shalt  }
0x61: {  	_ =	shalt  }
0x62: {  	_ =	shalt  }
0x63: {  	_ =	shalt  }
0x64: {  	_ =	shalt  }
0x65: {  	_ =	shalt  }
0x66: {  	_ =	shalt  }
0x67: {  	_ =	shalt  }
0x68: {  	_ =	shalt  }
0x69: {  	_ =	shalt  }
0x6a: {  	_ =	shalt  }
0x6b: {  	_ =	shalt  }
0x6c: {  	_ =	shalt  }
0x6d: {  	_ =	shalt  }
0x6e: {  	_ =	shalt  }
0x6f: {  	_ =	shalt  }
0x70: {  	_ =	shalt  }
0x71: {  	_ =	shalt  }
0x72: {  	_ =	shalt  }
0x73: {  	_ =	shalt  }
0x74: {  	_ =	shalt  }
0x75: {  	_ =	shalt  }
0x76: {  	_ =	shalt  }
0x77: {  	_ =	shalt  }
0x78: {  	_ =	shalt  }
0x79: {  	_ =	shalt  }
0x7a: {  	_ =	shalt  }
0x7b: {  	_ =	shalt  }
0x7c: {  	_ =	shalt  }
0x7d: {  	_ =	shalt  }
0x7e: {  	_ =	shalt  }
0x7f: {  	_ =	shalt  }
0x80: {  	_ =	shalt  }
0x81: {  	_ =	shalt  }
0x82: {  	_ =	shalt  }
0x83: {  	_ =	shalt  }
0x84: {  	_ =	shalt  }
0x85: {  	_ =	shalt  }
0x86: {  	_ =	shalt  }
0x87: {  	_ =	shalt  }
.Lfunc_end0:
.L_simem_size_0:
called_computation_lowered:
.L_overlay_start_0:
0x88: {  	s2 =	sld [smem:$0x3FD9]  }
0x89: {  	s3 =	sld [smem:$0x3FFE];
	_ =	sdelay $0x1  }
0x8a: {  	s1 =	srdreg.scid  }
0x8b: {  	s0 =	sand.u32 $0x1, s1  }
0x8c: {  	s17 =	sshll.u32 s0, $0xA;
	s2 =	sadd.s32 s3, s2  }
0x8d: {  	s2 =	sadd.s32 s2, s17  }
0x8e: {  	[smem:$0x3FC6] =	sst s2  }
0x8f: {  	_ = 	snop  }
0x90: {  	s2 =	sld [smem:$0x3FC8]  }
0x91: {  	s18 =	sld [smem:$0x3FD0];
	(tm) =	ssettm $0x1  }
0x92: {  	s4 =	sld [smem:$0x3FFB];
	_ =	sdelay $0x3  }
0x93: {  	_ =	strace s4  }
0x94: {  	s4 =	sld [smem:$0x3FFC];
	_ =	sdelay $0x3  }
0x95: {  	_ =	strace s4  }
0x96: {  	s4 =	sld [smem:$0x3FFD];
	_ =	sdelay $0x3  }
0x97: {  	_ =	strace s4  }
0x98: {  	_ =	strace $0x8FFFFFFF  }
0x99: {  	s19 =	sld [smem:$0x3FDB];
	_ =	sdelay $0x1  }
0x9a: {  	s5 =	simm.s32 $_scs_section_size  }
0x9b: {  	s6 =	simm.s32 $_size__tile_overlayer_lowered;
	s7 =	simm.s32 $_tile_overlayer_lowered  }
0x9c: {  	s22 =	simm.s32 $0x1BFF;
	s21 =	sshll.u32 s7, $0x1;
	s4 =	sadd.s32 s5, s19  }
0x9d: {  	s8 =	simm.s32 $0x0;
	s20 =	sshll.u32 s6, $0x1;
	s6 =	sadd.s32 s21, s4  }
0x9e: {  	[timem:s8], [sflag:s22] =	dma.local [hbm:s6], s20  }
0x9f: {  	_ =	swait.ge [sflag:s22], s20  }
0xa0: {  	s5 =	ssub.s32 $0x0, s20;
	[sflag:s22] =	ssyncset.done $0x0  }
0xa1: {  	[sflag:s22] =	ssyncadd.s32 s5;
	_ =	sdelay $0x1  }
0xa2: {  	s23 =	simm.s32 $0x1B8B  }
0xa3: {  	_ =	swait.ge [sflag:s23], $0x1  }
0xa4: {  	[sflag:s23] =	ssyncset.done $0x0  }
0xa5: {  	s25 =	simm.s32 $0x1B8E;
	s24 =	sld [smem:$0x3FFE];
	[sflag:s23] =	ssyncadd.s32 $0xFFFFFFFF  }
0xa6: {  	s26 =	simm.s32 $execute0_lowered;
	[smem:$0x3FD2] =	sst s25  }
0xa7: {  	s6 =	sshll.u32 s26, $0x1;
	_ =	strace $0x80000046;
	[dreg:$0x1] =	wrdreg $0xFFFFFFFF  }
0xa8: {  	s28 =	simm.s32 $_size_execute0_lowered;
	s4 =	sadd.s32 s4, s6;
	[dreg:$0x0] =	wrdreg $0x0  }
0xa9: {  	s6 =	sshll.u32 s28, $0x1;
	[dreg:$0x2] =	wrdreg s4  }
0xaa: {  	[dreg:$0x3] =	wrdreg s6  }
0xab: {  	[dreg:$0x4] =	wrdreg $0xC0  }
0xac: {  	_ =	task [dreg:s8], $0x5FFFF  }
0xad: {  	[dreg:$0x1] =	wrdreg $0xFFFFFFFF  }
0xae: {  	[dreg:$0x0] =	wrdreg $0x60  }
0xaf: {  	[dreg:$0x2] =	wrdreg s24  }
0xb0: {  	[dreg:$0x3] =	wrdreg s2  }
0xb1: {  	[dreg:$0x4] =	wrdreg s18  }
0xb2: {  	[dreg:$0x5] =	wrdreg $0x9  }
0xb3: {  	_ =	task.clear_ibuf [dreg:s8], $0x6FFFF;
	_ =	strace $0x90000046  }
0xb4: {  	s29 =	simm.s32 $0x9;
	_ =	strace $0x80000048  }
0xb5: {  	_ =	swait.ge [sflag:s29], $0x1  }
0xb6: {  	[sflag:s29] =	ssyncadd.s32 $0xFFFFFFFF  }
0xb7: {  	_ =	strace $0x90000048  }
0xb8: {  	_ =	sfence  }
0xb9: {  	s30 =	sld [smem:$0x0];
	_ =	sdelay $0x2  }
0xba: {  	s31 =	sshll.u32 s1, $0xD;
	s1 =	sshrl.u32 s1, $0x2  }
0xbb: {  	s3 =	sand.u32 $0x4000, s31;
	s1 =	sadd.s32 s1, s30  }
0xbc: {  	s0 =	sor.u32 s3, s0;
	s1 =	sshll.u32 s1, $0x11  }
0xbd: {  	s0 =	sor.u32 s1, s0  }
0xbe: {  	s0 =	sadd.s32 $0x8F2B, s0  }
0xbf: {  	[sflag:s0] =	ssyncadd.remote.s32 $0x1  }
0xc0: {  	_ =	sfence.sel $0xFFFF  }
0xc1: {  	[dreg:$0x0] =	wrdreg $0xFFFFFFFF;
	(pc) =	sbr.abs _section_cstart, $3  }
0xc2: {  	[dreg:$0x1] =	wrdreg $0xFFFFFFFF  }
0xc3: {  	_ =	task.clear_ibuf [dreg:s8], $0x2FFFF;
	_ =	strace $0x9FFFFFFF  }
0xc4: {  	(tm) =	ssettm $0x7FFFFFFF  }
0xc5: {  	_ =	shalt  }
tec
execute0_lowered:
.L_overlay_start_1:
0x0: {  	(tag) =	ssettag $0x1  }
0x1: {  	s1 =	srdreg.scid;
	s5 =	rddreg [dreg:$0x0]  }
0x2: {  	s0 =	stileid.u32;
	s7 =	rddreg [dreg:$0x1];
	s3 =	simm.s32 $0x0  }
0x3: {  	s13 =	simm.s32 $0x80;
	s14 =	simm.s32 $0x6400;
	s15 =	simm.s32 $0x8400  }
0x4: {  	s16 =	simm.s32 $0x1;
	s17 =	simm.s32 $0xA400;
	s18 =	simm.s32 $0x2  }
0x5: {  	s19 =	simm.s32 $0xC600;
	s1 =	sand.u32 $0x1, s1;
	s2 =	sshll.u32 s0, $0x1  }
0x6: {  	s21 =	simm.s32 $0x180;
	s22 =	simm.s32 $0x3;
	s6 =	sor.u32 s1, s2  }
0x7: {  	s23 =	simm.s32 $0x4;
	s24 =	simm.s32 $0x0;
	s4 =	smul.u32 $0x190000, s6  }
0x8: {  	[smem:$0x7FF] =	sst s3;
	s5 =	sadd.s32 $0x1E84C00, s5;
	s8 =	smul.u32 $0x12000, s6  }
0x9: {  	s2 =	rddreg [dreg:$0x2];
	_ =	strace $0x80000047;
	s1 =	ssub.s32 $0x2, s1  }
0xa: {  	s10 =	smul.u32 $0xC80, s6;
	s9 =	sand.u32 $0x3F00000, s4;
	s8 =	sand.u32 $0x1E000, s8  }
0xb: {  	s25 =	sshrl.u32 s1, $0x1;
	s4 =	smul.u32 $0xC8, s6;
	s8 =	sor.u32 s8, s9  }
0xc: {  	s1 =	ssub.s32 s1, s25;
	s7 =	sadd.s32 s7, s10;
	s26 =	sshrl.u32 s8, $0x3  }
0xd: {  	s28 =	sadd.s32 $0xC6, s4;
	s11 =	sadd.s32 $0xC7, s4;
	s6 =	sadd.s32 s2, s26  }
0xe: {  	s29 =	sshll.u32 s28, $0xA;
	s9 =	sshll.u32 s28, $0x7;
	s12 =	sshll.u32 s11, $0x7  }
0xf: {  	v0 =	vlaneseq.u32;
	s11 =	sshll.u32 s11, $0xA;
	s8 =	sadd.s32 $0x80, s6;
	s10 =	sand.u32 $0xFE0000, s29  }
0x10: {  	v0 =	vmul.u32 $0x88, v0;
	s9 =	sand.u32 $0x3F00, s9;
	s12 =	sand.u32 $0x3F80, s12;
	s30 =	sand.u32 $0xFE0000, s11  }
0x11: {  	s11 =	smax.u32 s1, $0x1;
	s9 =	sadd.s32 s2, s9;
	s31 =	sadd.s32 s2, s12  }
0x12: {  	v1 =	vadd.s32 $0x880, v0;
	v2 =	vadd.s32 $0x1100, v0;
	v3 =	vadd.s32 $0x1980, v0;
	s12 =	simm.s32 $0x5;
	s9 =	sadd.s32 s10, s9;
	s10 =	sadd.s32 s30, s31  }
.LBB2_1:
0x13: {  	[tilespmem:s3], [sflag:$0x5] =	stream.linear.gather [hbm4b:s7+s3], $0x6400, $0x38;
	[tilespmem:$0xE800] =	vst v63  }
0x14: {  	_ =	swait.ge [sflag:s12], $0x6400  }
0x15: {  	[sflag:s12] =	ssyncset.done $0x0  }
0x16: {  	[sflag:s12] =	ssyncadd.s32 $0xFFFF9C00  }
0x17: {  	[tilespmem:s14], [sflag:$0x1] =	stream.indirect.gather [hbm4b:s5+s13], $0x40, s3, s13, $0xb8;
	[tilespmem:$0xE800] =	vst v63  }
0x18: {  	_ = 	snop  }
0x19: {  	[tilespmem:s15], [sflag:$0x2] =	stream.indirect.gather [hbm4b:s5+s13], $0x40, s13, s13, $0xb8;
	[tilespmem:$0xE800] =	vst v63  }
0x1a: {  	_ =	swait.ge [sflag:s16], $0x2000  }
0x1b: {  	v4 =	vmov s3;
	[sflag:s16] =	ssyncset.done $0x0  }
0x1c: {  	s25 =	simm.s32 $0x6480;
	v4 =	vand.u32 $0x7C, v4;
	[sflag:s16] =	ssyncadd.s32 $0xFFFFE000  }
0x1d: {  	v6 =	vadd.s32 v0, v4;
	v5 =	vld [tilespmem:s25+$0xFFFFFF80];
	_ =	sdelay $0x4  }
0x1e: {  	[tilespmem:v6+s17+$0x0] =	vst.idx.msk $0xffff, v5  }
0x1f: {  	v6 =	vadd.s32 v1, v4;
	v5 =	vld [tilespmem:s25+$0xFFFFFF90];
	_ =	sdelay $0x4  }
0x20: {  	[tilespmem:v6+s17+$0x0] =	vst.idx.msk $0xffff, v5  }
0x21: {  	v6 =	vadd.s32 v2, v4;
	v5 =	vld [tilespmem:s25+$0xFFFFFFA0];
	_ =	sdelay $0x4  }
0x22: {  	[tilespmem:v6+s17+$0x0] =	vst.idx.msk $0xffff, v5  }
0x23: {  	v4 =	vadd.s32 v3, v4;
	v5 =	vld [tilespmem:s25+$0xFFFFFFB0];
	_ =	sdelay $0x2  }
0x24: {  	s1 =	simm.s32 $0x1  }
0x25: {  	v6 =	vmov s1  }
0x26: {  	[tilespmem:v4+s17+$0x0] =	vst.idx.msk $0xffff, v5;
	v4 =	vand.u32 $0x7D, v6  }
0x27: {  	v5 =	vld [tilespmem:s25+$0xFFFFFFC0];
	v6 =	vadd.s32 v0, v4;
	_ =	sdelay $0x4  }
0x28: {  	[tilespmem:v6+s17+$0x0] =	vst.idx.msk $0xffff, v5  }
0x29: {  	v6 =	vadd.s32 v1, v4;
	v5 =	vld [tilespmem:s25+$0xFFFFFFD0];
	_ =	sdelay $0x4  }
0x2a: {  	[tilespmem:v6+s17+$0x0] =	vst.idx.msk $0xffff, v5  }
0x2b: {  	v6 =	vadd.s32 v2, v4;
	v5 =	vld [tilespmem:s25+$0xFFFFFFE0];
	_ =	sdelay $0x4  }
0x2c: {  	[tilespmem:v6+s17+$0x0] =	vst.idx.msk $0xffff, v5  }
0x2d: {  	v4 =	vadd.s32 v3, v4;
	v5 =	vld [tilespmem:s25+$0xFFFFFFF0];
	_ =	sdelay $0x2  }
0x2e: {  	s30 =	simm.s32 $0x2  }
0x2f: {  	v6 =	vmov s30  }
0x30: {  	[tilespmem:v4+s17+$0x0] =	vst.idx.msk $0xffff, v5;
	v4 =	vand.u32 $0x7E, v6  }
0x31: {  	v5 =	vld [tilespmem:s25+$0x0];
	v6 =	vadd.s32 v0, v4;
	_ =	sdelay $0x4  }
0x32: {  	[tilespmem:v6+s17+$0x0] =	vst.idx.msk $0xffff, v5  }
0x33: {  	v6 =	vadd.s32 v1, v4;
	v5 =	vld [tilespmem:s25+$0x10];
	_ =	sdelay $0x4  }
0x34: {  	[tilespmem:v6+s17+$0x0] =	vst.idx.msk $0xffff, v5  }
0x35: {  	v6 =	vadd.s32 v2, v4;
	v5 =	vld [tilespmem:s25+$0x20];
	_ =	sdelay $0x4  }
0x36: {  	[tilespmem:v6+s17+$0x0] =	vst.idx.msk $0xffff, v5  }
0x37: {  	v4 =	vadd.s32 v3, v4;
	v5 =	vld [tilespmem:s25+$0x30];
	_ =	sdelay $0x2  }
0x38: {  	s31 =	simm.s32 $0x3  }
0x39: {  	v6 =	vmov s31  }
0x3a: {  	[tilespmem:v4+s17+$0x0] =	vst.idx.msk $0xffff, v5;
	v5 =	vand.u32 $0x7F, v6  }
0x3b: {  	v4 =	vld [tilespmem:s25+$0x40];
	v6 =	vadd.s32 v0, v5;
	_ =	sdelay $0x4  }
0x3c: {  	[tilespmem:v6+s17+$0x0] =	vst.idx.msk $0xffff, v4  }
0x3d: {  	v6 =	vadd.s32 v1, v5;
	v4 =	vld [tilespmem:s25+$0x50];
	_ =	sdelay $0x4  }
0x3e: {  	[tilespmem:v6+s17+$0x0] =	vst.idx.msk $0xffff, v4  }
0x3f: {  	v6 =	vadd.s32 v2, v5;
	v4 =	vld [tilespmem:s25+$0x60];
	_ =	sdelay $0x4  }
0x40: {  	[tilespmem:v6+s17+$0x0] =	vst.idx.msk $0xffff, v4  }
0x41: {  	v5 =	vadd.s32 v3, v5;
	v4 =	vld [tilespmem:s25+$0x70];
	_ =	sdelay $0x2  }
0x42: {  	s26 =	simm.s32 $0x4  }
0x43: {  	s28 =	simm.s32 $0x8;
	v6 =	vmov s26  }
.LBB2_2:
0x44: {  	p0 =	sne.s32 s28, $0x7C;
	v6 =	vand.u32 $0x7C, v6;
	[tilespmem:v5+s17+$0x0] =	vst.idx.msk $0xffff, v4;
	s25 =	sadd.s32 $0x100, s25  }
0x45: {  	v4 =	vld [tilespmem:s25+$0xFFFFFF80];
	v5 =	vadd.s32 v0, v6;
	_ =	sdelay $0x4  }
0x46: {  	[tilespmem:v5+s17+$0x0] =	vst.idx.msk $0xffff, v4  }
0x47: {  	v5 =	vadd.s32 v1, v6;
	v4 =	vld [tilespmem:s25+$0xFFFFFF90];
	_ =	sdelay $0x4  }
0x48: {  	[tilespmem:v5+s17+$0x0] =	vst.idx.msk $0xffff, v4  }
0x49: {  	v5 =	vadd.s32 v2, v6;
	v4 =	vld [tilespmem:s25+$0xFFFFFFA0];
	_ =	sdelay $0x4  }
0x4a: {  	[tilespmem:v5+s17+$0x0] =	vst.idx.msk $0xffff, v4  }
0x4b: {  	v5 =	vadd.s32 v3, v6;
	v4 =	vld [tilespmem:s25+$0xFFFFFFB0];
	_ =	sdelay $0x2  }
0x4c: {  	s1 =	sadd.s32 $0x1, s26  }
0x4d: {  	v6 =	vmov s1  }
0x4e: {  	[tilespmem:v5+s17+$0x0] =	vst.idx.msk $0xffff, v4;
	v4 =	vand.u32 $0x7D, v6  }
0x4f: {  	v5 =	vld [tilespmem:s25+$0xFFFFFFC0];
	v6 =	vadd.s32 v0, v4;
	_ =	sdelay $0x4  }
0x50: {  	[tilespmem:v6+s17+$0x0] =	vst.idx.msk $0xffff, v5  }
0x51: {  	v6 =	vadd.s32 v1, v4;
	v5 =	vld [tilespmem:s25+$0xFFFFFFD0];
	_ =	sdelay $0x4  }
0x52: {  	[tilespmem:v6+s17+$0x0] =	vst.idx.msk $0xffff, v5  }
0x53: {  	v6 =	vadd.s32 v2, v4;
	v5 =	vld [tilespmem:s25+$0xFFFFFFE0];
	_ =	sdelay $0x4  }
0x54: {  	[tilespmem:v6+s17+$0x0] =	vst.idx.msk $0xffff, v5  }
0x55: {  	v4 =	vadd.s32 v3, v4;
	v5 =	vld [tilespmem:s25+$0xFFFFFFF0];
	_ =	sdelay $0x2  }
0x56: {  	s1 =	sadd.s32 $0x2, s26  }
0x57: {  	v6 =	vmov s1  }
0x58: {  	[tilespmem:v4+s17+$0x0] =	vst.idx.msk $0xffff, v5;
	v4 =	vand.u32 $0x7E, v6  }
0x59: {  	v5 =	vld [tilespmem:s25+$0x0];
	v6 =	vadd.s32 v0, v4;
	_ =	sdelay $0x4  }
0x5a: {  	[tilespmem:v6+s17+$0x0] =	vst.idx.msk $0xffff, v5  }
0x5b: {  	v6 =	vadd.s32 v1, v4;
	v5 =	vld [tilespmem:s25+$0x10];
	_ =	sdelay $0x4  }
0x5c: {  	[tilespmem:v6+s17+$0x0] =	vst.idx.msk $0xffff, v5  }
0x5d: {  	v6 =	vadd.s32 v2, v4;
	v5 =	vld [tilespmem:s25+$0x20];
	_ =	sdelay $0x4  }
0x5e: {  	[tilespmem:v6+s17+$0x0] =	vst.idx.msk $0xffff, v5  }
0x5f: {  	v4 =	vadd.s32 v3, v4;
	v5 =	vld [tilespmem:s25+$0x30];
	_ =	sdelay $0x2  }
0x60: {  	s1 =	sadd.s32 $0x3, s26;
	s26 =	smov.u32 s28  }
0x61: {  	v6 =	vmov s1  }
0x62: {  	[tilespmem:v4+s17+$0x0] =	vst.idx.msk $0xffff, v5;
	v5 =	vand.u32 $0x7F, v6  }
0x63: {  	v4 =	vld [tilespmem:s25+$0x40];
	v6 =	vadd.s32 v0, v5;
	_ =	sdelay $0x4  }
0x64: {  	[tilespmem:v6+s17+$0x0] =	vst.idx.msk $0xffff, v4  }
0x65: {  	v6 =	vadd.s32 v1, v5;
	v4 =	vld [tilespmem:s25+$0x50];
	_ =	sdelay $0x4  }
0x66: {  	[tilespmem:v6+s17+$0x0] =	vst.idx.msk $0xffff, v4  }
0x67: {  	v6 =	vadd.s32 v2, v5;
	v4 =	vld [tilespmem:s25+$0x60];
	_ =	sdelay $0x4  }
0x68: {  	[tilespmem:v6+s17+$0x0] =	vst.idx.msk $0xffff, v4  }
.Ltmp0:
0x69: {  	v5 =	vadd.s32 v3, v5;
	v4 =	vld [tilespmem:s25+$0x70];
	(pc) =	sbr.rel @p0 .LBB2_2-.Ltmp0, $2  }
0x6a: {  	_ =	sdelay $0x2  }
0x6b: {  	s28 =	sadd.s32 $0x4, s28;
	v6 =	vmov s26  }
0x6c: {  	_ =	sdelay $0x3  }
0x6d: {  	v6 =	vand.u32 $0x7C, v6;
	[tilespmem:v5+s17+$0x0] =	vst.idx.msk $0xffff, v4;
	s1 =	sadd.s32 $0x100, s25  }
0x6e: {  	v4 =	vld [tilespmem:s1+$0xFFFFFF80];
	v5 =	vadd.s32 v0, v6;
	_ =	sdelay $0x4  }
0x6f: {  	[tilespmem:v5+s17+$0x0] =	vst.idx.msk $0xffff, v4  }
0x70: {  	v5 =	vadd.s32 v1, v6;
	v4 =	vld [tilespmem:s1+$0xFFFFFF90];
	_ =	sdelay $0x4  }
0x71: {  	[tilespmem:v5+s17+$0x0] =	vst.idx.msk $0xffff, v4  }
0x72: {  	v5 =	vadd.s32 v2, v6;
	v4 =	vld [tilespmem:s1+$0xFFFFFFA0];
	_ =	sdelay $0x4  }
0x73: {  	[tilespmem:v5+s17+$0x0] =	vst.idx.msk $0xffff, v4  }
0x74: {  	v5 =	vadd.s32 v3, v6;
	v4 =	vld [tilespmem:s1+$0xFFFFFFB0];
	_ =	sdelay $0x2  }
0x75: {  	s0 =	sadd.s32 $0x1, s26  }
0x76: {  	v55 =	vmov s0  }
0x77: {  	[tilespmem:v5+s17+$0x0] =	vst.idx.msk $0xffff, v4;
	v4 =	vand.u32 $0x7D, v55  }
0x78: {  	v5 =	vld [tilespmem:s1+$0xFFFFFFC0];
	v6 =	vadd.s32 v0, v4;
	_ =	sdelay $0x4  }
0x79: {  	[tilespmem:v6+s17+$0x0] =	vst.idx.msk $0xffff, v5  }
0x7a: {  	v56 =	vadd.s32 v1, v4;
	v5 =	vld [tilespmem:s1+$0xFFFFFFD0];
	_ =	sdelay $0x4  }
0x7b: {  	[tilespmem:v56+s17+$0x0] =	vst.idx.msk $0xffff, v5  }
0x7c: {  	v57 =	vadd.s32 v2, v4;
	v5 =	vld [tilespmem:s1+$0xFFFFFFE0];
	_ =	sdelay $0x4  }
0x7d: {  	[tilespmem:v57+s17+$0x0] =	vst.idx.msk $0xffff, v5  }
0x7e: {  	v4 =	vadd.s32 v3, v4;
	v5 =	vld [tilespmem:s1+$0xFFFFFFF0];
	_ =	sdelay $0x2  }
0x7f: {  	s20 =	sadd.s32 $0x2, s26  }
0x80: {  	v58 =	vmov s20  }
0x81: {  	[tilespmem:v4+s17+$0x0] =	vst.idx.msk $0xffff, v5;
	v4 =	vand.u32 $0x7E, v58  }
0x82: {  	v5 =	vld [tilespmem:s1+$0x0];
	v6 =	vadd.s32 v0, v4;
	_ =	sdelay $0x4  }
0x83: {  	[tilespmem:v6+s17+$0x0] =	vst.idx.msk $0xffff, v5  }
0x84: {  	v59 =	vadd.s32 v1, v4;
	v5 =	vld [tilespmem:s1+$0x10];
	_ =	sdelay $0x4  }
0x85: {  	[tilespmem:v59+s17+$0x0] =	vst.idx.msk $0xffff, v5  }
0x86: {  	v60 =	vadd.s32 v2, v4;
	v5 =	vld [tilespmem:s1+$0x20];
	_ =	sdelay $0x4  }
0x87: {  	[tilespmem:v60+s17+$0x0] =	vst.idx.msk $0xffff, v5  }
0x88: {  	v4 =	vadd.s32 v3, v4;
	v5 =	vld [tilespmem:s1+$0x30];
	_ =	sdelay $0x2  }
0x89: {  	s26 =	sadd.s32 $0x3, s26  }
0x8a: {  	v61 =	vmov s26  }
0x8b: {  	[tilespmem:v4+s17+$0x0] =	vst.idx.msk $0xffff, v5;
	v4 =	vand.u32 $0x7F, v61  }
0x8c: {  	v5 =	vld [tilespmem:s1+$0x40];
	v6 =	vadd.s32 v0, v4;
	_ =	sdelay $0x4  }
0x8d: {  	[tilespmem:v6+s17+$0x0] =	vst.idx.msk $0xffff, v5  }
0x8e: {  	v62 =	vadd.s32 v1, v4;
	v5 =	vld [tilespmem:s1+$0x50];
	_ =	sdelay $0x4  }
0x8f: {  	[tilespmem:v62+s17+$0x0] =	vst.idx.msk $0xffff, v5  }
0x90: {  	v63 =	vadd.s32 v2, v4;
	v5 =	vld [tilespmem:s1+$0x60];
	_ =	sdelay $0x4  }
0x91: {  	[tilespmem:v63+s17+$0x0] =	vst.idx.msk $0xffff, v5  }
0x92: {  	v4 =	vadd.s32 v3, v4;
	v5 =	vld [tilespmem:s1+$0x70];
	_ =	sdelay $0x4  }
0x93: {  	s31 =	simm.s32 $0xA400;
	[tilespmem:v4+s17+$0x0] =	vst.idx.msk $0xffff, v5  }
0x94: {  	[hbm4b:s6+s3] =	stream.linear.scatter [tilespmem:s31], [sflag:$0x3], $0x80, $0x38;
	[tilespmem:$0xE800] =	vst v63  }
0x95: {  	s0 =	simm.s32 $0xA488;
	s20 =	sadd.s32 $0x10, s6  }
0x96: {  	[hbm4b:s20+s3] =	stream.linear.scatter [tilespmem:s0], [sflag:$0x3], $0x80, $0x38;
	[tilespmem:$0xE800] =	vst v63  }
0x97: {  	s26 =	simm.s32 $0xA510;
	s31 =	sadd.s32 $0x20, s6  }
0x98: {  	[hbm4b:s31+s3] =	stream.linear.scatter [tilespmem:s26], [sflag:$0x3], $0x80, $0x38;
	[tilespmem:$0xE800] =	vst v63  }
0x99: {  	s0 =	simm.s32 $0xA598;
	s20 =	sadd.s32 $0x30, s6  }
0x9a: {  	[hbm4b:s20+s3] =	stream.linear.scatter [tilespmem:s0], [sflag:$0x3], $0x80, $0x38;
	[tilespmem:$0xE800] =	vst v63  }
0x9b: {  	s26 =	simm.s32 $0xA620;
	s31 =	sadd.s32 $0x40, s6  }
0x9c: {  	[hbm4b:s31+s3] =	stream.linear.scatter [tilespmem:s26], [sflag:$0x3], $0x80, $0x38;
	[tilespmem:$0xE800] =	vst v63  }
0x9d: {  	s25 =	simm.s32 $0x440;
	s0 =	simm.s32 $0xA6A8;
	s20 =	sadd.s32 $0x50, s6  }
0x9e: {  	[hbm4b:s20+s3] =	stream.linear.scatter [tilespmem:s0], [sflag:$0x3], $0x80, $0x38;
	[tilespmem:$0xE800] =	vst v63  }
0x9f: {  	s28 =	simm.s32 $0x2200;
	s26 =	simm.s32 $0xA730;
	s31 =	sadd.s32 $0x60, s6  }
0xa0: {  	[hbm4b:s31+s3] =	stream.linear.scatter [tilespmem:s26], [sflag:$0x3], $0x80, $0x38;
	[tilespmem:$0xE800] =	vst v63  }
0xa1: {  	s29 =	simm.s32 $0xA7B8;
	s30 =	sadd.s32 $0x70, s6;
	s26 =	sadd.s32 $0x4000, s6  }
.LBB2_4:
0xa2: {  	[hbm4b:s30+s3] =	stream.linear.scatter [tilespmem:s29], [sflag:$0x3], $0x80, $0x38;
	[tilespmem:$0xE800] =	vst v63  }
0xa3: {  	s1 =	smov.u32 s25;
	s25 =	smov.u32 s28  }
0xa4: {  	s31 =	sadd.s32 $0x1100, s28;
	s25 =	sshra.s32 s25, $0x2;
	s29 =	sadd.s32 $0xA400, s1  }
0xa5: {  	[hbm4b:s26+s3] =	stream.linear.scatter [tilespmem:s29], [sflag:$0x3], $0x80, $0x38;
	[tilespmem:$0xE800] =	vst v63  }
0xa6: {  	p0 =	sne.s32 s28, $0x7700;
	s28 =	sadd.s32 $0xA488, s1;
	s29 =	sadd.s32 $0x10, s26  }
0xa7: {  	[hbm4b:s29+s3] =	stream.linear.scatter [tilespmem:s28], [sflag:$0x3], $0x80, $0x38;
	[tilespmem:$0xE800] =	vst v63  }
0xa8: {  	s28 =	sadd.s32 $0xA510, s1;
	s29 =	sadd.s32 $0x20, s26  }
0xa9: {  	[hbm4b:s29+s3] =	stream.linear.scatter [tilespmem:s28], [sflag:$0x3], $0x80, $0x38;
	[tilespmem:$0xE800] =	vst v63  }
0xaa: {  	s28 =	sadd.s32 $0xA598, s1;
	s29 =	sadd.s32 $0x30, s26  }
0xab: {  	[hbm4b:s29+s3] =	stream.linear.scatter [tilespmem:s28], [sflag:$0x3], $0x80, $0x38;
	[tilespmem:$0xE800] =	vst v63  }
0xac: {  	s28 =	sadd.s32 $0xA620, s1;
	s29 =	sadd.s32 $0x40, s26  }
0xad: {  	[hbm4b:s29+s3] =	stream.linear.scatter [tilespmem:s28], [sflag:$0x3], $0x80, $0x38;
	[tilespmem:$0xE800] =	vst v63  }
.Ltmp1:
0xae: {  	s28 =	sadd.s32 $0xA6A8, s1;
	s29 =	sadd.s32 $0x50, s26;
	(pc) =	sbr.rel @p0 .LBB2_4-.Ltmp1, $4  }
0xaf: {  	[hbm4b:s29+s3] =	stream.linear.scatter [tilespmem:s28], [sflag:$0x3], $0x80, $0x38;
	[tilespmem:$0xE800] =	vst v63  }
0xb0: {  	s30 =	sadd.s32 $0x70, s26;
	s28 =	sadd.s32 $0xA730, s1;
	s29 =	sadd.s32 $0x60, s26  }
0xb1: {  	[hbm4b:s29+s3] =	stream.linear.scatter [tilespmem:s28], [sflag:$0x3], $0x80, $0x38;
	[tilespmem:$0xE800] =	vst v63  }
0xb2: {  	s26 =	sadd.s32 $0x4000, s26;
	s29 =	sadd.s32 $0xA7B8, s1;
	s28 =	smov.u32 s31  }
0xb3: {  	[hbm4b:s30+s3] =	stream.linear.scatter [tilespmem:s29], [sflag:$0x3], $0x80, $0x38;
	[tilespmem:$0xE800] =	vst v63  }
0xb4: {  	s1 =	sadd.s32 $0xA400, s25  }
0xb5: {  	[hbm4b:s26+s3] =	stream.linear.scatter [tilespmem:s1], [sflag:$0x3], $0x80, $0x38;
	[tilespmem:$0xE800] =	vst v63  }
0xb6: {  	s31 =	sadd.s32 $0xA488, s25;
	s28 =	sadd.s32 $0x10, s26  }
0xb7: {  	[hbm4b:s28+s3] =	stream.linear.scatter [tilespmem:s31], [sflag:$0x3], $0x80, $0x38;
	[tilespmem:$0xE800] =	vst v63  }
0xb8: {  	s0 =	sadd.s32 $0xA510, s25;
	s28 =	sadd.s32 $0x20, s26  }
0xb9: {  	[hbm4b:s28+s3] =	stream.linear.scatter [tilespmem:s0], [sflag:$0x3], $0x80, $0x38;
	[tilespmem:$0xE800] =	vst v63  }
0xba: {  	s20 =	sadd.s32 $0xA598, s25;
	s28 =	sadd.s32 $0x30, s26  }
0xbb: {  	[hbm4b:s28+s3] =	stream.linear.scatter [tilespmem:s20], [sflag:$0x3], $0x80, $0x38;
	[tilespmem:$0xE800] =	vst v63  }
0xbc: {  	s29 =	sadd.s32 $0xA620, s25;
	s28 =	sadd.s32 $0x40, s26  }
0xbd: {  	[hbm4b:s28+s3] =	stream.linear.scatter [tilespmem:s29], [sflag:$0x3], $0x80, $0x38;
	[tilespmem:$0xE800] =	vst v63  }
0xbe: {  	s30 =	sadd.s32 $0xA6A8, s25;
	s28 =	sadd.s32 $0x50, s26  }
0xbf: {  	[hbm4b:s28+s3] =	stream.linear.scatter [tilespmem:s30], [sflag:$0x3], $0x80, $0x38;
	[tilespmem:$0xE800] =	vst v63  }
0xc0: {  	s31 =	sadd.s32 $0xA730, s25;
	s28 =	sadd.s32 $0x60, s26  }
0xc1: {  	[hbm4b:s28+s3] =	stream.linear.scatter [tilespmem:s31], [sflag:$0x3], $0x80, $0x38;
	[tilespmem:$0xE800] =	vst v63  }
0xc2: {  	s0 =	sadd.s32 $0xA7B8, s25;
	s20 =	sadd.s32 $0x70, s26  }
0xc3: {  	[hbm4b:s20+s3] =	stream.linear.scatter [tilespmem:s0], [sflag:$0x3], $0x80, $0x38;
	[tilespmem:$0xE800] =	vst v63  }
0xc4: {  	s26 =	simm.s32 $0x0;
	_ =	swait.ge [sflag:s18], $0x2000  }
0xc5: {  	v4 =	vmov s26;
	[sflag:s18] =	ssyncset.done $0x0  }
0xc6: {  	s25 =	simm.s32 $0x8480;
	v4 =	vand.u32 $0x7C, v4;
	[sflag:s18] =	ssyncadd.s32 $0xFFFFE000  }
0xc7: {  	v6 =	vadd.s32 v0, v4;
	v5 =	vld [tilespmem:s25+$0xFFFFFF80];
	_ =	sdelay $0x4  }
0xc8: {  	[tilespmem:v6+s19+$0x0] =	vst.idx.msk $0xffff, v5  }
0xc9: {  	v6 =	vadd.s32 v1, v4;
	v5 =	vld [tilespmem:s25+$0xFFFFFF90];
	_ =	sdelay $0x4  }
0xca: {  	[tilespmem:v6+s19+$0x0] =	vst.idx.msk $0xffff, v5  }
0xcb: {  	v6 =	vadd.s32 v2, v4;
	v5 =	vld [tilespmem:s25+$0xFFFFFFA0];
	_ =	sdelay $0x4  }
0xcc: {  	[tilespmem:v6+s19+$0x0] =	vst.idx.msk $0xffff, v5  }
0xcd: {  	v4 =	vadd.s32 v3, v4;
	v5 =	vld [tilespmem:s25+$0xFFFFFFB0];
	_ =	sdelay $0x2  }
0xce: {  	s29 =	simm.s32 $0x1  }
0xcf: {  	v6 =	vmov s29  }
0xd0: {  	[tilespmem:v4+s19+$0x0] =	vst.idx.msk $0xffff, v5;
	v4 =	vand.u32 $0x7D, v6  }
0xd1: {  	v5 =	vld [tilespmem:s25+$0xFFFFFFC0];
	v6 =	vadd.s32 v0, v4;
	_ =	sdelay $0x4  }
0xd2: {  	[tilespmem:v6+s19+$0x0] =	vst.idx.msk $0xffff, v5  }
0xd3: {  	v6 =	vadd.s32 v1, v4;
	v5 =	vld [tilespmem:s25+$0xFFFFFFD0];
	_ =	sdelay $0x4  }
0xd4: {  	[tilespmem:v6+s19+$0x0] =	vst.idx.msk $0xffff, v5  }
0xd5: {  	v6 =	vadd.s32 v2, v4;
	v5 =	vld [tilespmem:s25+$0xFFFFFFE0];
	_ =	sdelay $0x4  }
0xd6: {  	[tilespmem:v6+s19+$0x0] =	vst.idx.msk $0xffff, v5  }
0xd7: {  	v4 =	vadd.s32 v3, v4;
	v5 =	vld [tilespmem:s25+$0xFFFFFFF0];
	_ =	sdelay $0x2  }
0xd8: {  	s30 =	simm.s32 $0x2  }
0xd9: {  	v6 =	vmov s30  }
0xda: {  	[tilespmem:v4+s19+$0x0] =	vst.idx.msk $0xffff, v5;
	v4 =	vand.u32 $0x7E, v6  }
0xdb: {  	v5 =	vld [tilespmem:s25+$0x0];
	v6 =	vadd.s32 v0, v4;
	_ =	sdelay $0x4  }
0xdc: {  	[tilespmem:v6+s19+$0x0] =	vst.idx.msk $0xffff, v5  }
0xdd: {  	v6 =	vadd.s32 v1, v4;
	v5 =	vld [tilespmem:s25+$0x10];
	_ =	sdelay $0x4  }
0xde: {  	[tilespmem:v6+s19+$0x0] =	vst.idx.msk $0xffff, v5  }
0xdf: {  	v6 =	vadd.s32 v2, v4;
	v5 =	vld [tilespmem:s25+$0x20];
	_ =	sdelay $0x4  }
0xe0: {  	[tilespmem:v6+s19+$0x0] =	vst.idx.msk $0xffff, v5  }
0xe1: {  	v4 =	vadd.s32 v3, v4;
	v5 =	vld [tilespmem:s25+$0x30];
	_ =	sdelay $0x2  }
0xe2: {  	s31 =	simm.s32 $0x3  }
0xe3: {  	v6 =	vmov s31  }
0xe4: {  	[tilespmem:v4+s19+$0x0] =	vst.idx.msk $0xffff, v5;
	v5 =	vand.u32 $0x7F, v6  }
0xe5: {  	v4 =	vld [tilespmem:s25+$0x40];
	v6 =	vadd.s32 v0, v5;
	_ =	sdelay $0x4  }
0xe6: {  	[tilespmem:v6+s19+$0x0] =	vst.idx.msk $0xffff, v4  }
0xe7: {  	v6 =	vadd.s32 v1, v5;
	v4 =	vld [tilespmem:s25+$0x50];
	_ =	sdelay $0x4  }
0xe8: {  	[tilespmem:v6+s19+$0x0] =	vst.idx.msk $0xffff, v4  }
0xe9: {  	v6 =	vadd.s32 v2, v5;
	v4 =	vld [tilespmem:s25+$0x60];
	_ =	sdelay $0x4  }
0xea: {  	[tilespmem:v6+s19+$0x0] =	vst.idx.msk $0xffff, v4  }
0xeb: {  	v5 =	vadd.s32 v3, v5;
	v4 =	vld [tilespmem:s25+$0x70];
	_ =	sdelay $0x2  }
0xec: {  	s26 =	simm.s32 $0x4  }
0xed: {  	s28 =	simm.s32 $0x8;
	v6 =	vmov s26  }
.LBB2_6:
0xee: {  	p0 =	sne.s32 s28, $0x7C;
	v6 =	vand.u32 $0x7C, v6;
	[tilespmem:v5+s19+$0x0] =	vst.idx.msk $0xffff, v4;
	s25 =	sadd.s32 $0x100, s25  }
0xef: {  	v4 =	vld [tilespmem:s25+$0xFFFFFF80];
	v5 =	vadd.s32 v0, v6;
	_ =	sdelay $0x4  }
0xf0: {  	[tilespmem:v5+s19+$0x0] =	vst.idx.msk $0xffff, v4  }
0xf1: {  	v5 =	vadd.s32 v1, v6;
	v4 =	vld [tilespmem:s25+$0xFFFFFF90];
	_ =	sdelay $0x4  }
0xf2: {  	[tilespmem:v5+s19+$0x0] =	vst.idx.msk $0xffff, v4  }
0xf3: {  	v5 =	vadd.s32 v2, v6;
	v4 =	vld [tilespmem:s25+$0xFFFFFFA0];
	_ =	sdelay $0x4  }
0xf4: {  	[tilespmem:v5+s19+$0x0] =	vst.idx.msk $0xffff, v4  }
0xf5: {  	v5 =	vadd.s32 v3, v6;
	v4 =	vld [tilespmem:s25+$0xFFFFFFB0];
	_ =	sdelay $0x2  }
0xf6: {  	s1 =	sadd.s32 $0x1, s26  }
0xf7: {  	v6 =	vmov s1  }
0xf8: {  	[tilespmem:v5+s19+$0x0] =	vst.idx.msk $0xffff, v4;
	v4 =	vand.u32 $0x7D, v6  }
0xf9: {  	v5 =	vld [tilespmem:s25+$0xFFFFFFC0];
	v6 =	vadd.s32 v0, v4;
	_ =	sdelay $0x4  }
0xfa: {  	[tilespmem:v6+s19+$0x0] =	vst.idx.msk $0xffff, v5  }
0xfb: {  	v6 =	vadd.s32 v1, v4;
	v5 =	vld [tilespmem:s25+$0xFFFFFFD0];
	_ =	sdelay $0x4  }
0xfc: {  	[tilespmem:v6+s19+$0x0] =	vst.idx.msk $0xffff, v5  }
0xfd: {  	v6 =	vadd.s32 v2, v4;
	v5 =	vld [tilespmem:s25+$0xFFFFFFE0];
	_ =	sdelay $0x4  }
0xfe: {  	[tilespmem:v6+s19+$0x0] =	vst.idx.msk $0xffff, v5  }
0xff: {  	v4 =	vadd.s32 v3, v4;
	v5 =	vld [tilespmem:s25+$0xFFFFFFF0];
	_ =	sdelay $0x2  }
0x100: {  	s1 =	sadd.s32 $0x2, s26  }
0x101: {  	v6 =	vmov s1  }
0x102: {  	[tilespmem:v4+s19+$0x0] =	vst.idx.msk $0xffff, v5;
	v4 =	vand.u32 $0x7E, v6  }
0x103: {  	v5 =	vld [tilespmem:s25+$0x0];
	v6 =	vadd.s32 v0, v4;
	_ =	sdelay $0x4  }
0x104: {  	[tilespmem:v6+s19+$0x0] =	vst.idx.msk $0xffff, v5  }
0x105: {  	v6 =	vadd.s32 v1, v4;
	v5 =	vld [tilespmem:s25+$0x10];
	_ =	sdelay $0x4  }
0x106: {  	[tilespmem:v6+s19+$0x0] =	vst.idx.msk $0xffff, v5  }
0x107: {  	v6 =	vadd.s32 v2, v4;
	v5 =	vld [tilespmem:s25+$0x20];
	_ =	sdelay $0x4  }
0x108: {  	[tilespmem:v6+s19+$0x0] =	vst.idx.msk $0xffff, v5  }
0x109: {  	v4 =	vadd.s32 v3, v4;
	v5 =	vld [tilespmem:s25+$0x30];
	_ =	sdelay $0x2  }
0x10a: {  	s1 =	sadd.s32 $0x3, s26;
	s26 =	smov.u32 s28  }
0x10b: {  	v6 =	vmov s1  }
0x10c: {  	[tilespmem:v4+s19+$0x0] =	vst.idx.msk $0xffff, v5;
	v5 =	vand.u32 $0x7F, v6  }
0x10d: {  	v4 =	vld [tilespmem:s25+$0x40];
	v6 =	vadd.s32 v0, v5;
	_ =	sdelay $0x4  }
0x10e: {  	[tilespmem:v6+s19+$0x0] =	vst.idx.msk $0xffff, v4  }
0x10f: {  	v6 =	vadd.s32 v1, v5;
	v4 =	vld [tilespmem:s25+$0x50];
	_ =	sdelay $0x4  }
0x110: {  	[tilespmem:v6+s19+$0x0] =	vst.idx.msk $0xffff, v4  }
0x111: {  	v6 =	vadd.s32 v2, v5;
	v4 =	vld [tilespmem:s25+$0x60];
	_ =	sdelay $0x4  }
0x112: {  	[tilespmem:v6+s19+$0x0] =	vst.idx.msk $0xffff, v4  }
.Ltmp2:
0x113: {  	v5 =	vadd.s32 v3, v5;
	v4 =	vld [tilespmem:s25+$0x70];
	(pc) =	sbr.rel @p0 .LBB2_6-.Ltmp2, $2  }
0x114: {  	_ =	sdelay $0x2  }
0x115: {  	s28 =	sadd.s32 $0x4, s28;
	v6 =	vmov s26  }
0x116: {  	_ =	sdelay $0x3  }
0x117: {  	v6 =	vand.u32 $0x7C, v6;
	[tilespmem:v5+s19+$0x0] =	vst.idx.msk $0xffff, v4;
	s1 =	sadd.s32 $0x100, s25  }
0x118: {  	v4 =	vld [tilespmem:s1+$0xFFFFFF80];
	v5 =	vadd.s32 v0, v6;
	_ =	sdelay $0x4  }
0x119: {  	[tilespmem:v5+s19+$0x0] =	vst.idx.msk $0xffff, v4  }
0x11a: {  	v5 =	vadd.s32 v1, v6;
	v4 =	vld [tilespmem:s1+$0xFFFFFF90];
	_ =	sdelay $0x4  }
0x11b: {  	[tilespmem:v5+s19+$0x0] =	vst.idx.msk $0xffff, v4  }
0x11c: {  	v5 =	vadd.s32 v2, v6;
	v4 =	vld [tilespmem:s1+$0xFFFFFFA0];
	_ =	sdelay $0x4  }
0x11d: {  	[tilespmem:v5+s19+$0x0] =	vst.idx.msk $0xffff, v4  }
0x11e: {  	v5 =	vadd.s32 v3, v6;
	v4 =	vld [tilespmem:s1+$0xFFFFFFB0];
	_ =	sdelay $0x2  }
0x11f: {  	s0 =	sadd.s32 $0x1, s26  }
0x120: {  	v55 =	vmov s0  }
0x121: {  	[tilespmem:v5+s19+$0x0] =	vst.idx.msk $0xffff, v4;
	v4 =	vand.u32 $0x7D, v55  }
0x122: {  	v5 =	vld [tilespmem:s1+$0xFFFFFFC0];
	v6 =	vadd.s32 v0, v4;
	_ =	sdelay $0x4  }
0x123: {  	[tilespmem:v6+s19+$0x0] =	vst.idx.msk $0xffff, v5  }
0x124: {  	v56 =	vadd.s32 v1, v4;
	v5 =	vld [tilespmem:s1+$0xFFFFFFD0];
	_ =	sdelay $0x4  }
0x125: {  	[tilespmem:v56+s19+$0x0] =	vst.idx.msk $0xffff, v5  }
0x126: {  	v57 =	vadd.s32 v2, v4;
	v5 =	vld [tilespmem:s1+$0xFFFFFFE0];
	_ =	sdelay $0x4  }
0x127: {  	[tilespmem:v57+s19+$0x0] =	vst.idx.msk $0xffff, v5  }
0x128: {  	v4 =	vadd.s32 v3, v4;
	v5 =	vld [tilespmem:s1+$0xFFFFFFF0];
	_ =	sdelay $0x2  }
0x129: {  	s20 =	sadd.s32 $0x2, s26  }
0x12a: {  	v58 =	vmov s20  }
0x12b: {  	[tilespmem:v4+s19+$0x0] =	vst.idx.msk $0xffff, v5;
	v4 =	vand.u32 $0x7E, v58  }
0x12c: {  	v5 =	vld [tilespmem:s1+$0x0];
	v6 =	vadd.s32 v0, v4;
	_ =	sdelay $0x4  }
0x12d: {  	[tilespmem:v6+s19+$0x0] =	vst.idx.msk $0xffff, v5  }
0x12e: {  	v59 =	vadd.s32 v1, v4;
	v5 =	vld [tilespmem:s1+$0x10];
	_ =	sdelay $0x4  }
0x12f: {  	[tilespmem:v59+s19+$0x0] =	vst.idx.msk $0xffff, v5  }
0x130: {  	v60 =	vadd.s32 v2, v4;
	v5 =	vld [tilespmem:s1+$0x20];
	_ =	sdelay $0x4  }
0x131: {  	[tilespmem:v60+s19+$0x0] =	vst.idx.msk $0xffff, v5  }
0x132: {  	v4 =	vadd.s32 v3, v4;
	v5 =	vld [tilespmem:s1+$0x30];
	_ =	sdelay $0x2  }
0x133: {  	s26 =	sadd.s32 $0x3, s26  }
0x134: {  	v61 =	vmov s26  }
0x135: {  	[tilespmem:v4+s19+$0x0] =	vst.idx.msk $0xffff, v5;
	v4 =	vand.u32 $0x7F, v61  }
0x136: {  	v5 =	vld [tilespmem:s1+$0x40];
	v6 =	vadd.s32 v0, v4;
	_ =	sdelay $0x4  }
0x137: {  	[tilespmem:v6+s19+$0x0] =	vst.idx.msk $0xffff, v5  }
0x138: {  	v62 =	vadd.s32 v1, v4;
	v5 =	vld [tilespmem:s1+$0x50];
	_ =	sdelay $0x4  }
0x139: {  	[tilespmem:v62+s19+$0x0] =	vst.idx.msk $0xffff, v5  }
0x13a: {  	v63 =	vadd.s32 v2, v4;
	v5 =	vld [tilespmem:s1+$0x60];
	_ =	sdelay $0x4  }
0x13b: {  	[tilespmem:v63+s19+$0x0] =	vst.idx.msk $0xffff, v5  }
0x13c: {  	v4 =	vadd.s32 v3, v4;
	v5 =	vld [tilespmem:s1+$0x70];
	_ =	sdelay $0x4  }
0x13d: {  	s31 =	simm.s32 $0xC600;
	[tilespmem:v4+s19+$0x0] =	vst.idx.msk $0xffff, v5  }
0x13e: {  	[hbm4b:s8+s3] =	stream.linear.scatter [tilespmem:s31], [sflag:$0x4], $0x80, $0x38;
	[tilespmem:$0xE800] =	vst v63  }
0x13f: {  	s0 =	simm.s32 $0xC688;
	s20 =	sadd.s32 $0x10, s8  }
0x140: {  	[hbm4b:s20+s3] =	stream.linear.scatter [tilespmem:s0], [sflag:$0x4], $0x80, $0x38;
	[tilespmem:$0xE800] =	vst v63  }
0x141: {  	s26 =	simm.s32 $0xC710;
	s31 =	sadd.s32 $0x20, s8  }
0x142: {  	[hbm4b:s31+s3] =	stream.linear.scatter [tilespmem:s26], [sflag:$0x4], $0x80, $0x38;
	[tilespmem:$0xE800] =	vst v63  }
0x143: {  	s0 =	simm.s32 $0xC798;
	s20 =	sadd.s32 $0x30, s8  }
0x144: {  	[hbm4b:s20+s3] =	stream.linear.scatter [tilespmem:s0], [sflag:$0x4], $0x80, $0x38;
	[tilespmem:$0xE800] =	vst v63  }
0x145: {  	s26 =	simm.s32 $0xC820;
	s31 =	sadd.s32 $0x40, s8  }
0x146: {  	[hbm4b:s31+s3] =	stream.linear.scatter [tilespmem:s26], [sflag:$0x4], $0x80, $0x38;
	[tilespmem:$0xE800] =	vst v63  }
0x147: {  	s25 =	simm.s32 $0x440;
	s0 =	simm.s32 $0xC8A8;
	s20 =	sadd.s32 $0x50, s8  }
0x148: {  	[hbm4b:s20+s3] =	stream.linear.scatter [tilespmem:s0], [sflag:$0x4], $0x80, $0x38;
	[tilespmem:$0xE800] =	vst v63  }
0x149: {  	s28 =	simm.s32 $0x2200;
	s26 =	simm.s32 $0xC930;
	s31 =	sadd.s32 $0x60, s8  }
0x14a: {  	[hbm4b:s31+s3] =	stream.linear.scatter [tilespmem:s26], [sflag:$0x4], $0x80, $0x38;
	[tilespmem:$0xE800] =	vst v63  }
0x14b: {  	s29 =	simm.s32 $0xC9B8;
	s30 =	sadd.s32 $0x70, s8;
	s26 =	sadd.s32 $0x4000, s8  }
.LBB2_8:
0x14c: {  	[hbm4b:s30+s3] =	stream.linear.scatter [tilespmem:s29], [sflag:$0x4], $0x80, $0x38;
	[tilespmem:$0xE800] =	vst v63  }
0x14d: {  	s1 =	smov.u32 s25;
	s25 =	smov.u32 s28  }
0x14e: {  	s31 =	sadd.s32 $0x1100, s28;
	s25 =	sshra.s32 s25, $0x2;
	s29 =	sadd.s32 $0xC600, s1  }
0x14f: {  	[hbm4b:s26+s3] =	stream.linear.scatter [tilespmem:s29], [sflag:$0x4], $0x80, $0x38;
	[tilespmem:$0xE800] =	vst v63  }
0x150: {  	p0 =	sne.s32 s28, $0x7700;
	s28 =	sadd.s32 $0xC688, s1;
	s29 =	sadd.s32 $0x10, s26  }
0x151: {  	[hbm4b:s29+s3] =	stream.linear.scatter [tilespmem:s28], [sflag:$0x4], $0x80, $0x38;
	[tilespmem:$0xE800] =	vst v63  }
0x152: {  	s28 =	sadd.s32 $0xC710, s1;
	s29 =	sadd.s32 $0x20, s26  }
0x153: {  	[hbm4b:s29+s3] =	stream.linear.scatter [tilespmem:s28], [sflag:$0x4], $0x80, $0x38;
	[tilespmem:$0xE800] =	vst v63  }
0x154: {  	s28 =	sadd.s32 $0xC798, s1;
	s29 =	sadd.s32 $0x30, s26  }
0x155: {  	[hbm4b:s29+s3] =	stream.linear.scatter [tilespmem:s28], [sflag:$0x4], $0x80, $0x38;
	[tilespmem:$0xE800] =	vst v63  }
0x156: {  	s28 =	sadd.s32 $0xC820, s1;
	s29 =	sadd.s32 $0x40, s26  }
0x157: {  	[hbm4b:s29+s3] =	stream.linear.scatter [tilespmem:s28], [sflag:$0x4], $0x80, $0x38;
	[tilespmem:$0xE800] =	vst v63  }
.Ltmp3:
0x158: {  	s28 =	sadd.s32 $0xC8A8, s1;
	s29 =	sadd.s32 $0x50, s26;
	(pc) =	sbr.rel @p0 .LBB2_8-.Ltmp3, $4  }
0x159: {  	[hbm4b:s29+s3] =	stream.linear.scatter [tilespmem:s28], [sflag:$0x4], $0x80, $0x38;
	[tilespmem:$0xE800] =	vst v63  }
0x15a: {  	s30 =	sadd.s32 $0x70, s26;
	s28 =	sadd.s32 $0xC930, s1;
	s29 =	sadd.s32 $0x60, s26  }
0x15b: {  	[hbm4b:s29+s3] =	stream.linear.scatter [tilespmem:s28], [sflag:$0x4], $0x80, $0x38;
	[tilespmem:$0xE800] =	vst v63  }
0x15c: {  	s26 =	sadd.s32 $0x4000, s26;
	s29 =	sadd.s32 $0xC9B8, s1;
	s28 =	smov.u32 s31  }
0x15d: {  	[hbm4b:s30+s3] =	stream.linear.scatter [tilespmem:s29], [sflag:$0x4], $0x80, $0x38;
	[tilespmem:$0xE800] =	vst v63  }
0x15e: {  	s1 =	sadd.s32 $0xC600, s25  }
0x15f: {  	[hbm4b:s26+s3] =	stream.linear.scatter [tilespmem:s1], [sflag:$0x4], $0x80, $0x38;
	[tilespmem:$0xE800] =	vst v63  }
0x160: {  	s29 =	sadd.s32 $0xC688, s25;
	s28 =	sadd.s32 $0x10, s26  }
0x161: {  	[hbm4b:s28+s3] =	stream.linear.scatter [tilespmem:s29], [sflag:$0x4], $0x80, $0x38;
	[tilespmem:$0xE800] =	vst v63  }
0x162: {  	s30 =	sadd.s32 $0xC710, s25;
	s31 =	sadd.s32 $0x20, s26  }
0x163: {  	[hbm4b:s31+s3] =	stream.linear.scatter [tilespmem:s30], [sflag:$0x4], $0x80, $0x38;
	[tilespmem:$0xE800] =	vst v63  }
0x164: {  	s0 =	sadd.s32 $0xC798, s25;
	s20 =	sadd.s32 $0x30, s26  }
0x165: {  	[hbm4b:s20+s3] =	stream.linear.scatter [tilespmem:s0], [sflag:$0x4], $0x80, $0x38;
	[tilespmem:$0xE800] =	vst v63  }
0x166: {  	s29 =	sadd.s32 $0xC820, s25;
	s30 =	sadd.s32 $0x40, s26  }
0x167: {  	[hbm4b:s30+s3] =	stream.linear.scatter [tilespmem:s29], [sflag:$0x4], $0x80, $0x38;
	[tilespmem:$0xE800] =	vst v63  }
0x168: {  	s31 =	sadd.s32 $0xC8A8, s25;
	s0 =	sadd.s32 $0x50, s26  }
0x169: {  	[hbm4b:s0+s3] =	stream.linear.scatter [tilespmem:s31], [sflag:$0x4], $0x80, $0x38;
	[tilespmem:$0xE800] =	vst v63  }
0x16a: {  	s20 =	sadd.s32 $0xC930, s25;
	s29 =	sadd.s32 $0x60, s26  }
0x16b: {  	[hbm4b:s29+s3] =	stream.linear.scatter [tilespmem:s20], [sflag:$0x4], $0x80, $0x38;
	[tilespmem:$0xE800] =	vst v63  }
0x16c: {  	s30 =	sadd.s32 $0xC9B8, s25;
	s31 =	sadd.s32 $0x70, s26  }
0x16d: {  	[hbm4b:s31+s3] =	stream.linear.scatter [tilespmem:s30], [sflag:$0x4], $0x80, $0x38;
	[tilespmem:$0xE800] =	vst v63  }
0x16e: {  	s0 =	simm.s32 $0x100  }
0x16f: {  	[tilespmem:s14], [sflag:$0x1] =	stream.indirect.gather [hbm4b:s5+s13], $0x40, s0, s13, $0xb8;
	[tilespmem:$0xE800] =	vst v63  }
0x170: {  	s25 =	simm.s32 $0x1  }
0x171: {  	[tilespmem:s15], [sflag:$0x2] =	stream.indirect.gather [hbm4b:s5+s13], $0x40, s21, s13, $0xb8;
	[tilespmem:$0xE800] =	vst v63  }
.LBB2_10:
0x172: {  	_ =	swait.ge [sflag:s16], $0x2000  }
0x173: {  	[sflag:s16] =	ssyncset.done $0x0  }
0x174: {  	[sflag:s16] =	ssyncadd.s32 $0xFFFFE000  }
0x175: {  	s1 =	simm.s32 $0x0;
	_ =	swait.ge [sflag:s22], $0x2000  }
0x176: {  	v4 =	vmov s1;
	[sflag:s22] =	ssyncset.done $0x0  }
0x177: {  	s26 =	simm.s32 $0x6480;
	v4 =	vand.u32 $0x7C, v4;
	[sflag:s22] =	ssyncadd.s32 $0xFFFFE000  }
0x178: {  	v6 =	vadd.s32 v0, v4;
	v5 =	vld [tilespmem:s26+$0xFFFFFF80];
	_ =	sdelay $0x4  }
0x179: {  	[tilespmem:v6+s17+$0x0] =	vst.idx.msk $0xffff, v5  }
0x17a: {  	v6 =	vadd.s32 v1, v4;
	v5 =	vld [tilespmem:s26+$0xFFFFFF90];
	_ =	sdelay $0x4  }
0x17b: {  	[tilespmem:v6+s17+$0x0] =	vst.idx.msk $0xffff, v5  }
0x17c: {  	v6 =	vadd.s32 v2, v4;
	v5 =	vld [tilespmem:s26+$0xFFFFFFA0];
	_ =	sdelay $0x4  }
0x17d: {  	[tilespmem:v6+s17+$0x0] =	vst.idx.msk $0xffff, v5  }
0x17e: {  	v4 =	vadd.s32 v3, v4;
	v5 =	vld [tilespmem:s26+$0xFFFFFFB0];
	_ =	sdelay $0x2  }
0x17f: {  	s20 =	simm.s32 $0x1  }
0x180: {  	v6 =	vmov s20  }
0x181: {  	[tilespmem:v4+s17+$0x0] =	vst.idx.msk $0xffff, v5;
	v4 =	vand.u32 $0x7D, v6  }
0x182: {  	v5 =	vld [tilespmem:s26+$0xFFFFFFC0];
	v6 =	vadd.s32 v0, v4;
	_ =	sdelay $0x4  }
0x183: {  	[tilespmem:v6+s17+$0x0] =	vst.idx.msk $0xffff, v5  }
0x184: {  	v6 =	vadd.s32 v1, v4;
	v5 =	vld [tilespmem:s26+$0xFFFFFFD0];
	_ =	sdelay $0x4  }
0x185: {  	[tilespmem:v6+s17+$0x0] =	vst.idx.msk $0xffff, v5  }
0x186: {  	v6 =	vadd.s32 v2, v4;
	v5 =	vld [tilespmem:s26+$0xFFFFFFE0];
	_ =	sdelay $0x4  }
0x187: {  	[tilespmem:v6+s17+$0x0] =	vst.idx.msk $0xffff, v5  }
0x188: {  	v4 =	vadd.s32 v3, v4;
	v5 =	vld [tilespmem:s26+$0xFFFFFFF0];
	_ =	sdelay $0x2  }
0x189: {  	s30 =	simm.s32 $0x2  }
0x18a: {  	v6 =	vmov s30  }
0x18b: {  	[tilespmem:v4+s17+$0x0] =	vst.idx.msk $0xffff, v5;
	v4 =	vand.u32 $0x7E, v6  }
0x18c: {  	v5 =	vld [tilespmem:s26+$0x0];
	v6 =	vadd.s32 v0, v4;
	_ =	sdelay $0x4  }
0x18d: {  	[tilespmem:v6+s17+$0x0] =	vst.idx.msk $0xffff, v5  }
0x18e: {  	v6 =	vadd.s32 v1, v4;
	v5 =	vld [tilespmem:s26+$0x10];
	_ =	sdelay $0x4  }
0x18f: {  	[tilespmem:v6+s17+$0x0] =	vst.idx.msk $0xffff, v5  }
0x190: {  	v6 =	vadd.s32 v2, v4;
	v5 =	vld [tilespmem:s26+$0x20];
	_ =	sdelay $0x4  }
0x191: {  	[tilespmem:v6+s17+$0x0] =	vst.idx.msk $0xffff, v5  }
0x192: {  	v4 =	vadd.s32 v3, v4;
	v5 =	vld [tilespmem:s26+$0x30];
	_ =	sdelay $0x2  }
0x193: {  	s31 =	simm.s32 $0x3  }
0x194: {  	v6 =	vmov s31  }
0x195: {  	[tilespmem:v4+s17+$0x0] =	vst.idx.msk $0xffff, v5;
	v5 =	vand.u32 $0x7F, v6  }
0x196: {  	v4 =	vld [tilespmem:s26+$0x40];
	v6 =	vadd.s32 v0, v5;
	_ =	sdelay $0x4  }
0x197: {  	[tilespmem:v6+s17+$0x0] =	vst.idx.msk $0xffff, v4  }
0x198: {  	v6 =	vadd.s32 v1, v5;
	v4 =	vld [tilespmem:s26+$0x50];
	_ =	sdelay $0x4  }
0x199: {  	[tilespmem:v6+s17+$0x0] =	vst.idx.msk $0xffff, v4  }
0x19a: {  	v6 =	vadd.s32 v2, v5;
	v4 =	vld [tilespmem:s26+$0x60];
	_ =	sdelay $0x4  }
0x19b: {  	[tilespmem:v6+s17+$0x0] =	vst.idx.msk $0xffff, v4  }
0x19c: {  	v5 =	vadd.s32 v3, v5;
	v4 =	vld [tilespmem:s26+$0x70];
	_ =	sdelay $0x2  }
0x19d: {  	s28 =	simm.s32 $0x4  }
0x19e: {  	s29 =	simm.s32 $0x8;
	v6 =	vmov s28  }
.LBB2_11:
0x19f: {  	p0 =	sne.s32 s29, $0x7C;
	v6 =	vand.u32 $0x7C, v6;
	[tilespmem:v5+s17+$0x0] =	vst.idx.msk $0xffff, v4;
	s26 =	sadd.s32 $0x100, s26  }
0x1a0: {  	v4 =	vld [tilespmem:s26+$0xFFFFFF80];
	v5 =	vadd.s32 v0, v6;
	_ =	sdelay $0x4  }
0x1a1: {  	[tilespmem:v5+s17+$0x0] =	vst.idx.msk $0xffff, v4  }
0x1a2: {  	v5 =	vadd.s32 v1, v6;
	v4 =	vld [tilespmem:s26+$0xFFFFFF90];
	_ =	sdelay $0x4  }
0x1a3: {  	[tilespmem:v5+s17+$0x0] =	vst.idx.msk $0xffff, v4  }
0x1a4: {  	v5 =	vadd.s32 v2, v6;
	v4 =	vld [tilespmem:s26+$0xFFFFFFA0];
	_ =	sdelay $0x4  }
0x1a5: {  	[tilespmem:v5+s17+$0x0] =	vst.idx.msk $0xffff, v4  }
0x1a6: {  	v5 =	vadd.s32 v3, v6;
	v4 =	vld [tilespmem:s26+$0xFFFFFFB0];
	_ =	sdelay $0x2  }
0x1a7: {  	s1 =	sadd.s32 $0x1, s28  }
0x1a8: {  	v6 =	vmov s1  }
0x1a9: {  	[tilespmem:v5+s17+$0x0] =	vst.idx.msk $0xffff, v4;
	v4 =	vand.u32 $0x7D, v6  }
0x1aa: {  	v5 =	vld [tilespmem:s26+$0xFFFFFFC0];
	v6 =	vadd.s32 v0, v4;
	_ =	sdelay $0x4  }
0x1ab: {  	[tilespmem:v6+s17+$0x0] =	vst.idx.msk $0xffff, v5  }
0x1ac: {  	v6 =	vadd.s32 v1, v4;
	v5 =	vld [tilespmem:s26+$0xFFFFFFD0];
	_ =	sdelay $0x4  }
0x1ad: {  	[tilespmem:v6+s17+$0x0] =	vst.idx.msk $0xffff, v5  }
0x1ae: {  	v6 =	vadd.s32 v2, v4;
	v5 =	vld [tilespmem:s26+$0xFFFFFFE0];
	_ =	sdelay $0x4  }
0x1af: {  	[tilespmem:v6+s17+$0x0] =	vst.idx.msk $0xffff, v5  }
0x1b0: {  	v4 =	vadd.s32 v3, v4;
	v5 =	vld [tilespmem:s26+$0xFFFFFFF0];
	_ =	sdelay $0x2  }
0x1b1: {  	s1 =	sadd.s32 $0x2, s28  }
0x1b2: {  	v6 =	vmov s1  }
0x1b3: {  	[tilespmem:v4+s17+$0x0] =	vst.idx.msk $0xffff, v5;
	v4 =	vand.u32 $0x7E, v6  }
0x1b4: {  	v5 =	vld [tilespmem:s26+$0x0];
	v6 =	vadd.s32 v0, v4;
	_ =	sdelay $0x4  }
0x1b5: {  	[tilespmem:v6+s17+$0x0] =	vst.idx.msk $0xffff, v5  }
0x1b6: {  	v6 =	vadd.s32 v1, v4;
	v5 =	vld [tilespmem:s26+$0x10];
	_ =	sdelay $0x4  }
0x1b7: {  	[tilespmem:v6+s17+$0x0] =	vst.idx.msk $0xffff, v5  }
0x1b8: {  	v6 =	vadd.s32 v2, v4;
	v5 =	vld [tilespmem:s26+$0x20];
	_ =	sdelay $0x4  }
0x1b9: {  	[tilespmem:v6+s17+$0x0] =	vst.idx.msk $0xffff, v5  }
0x1ba: {  	v4 =	vadd.s32 v3, v4;
	v5 =	vld [tilespmem:s26+$0x30];
	_ =	sdelay $0x2  }
0x1bb: {  	s1 =	sadd.s32 $0x3, s28;
	s28 =	smov.u32 s29  }
0x1bc: {  	v6 =	vmov s1  }
0x1bd: {  	[tilespmem:v4+s17+$0x0] =	vst.idx.msk $0xffff, v5;
	v5 =	vand.u32 $0x7F, v6  }
0x1be: {  	v4 =	vld [tilespmem:s26+$0x40];
	v6 =	vadd.s32 v0, v5;
	_ =	sdelay $0x4  }
0x1bf: {  	[tilespmem:v6+s17+$0x0] =	vst.idx.msk $0xffff, v4  }
0x1c0: {  	v6 =	vadd.s32 v1, v5;
	v4 =	vld [tilespmem:s26+$0x50];
	_ =	sdelay $0x4  }
0x1c1: {  	[tilespmem:v6+s17+$0x0] =	vst.idx.msk $0xffff, v4  }
0x1c2: {  	v6 =	vadd.s32 v2, v5;
	v4 =	vld [tilespmem:s26+$0x60];
	_ =	sdelay $0x4  }
0x1c3: {  	[tilespmem:v6+s17+$0x0] =	vst.idx.msk $0xffff, v4  }
.Ltmp4:
0x1c4: {  	v5 =	vadd.s32 v3, v5;
	v4 =	vld [tilespmem:s26+$0x70];
	(pc) =	sbr.rel @p0 .LBB2_11-.Ltmp4, $2  }
0x1c5: {  	_ =	sdelay $0x2  }
0x1c6: {  	s29 =	sadd.s32 $0x4, s29;
	v6 =	vmov s28  }
0x1c7: {  	_ =	sdelay $0x3  }
0x1c8: {  	v6 =	vand.u32 $0x7C, v6;
	[tilespmem:v5+s17+$0x0] =	vst.idx.msk $0xffff, v4;
	s1 =	sadd.s32 $0x100, s26  }
0x1c9: {  	v4 =	vld [tilespmem:s1+$0xFFFFFF80];
	v5 =	vadd.s32 v0, v6;
	_ =	sdelay $0x4  }
0x1ca: {  	[tilespmem:v5+s17+$0x0] =	vst.idx.msk $0xffff, v4  }
0x1cb: {  	v5 =	vadd.s32 v1, v6;
	v4 =	vld [tilespmem:s1+$0xFFFFFF90];
	_ =	sdelay $0x4  }
0x1cc: {  	[tilespmem:v5+s17+$0x0] =	vst.idx.msk $0xffff, v4  }
0x1cd: {  	v5 =	vadd.s32 v2, v6;
	v4 =	vld [tilespmem:s1+$0xFFFFFFA0];
	_ =	sdelay $0x4  }
0x1ce: {  	[tilespmem:v5+s17+$0x0] =	vst.idx.msk $0xffff, v4  }
0x1cf: {  	v5 =	vadd.s32 v3, v6;
	v4 =	vld [tilespmem:s1+$0xFFFFFFB0];
	_ =	sdelay $0x2  }
0x1d0: {  	s20 =	sadd.s32 $0x1, s28  }
0x1d1: {  	v55 =	vmov s20  }
0x1d2: {  	[tilespmem:v5+s17+$0x0] =	vst.idx.msk $0xffff, v4;
	v4 =	vand.u32 $0x7D, v55  }
0x1d3: {  	v5 =	vld [tilespmem:s1+$0xFFFFFFC0];
	v6 =	vadd.s32 v0, v4;
	_ =	sdelay $0x4  }
0x1d4: {  	[tilespmem:v6+s17+$0x0] =	vst.idx.msk $0xffff, v5  }
0x1d5: {  	v56 =	vadd.s32 v1, v4;
	v5 =	vld [tilespmem:s1+$0xFFFFFFD0];
	_ =	sdelay $0x4  }
0x1d6: {  	[tilespmem:v56+s17+$0x0] =	vst.idx.msk $0xffff, v5  }
0x1d7: {  	v57 =	vadd.s32 v2, v4;
	v5 =	vld [tilespmem:s1+$0xFFFFFFE0];
	_ =	sdelay $0x4  }
0x1d8: {  	[tilespmem:v57+s17+$0x0] =	vst.idx.msk $0xffff, v5  }
0x1d9: {  	v4 =	vadd.s32 v3, v4;
	v5 =	vld [tilespmem:s1+$0xFFFFFFF0];
	_ =	sdelay $0x2  }
0x1da: {  	s0 =	sadd.s32 $0x2, s28  }
0x1db: {  	v58 =	vmov s0  }
0x1dc: {  	[tilespmem:v4+s17+$0x0] =	vst.idx.msk $0xffff, v5;
	v4 =	vand.u32 $0x7E, v58  }
0x1dd: {  	v5 =	vld [tilespmem:s1+$0x0];
	v6 =	vadd.s32 v0, v4;
	_ =	sdelay $0x4  }
0x1de: {  	[tilespmem:v6+s17+$0x0] =	vst.idx.msk $0xffff, v5  }
0x1df: {  	v59 =	vadd.s32 v1, v4;
	v5 =	vld [tilespmem:s1+$0x10];
	_ =	sdelay $0x4  }
0x1e0: {  	[tilespmem:v59+s17+$0x0] =	vst.idx.msk $0xffff, v5  }
0x1e1: {  	v60 =	vadd.s32 v2, v4;
	v5 =	vld [tilespmem:s1+$0x20];
	_ =	sdelay $0x4  }
0x1e2: {  	[tilespmem:v60+s17+$0x0] =	vst.idx.msk $0xffff, v5  }
0x1e3: {  	v4 =	vadd.s32 v3, v4;
	v5 =	vld [tilespmem:s1+$0x30];
	_ =	sdelay $0x2  }
0x1e4: {  	s20 =	sadd.s32 $0x3, s28  }
0x1e5: {  	v61 =	vmov s20  }
0x1e6: {  	[tilespmem:v4+s17+$0x0] =	vst.idx.msk $0xffff, v5;
	v4 =	vand.u32 $0x7F, v61  }
0x1e7: {  	v5 =	vld [tilespmem:s1+$0x40];
	v6 =	vadd.s32 v0, v4;
	_ =	sdelay $0x4  }
0x1e8: {  	[tilespmem:v6+s17+$0x0] =	vst.idx.msk $0xffff, v5  }
0x1e9: {  	v62 =	vadd.s32 v1, v4;
	v5 =	vld [tilespmem:s1+$0x50];
	_ =	sdelay $0x4  }
0x1ea: {  	[tilespmem:v62+s17+$0x0] =	vst.idx.msk $0xffff, v5  }
0x1eb: {  	v63 =	vadd.s32 v2, v4;
	v5 =	vld [tilespmem:s1+$0x60];
	_ =	sdelay $0x4  }
0x1ec: {  	[tilespmem:v63+s17+$0x0] =	vst.idx.msk $0xffff, v5  }
0x1ed: {  	s26 =	sshll.u32 s25, $0x1;
	v4 =	vadd.s32 v3, v4;
	v5 =	vld [tilespmem:s1+$0x70]  }
0x1ee: {  	s0 =	sadd.s32 s4, s26  }
0x1ef: {  	s28 =	sshll.u32 s0, $0x7  }
0x1f0: {  	s28 =	sand.u32 $0x3F00, s28;
	s1 =	sshll.u32 s0, $0xA  }
0x1f1: {  	s28 =	sadd.s32 s2, s28;
	s1 =	sand.u32 $0xFFE0000, s1  }
0x1f2: {  	s20 =	simm.s32 $0xA400;
	s29 =	sadd.s32 s1, s28;
	[tilespmem:v4+s17+$0x0] =	vst.idx.msk $0xffff, v5  }
0x1f3: {  	[hbm4b:s29+s3] =	stream.linear.scatter [tilespmem:s20], [sflag:$0x3], $0x80, $0x38;
	[tilespmem:$0xE800] =	vst v63  }
0x1f4: {  	s0 =	simm.s32 $0xA488;
	s28 =	sadd.s32 $0x10, s29  }
0x1f5: {  	[hbm4b:s28+s3] =	stream.linear.scatter [tilespmem:s0], [sflag:$0x3], $0x80, $0x38;
	[tilespmem:$0xE800] =	vst v63  }
0x1f6: {  	s20 =	simm.s32 $0xA510;
	s28 =	sadd.s32 $0x20, s29  }
0x1f7: {  	[hbm4b:s28+s3] =	stream.linear.scatter [tilespmem:s20], [sflag:$0x3], $0x80, $0x38;
	[tilespmem:$0xE800] =	vst v63  }
0x1f8: {  	s0 =	simm.s32 $0xA598;
	s28 =	sadd.s32 $0x30, s29  }
0x1f9: {  	[hbm4b:s28+s3] =	stream.linear.scatter [tilespmem:s0], [sflag:$0x3], $0x80, $0x38;
	[tilespmem:$0xE800] =	vst v63  }
0x1fa: {  	s20 =	simm.s32 $0xA620;
	s28 =	sadd.s32 $0x40, s29  }
0x1fb: {  	[hbm4b:s28+s3] =	stream.linear.scatter [tilespmem:s20], [sflag:$0x3], $0x80, $0x38;
	[tilespmem:$0xE800] =	vst v63  }
0x1fc: {  	s30 =	simm.s32 $0x2200;
	s0 =	simm.s32 $0xA6A8;
	s28 =	sadd.s32 $0x50, s29  }
0x1fd: {  	[hbm4b:s28+s3] =	stream.linear.scatter [tilespmem:s0], [sflag:$0x3], $0x80, $0x38;
	[tilespmem:$0xE800] =	vst v63  }
0x1fe: {  	s31 =	simm.s32 $0xA7B8;
	s20 =	simm.s32 $0xA730;
	s28 =	sadd.s32 $0x60, s29  }
0x1ff: {  	[hbm4b:s28+s3] =	stream.linear.scatter [tilespmem:s20], [sflag:$0x3], $0x80, $0x38;
	[tilespmem:$0xE800] =	vst v63  }
0x200: {  	s1 =	sadd.s32 $0x70, s29;
	s29 =	sadd.s32 $0x4000, s29;
	s28 =	simm.s32 $0x440  }
.LBB2_13:
0x201: {  	[hbm4b:s1+s3] =	stream.linear.scatter [tilespmem:s31], [sflag:$0x3], $0x80, $0x38;
	[tilespmem:$0xE800] =	vst v63  }
0x202: {  	s1 =	smov.u32 s28;
	s28 =	smov.u32 s30  }
0x203: {  	s0 =	sadd.s32 $0x1100, s30;
	s28 =	sshra.s32 s28, $0x2;
	s31 =	sadd.s32 $0xA400, s1  }
0x204: {  	[hbm4b:s29+s3] =	stream.linear.scatter [tilespmem:s31], [sflag:$0x3], $0x80, $0x38;
	[tilespmem:$0xE800] =	vst v63  }
0x205: {  	p0 =	sne.s32 s30, $0x7700;
	s30 =	sadd.s32 $0xA488, s1;
	s31 =	sadd.s32 $0x10, s29  }
0x206: {  	[hbm4b:s31+s3] =	stream.linear.scatter [tilespmem:s30], [sflag:$0x3], $0x80, $0x38;
	[tilespmem:$0xE800] =	vst v63  }
0x207: {  	s30 =	sadd.s32 $0xA510, s1;
	s31 =	sadd.s32 $0x20, s29  }
0x208: {  	[hbm4b:s31+s3] =	stream.linear.scatter [tilespmem:s30], [sflag:$0x3], $0x80, $0x38;
	[tilespmem:$0xE800] =	vst v63  }
0x209: {  	s30 =	sadd.s32 $0xA598, s1;
	s31 =	sadd.s32 $0x30, s29  }
0x20a: {  	[hbm4b:s31+s3] =	stream.linear.scatter [tilespmem:s30], [sflag:$0x3], $0x80, $0x38;
	[tilespmem:$0xE800] =	vst v63  }
0x20b: {  	s30 =	sadd.s32 $0xA620, s1;
	s31 =	sadd.s32 $0x40, s29  }
0x20c: {  	[hbm4b:s31+s3] =	stream.linear.scatter [tilespmem:s30], [sflag:$0x3], $0x80, $0x38;
	[tilespmem:$0xE800] =	vst v63  }
0x20d: {  	s30 =	sadd.s32 $0xA6A8, s1;
	s31 =	sadd.s32 $0x50, s29  }
0x20e: {  	[hbm4b:s31+s3] =	stream.linear.scatter [tilespmem:s30], [sflag:$0x3], $0x80, $0x38;
	[tilespmem:$0xE800] =	vst v63  }
.Ltmp5:
0x20f: {  	_ = 	snop;
	(pc) =	sbr.rel @p0 .LBB2_13-.Ltmp5, $4  }
0x210: {  	s30 =	sadd.s32 $0xA730, s1;
	s31 =	sadd.s32 $0x60, s29  }
0x211: {  	[hbm4b:s31+s3] =	stream.linear.scatter [tilespmem:s30], [sflag:$0x3], $0x80, $0x38;
	[tilespmem:$0xE800] =	vst v63  }
0x212: {  	s31 =	sadd.s32 $0xA7B8, s1  }
0x213: {  	s1 =	sadd.s32 $0x70, s29;
	s29 =	sadd.s32 $0x4000, s29;
	s30 =	smov.u32 s0  }
0x214: {  	[hbm4b:s1+s3] =	stream.linear.scatter [tilespmem:s31], [sflag:$0x3], $0x80, $0x38;
	[tilespmem:$0xE800] =	vst v63  }
0x215: {  	s0 =	sadd.s32 $0xA400, s28  }
0x216: {  	[hbm4b:s29+s3] =	stream.linear.scatter [tilespmem:s0], [sflag:$0x3], $0x80, $0x38;
	[tilespmem:$0xE800] =	vst v63  }
0x217: {  	s1 =	sadd.s32 $0xA488, s28;
	s20 =	sadd.s32 $0x10, s29  }
0x218: {  	[hbm4b:s20+s3] =	stream.linear.scatter [tilespmem:s1], [sflag:$0x3], $0x80, $0x38;
	[tilespmem:$0xE800] =	vst v63  }
0x219: {  	s1 =	sadd.s32 $0xA510, s28;
	s20 =	sadd.s32 $0x20, s29  }
0x21a: {  	[hbm4b:s20+s3] =	stream.linear.scatter [tilespmem:s1], [sflag:$0x3], $0x80, $0x38;
	[tilespmem:$0xE800] =	vst v63  }
0x21b: {  	s1 =	sadd.s32 $0xA598, s28;
	s20 =	sadd.s32 $0x30, s29  }
0x21c: {  	[hbm4b:s20+s3] =	stream.linear.scatter [tilespmem:s1], [sflag:$0x3], $0x80, $0x38;
	[tilespmem:$0xE800] =	vst v63  }
0x21d: {  	s1 =	sadd.s32 $0xA620, s28;
	s20 =	sadd.s32 $0x40, s29  }
0x21e: {  	[hbm4b:s20+s3] =	stream.linear.scatter [tilespmem:s1], [sflag:$0x3], $0x80, $0x38;
	[tilespmem:$0xE800] =	vst v63  }
0x21f: {  	s1 =	sadd.s32 $0xA6A8, s28;
	s20 =	sadd.s32 $0x50, s29  }
0x220: {  	[hbm4b:s20+s3] =	stream.linear.scatter [tilespmem:s1], [sflag:$0x3], $0x80, $0x38;
	[tilespmem:$0xE800] =	vst v63  }
0x221: {  	s1 =	sadd.s32 $0xA730, s28;
	s20 =	sadd.s32 $0x60, s29  }
0x222: {  	[hbm4b:s20+s3] =	stream.linear.scatter [tilespmem:s1], [sflag:$0x3], $0x80, $0x38;
	[tilespmem:$0xE800] =	vst v63  }
0x223: {  	s1 =	sadd.s32 $0xA7B8, s28;
	s20 =	sadd.s32 $0x70, s29  }
0x224: {  	[hbm4b:s20+s3] =	stream.linear.scatter [tilespmem:s1], [sflag:$0x3], $0x80, $0x38;
	[tilespmem:$0xE800] =	vst v63  }
0x225: {  	s20 =	sshll.u32 s25, $0x8  }
0x226: {  	s28 =	sand.u32 $0x3FFFFF00, s20  }
0x227: {  	s0 =	sadd.s32 $0x100, s28  }
0x228: {  	[tilespmem:s14], [sflag:$0x1] =	stream.indirect.gather [hbm4b:s5+s13], $0x40, s0, s13, $0xb8;
	[tilespmem:$0xE800] =	vst v63  }
0x229: {  	_ =	swait.ge [sflag:s18], $0x2000  }
0x22a: {  	[sflag:s18] =	ssyncset.done $0x0  }
0x22b: {  	[sflag:s18] =	ssyncadd.s32 $0xFFFFE000  }
0x22c: {  	s1 =	simm.s32 $0x0;
	_ =	swait.ge [sflag:s23], $0x2000  }
0x22d: {  	v4 =	vmov s1;
	[sflag:s23] =	ssyncset.done $0x0  }
0x22e: {  	s29 =	simm.s32 $0x8480;
	v4 =	vand.u32 $0x7C, v4;
	[sflag:s23] =	ssyncadd.s32 $0xFFFFE000  }
0x22f: {  	v6 =	vadd.s32 v0, v4;
	v5 =	vld [tilespmem:s29+$0xFFFFFF80];
	_ =	sdelay $0x4  }
0x230: {  	[tilespmem:v6+s19+$0x0] =	vst.idx.msk $0xffff, v5  }
0x231: {  	v6 =	vadd.s32 v1, v4;
	v5 =	vld [tilespmem:s29+$0xFFFFFF90];
	_ =	sdelay $0x4  }
0x232: {  	[tilespmem:v6+s19+$0x0] =	vst.idx.msk $0xffff, v5  }
0x233: {  	v6 =	vadd.s32 v2, v4;
	v5 =	vld [tilespmem:s29+$0xFFFFFFA0];
	_ =	sdelay $0x4  }
0x234: {  	[tilespmem:v6+s19+$0x0] =	vst.idx.msk $0xffff, v5  }
0x235: {  	v4 =	vadd.s32 v3, v4;
	v5 =	vld [tilespmem:s29+$0xFFFFFFB0];
	_ =	sdelay $0x2  }
0x236: {  	s20 =	simm.s32 $0x1  }
0x237: {  	v6 =	vmov s20  }
0x238: {  	[tilespmem:v4+s19+$0x0] =	vst.idx.msk $0xffff, v5;
	v4 =	vand.u32 $0x7D, v6  }
0x239: {  	v5 =	vld [tilespmem:s29+$0xFFFFFFC0];
	v6 =	vadd.s32 v0, v4;
	_ =	sdelay $0x4  }
0x23a: {  	[tilespmem:v6+s19+$0x0] =	vst.idx.msk $0xffff, v5  }
0x23b: {  	v6 =	vadd.s32 v1, v4;
	v5 =	vld [tilespmem:s29+$0xFFFFFFD0];
	_ =	sdelay $0x4  }
0x23c: {  	[tilespmem:v6+s19+$0x0] =	vst.idx.msk $0xffff, v5  }
0x23d: {  	v6 =	vadd.s32 v2, v4;
	v5 =	vld [tilespmem:s29+$0xFFFFFFE0];
	_ =	sdelay $0x4  }
0x23e: {  	[tilespmem:v6+s19+$0x0] =	vst.idx.msk $0xffff, v5  }
0x23f: {  	v4 =	vadd.s32 v3, v4;
	v5 =	vld [tilespmem:s29+$0xFFFFFFF0];
	_ =	sdelay $0x2  }
0x240: {  	s1 =	simm.s32 $0x2  }
0x241: {  	v6 =	vmov s1  }
0x242: {  	[tilespmem:v4+s19+$0x0] =	vst.idx.msk $0xffff, v5;
	v4 =	vand.u32 $0x7E, v6  }
0x243: {  	v5 =	vld [tilespmem:s29+$0x0];
	v6 =	vadd.s32 v0, v4;
	_ =	sdelay $0x4  }
0x244: {  	[tilespmem:v6+s19+$0x0] =	vst.idx.msk $0xffff, v5  }
0x245: {  	v6 =	vadd.s32 v1, v4;
	v5 =	vld [tilespmem:s29+$0x10];
	_ =	sdelay $0x4  }
0x246: {  	[tilespmem:v6+s19+$0x0] =	vst.idx.msk $0xffff, v5  }
0x247: {  	v6 =	vadd.s32 v2, v4;
	v5 =	vld [tilespmem:s29+$0x20];
	_ =	sdelay $0x4  }
0x248: {  	[tilespmem:v6+s19+$0x0] =	vst.idx.msk $0xffff, v5  }
0x249: {  	v4 =	vadd.s32 v3, v4;
	v5 =	vld [tilespmem:s29+$0x30];
	_ =	sdelay $0x2  }
0x24a: {  	s20 =	simm.s32 $0x3  }
0x24b: {  	v6 =	vmov s20  }
0x24c: {  	[tilespmem:v4+s19+$0x0] =	vst.idx.msk $0xffff, v5;
	v5 =	vand.u32 $0x7F, v6  }
0x24d: {  	v4 =	vld [tilespmem:s29+$0x40];
	v6 =	vadd.s32 v0, v5;
	_ =	sdelay $0x4  }
0x24e: {  	[tilespmem:v6+s19+$0x0] =	vst.idx.msk $0xffff, v4  }
0x24f: {  	v6 =	vadd.s32 v1, v5;
	v4 =	vld [tilespmem:s29+$0x50];
	_ =	sdelay $0x4  }
0x250: {  	[tilespmem:v6+s19+$0x0] =	vst.idx.msk $0xffff, v4  }
0x251: {  	v6 =	vadd.s32 v2, v5;
	v4 =	vld [tilespmem:s29+$0x60];
	_ =	sdelay $0x4  }
0x252: {  	[tilespmem:v6+s19+$0x0] =	vst.idx.msk $0xffff, v4  }
0x253: {  	v5 =	vadd.s32 v3, v5;
	v4 =	vld [tilespmem:s29+$0x70];
	_ =	sdelay $0x2  }
0x254: {  	s30 =	simm.s32 $0x4  }
0x255: {  	s31 =	simm.s32 $0x8;
	v6 =	vmov s30  }
.LBB2_15:
0x256: {  	p0 =	sne.s32 s31, $0x7C;
	v6 =	vand.u32 $0x7C, v6;
	[tilespmem:v5+s19+$0x0] =	vst.idx.msk $0xffff, v4;
	s29 =	sadd.s32 $0x100, s29  }
0x257: {  	v4 =	vld [tilespmem:s29+$0xFFFFFF80];
	v5 =	vadd.s32 v0, v6;
	_ =	sdelay $0x4  }
0x258: {  	[tilespmem:v5+s19+$0x0] =	vst.idx.msk $0xffff, v4  }
0x259: {  	v5 =	vadd.s32 v1, v6;
	v4 =	vld [tilespmem:s29+$0xFFFFFF90];
	_ =	sdelay $0x4  }
0x25a: {  	[tilespmem:v5+s19+$0x0] =	vst.idx.msk $0xffff, v4  }
0x25b: {  	v5 =	vadd.s32 v2, v6;
	v4 =	vld [tilespmem:s29+$0xFFFFFFA0];
	_ =	sdelay $0x4  }
0x25c: {  	[tilespmem:v5+s19+$0x0] =	vst.idx.msk $0xffff, v4  }
0x25d: {  	v5 =	vadd.s32 v3, v6;
	v4 =	vld [tilespmem:s29+$0xFFFFFFB0];
	_ =	sdelay $0x2  }
0x25e: {  	s0 =	sadd.s32 $0x1, s30  }
0x25f: {  	v6 =	vmov s0  }
0x260: {  	[tilespmem:v5+s19+$0x0] =	vst.idx.msk $0xffff, v4;
	v4 =	vand.u32 $0x7D, v6  }
0x261: {  	v5 =	vld [tilespmem:s29+$0xFFFFFFC0];
	v6 =	vadd.s32 v0, v4;
	_ =	sdelay $0x4  }
0x262: {  	[tilespmem:v6+s19+$0x0] =	vst.idx.msk $0xffff, v5  }
0x263: {  	v6 =	vadd.s32 v1, v4;
	v5 =	vld [tilespmem:s29+$0xFFFFFFD0];
	_ =	sdelay $0x4  }
0x264: {  	[tilespmem:v6+s19+$0x0] =	vst.idx.msk $0xffff, v5  }
0x265: {  	v6 =	vadd.s32 v2, v4;
	v5 =	vld [tilespmem:s29+$0xFFFFFFE0];
	_ =	sdelay $0x4  }
0x266: {  	[tilespmem:v6+s19+$0x0] =	vst.idx.msk $0xffff, v5  }
0x267: {  	v4 =	vadd.s32 v3, v4;
	v5 =	vld [tilespmem:s29+$0xFFFFFFF0];
	_ =	sdelay $0x2  }
0x268: {  	s0 =	sadd.s32 $0x2, s30  }
0x269: {  	v6 =	vmov s0  }
0x26a: {  	[tilespmem:v4+s19+$0x0] =	vst.idx.msk $0xffff, v5;
	v4 =	vand.u32 $0x7E, v6  }
0x26b: {  	v5 =	vld [tilespmem:s29+$0x0];
	v6 =	vadd.s32 v0, v4;
	_ =	sdelay $0x4  }
0x26c: {  	[tilespmem:v6+s19+$0x0] =	vst.idx.msk $0xffff, v5  }
0x26d: {  	v6 =	vadd.s32 v1, v4;
	v5 =	vld [tilespmem:s29+$0x10];
	_ =	sdelay $0x4  }
0x26e: {  	[tilespmem:v6+s19+$0x0] =	vst.idx.msk $0xffff, v5  }
0x26f: {  	v6 =	vadd.s32 v2, v4;
	v5 =	vld [tilespmem:s29+$0x20];
	_ =	sdelay $0x4  }
0x270: {  	[tilespmem:v6+s19+$0x0] =	vst.idx.msk $0xffff, v5  }
0x271: {  	v4 =	vadd.s32 v3, v4;
	v5 =	vld [tilespmem:s29+$0x30];
	_ =	sdelay $0x2  }
0x272: {  	s0 =	sadd.s32 $0x3, s30;
	s30 =	smov.u32 s31  }
0x273: {  	v6 =	vmov s0  }
0x274: {  	[tilespmem:v4+s19+$0x0] =	vst.idx.msk $0xffff, v5;
	v5 =	vand.u32 $0x7F, v6  }
0x275: {  	v4 =	vld [tilespmem:s29+$0x40];
	v6 =	vadd.s32 v0, v5;
	_ =	sdelay $0x4  }
0x276: {  	[tilespmem:v6+s19+$0x0] =	vst.idx.msk $0xffff, v4  }
0x277: {  	v6 =	vadd.s32 v1, v5;
	v4 =	vld [tilespmem:s29+$0x50];
	_ =	sdelay $0x4  }
0x278: {  	[tilespmem:v6+s19+$0x0] =	vst.idx.msk $0xffff, v4  }
0x279: {  	v6 =	vadd.s32 v2, v5;
	v4 =	vld [tilespmem:s29+$0x60];
	_ =	sdelay $0x4  }
0x27a: {  	[tilespmem:v6+s19+$0x0] =	vst.idx.msk $0xffff, v4  }
.Ltmp6:
0x27b: {  	v5 =	vadd.s32 v3, v5;
	v4 =	vld [tilespmem:s29+$0x70];
	(pc) =	sbr.rel @p0 .LBB2_15-.Ltmp6, $2  }
0x27c: {  	_ =	sdelay $0x2  }
0x27d: {  	s31 =	sadd.s32 $0x4, s31;
	v6 =	vmov s30  }
0x27e: {  	_ =	sdelay $0x3  }
0x27f: {  	v6 =	vand.u32 $0x7C, v6;
	[tilespmem:v5+s19+$0x0] =	vst.idx.msk $0xffff, v4;
	s0 =	sadd.s32 $0x100, s29  }
0x280: {  	v4 =	vld [tilespmem:s0+$0xFFFFFF80];
	v5 =	vadd.s32 v0, v6;
	_ =	sdelay $0x4  }
0x281: {  	[tilespmem:v5+s19+$0x0] =	vst.idx.msk $0xffff, v4  }
0x282: {  	v5 =	vadd.s32 v1, v6;
	v4 =	vld [tilespmem:s0+$0xFFFFFF90];
	_ =	sdelay $0x4  }
0x283: {  	[tilespmem:v5+s19+$0x0] =	vst.idx.msk $0xffff, v4  }
0x284: {  	v5 =	vadd.s32 v2, v6;
	v4 =	vld [tilespmem:s0+$0xFFFFFFA0];
	_ =	sdelay $0x4  }
0x285: {  	[tilespmem:v5+s19+$0x0] =	vst.idx.msk $0xffff, v4  }
0x286: {  	v5 =	vadd.s32 v3, v6;
	v4 =	vld [tilespmem:s0+$0xFFFFFFB0];
	_ =	sdelay $0x2  }
0x287: {  	s1 =	sadd.s32 $0x1, s30  }
0x288: {  	v55 =	vmov s1  }
0x289: {  	[tilespmem:v5+s19+$0x0] =	vst.idx.msk $0xffff, v4;
	v4 =	vand.u32 $0x7D, v55  }
0x28a: {  	v5 =	vld [tilespmem:s0+$0xFFFFFFC0];
	v6 =	vadd.s32 v0, v4;
	_ =	sdelay $0x4  }
0x28b: {  	[tilespmem:v6+s19+$0x0] =	vst.idx.msk $0xffff, v5  }
0x28c: {  	v56 =	vadd.s32 v1, v4;
	v5 =	vld [tilespmem:s0+$0xFFFFFFD0];
	_ =	sdelay $0x4  }
0x28d: {  	[tilespmem:v56+s19+$0x0] =	vst.idx.msk $0xffff, v5  }
0x28e: {  	v57 =	vadd.s32 v2, v4;
	v5 =	vld [tilespmem:s0+$0xFFFFFFE0];
	_ =	sdelay $0x4  }
0x28f: {  	[tilespmem:v57+s19+$0x0] =	vst.idx.msk $0xffff, v5  }
0x290: {  	v4 =	vadd.s32 v3, v4;
	v5 =	vld [tilespmem:s0+$0xFFFFFFF0];
	_ =	sdelay $0x2  }
0x291: {  	s20 =	sadd.s32 $0x2, s30  }
0x292: {  	v58 =	vmov s20  }
0x293: {  	[tilespmem:v4+s19+$0x0] =	vst.idx.msk $0xffff, v5;
	v4 =	vand.u32 $0x7E, v58  }
0x294: {  	v5 =	vld [tilespmem:s0+$0x0];
	v6 =	vadd.s32 v0, v4;
	_ =	sdelay $0x4  }
0x295: {  	[tilespmem:v6+s19+$0x0] =	vst.idx.msk $0xffff, v5  }
0x296: {  	v59 =	vadd.s32 v1, v4;
	v5 =	vld [tilespmem:s0+$0x10];
	_ =	sdelay $0x4  }
0x297: {  	[tilespmem:v59+s19+$0x0] =	vst.idx.msk $0xffff, v5  }
0x298: {  	v60 =	vadd.s32 v2, v4;
	v5 =	vld [tilespmem:s0+$0x20];
	_ =	sdelay $0x4  }
0x299: {  	[tilespmem:v60+s19+$0x0] =	vst.idx.msk $0xffff, v5  }
0x29a: {  	v4 =	vadd.s32 v3, v4;
	v5 =	vld [tilespmem:s0+$0x30];
	_ =	sdelay $0x2  }
0x29b: {  	s20 =	sadd.s32 $0x3, s30  }
0x29c: {  	v61 =	vmov s20  }
0x29d: {  	[tilespmem:v4+s19+$0x0] =	vst.idx.msk $0xffff, v5;
	v4 =	vand.u32 $0x7F, v61  }
0x29e: {  	v5 =	vld [tilespmem:s0+$0x40];
	v6 =	vadd.s32 v0, v4;
	_ =	sdelay $0x4  }
0x29f: {  	[tilespmem:v6+s19+$0x0] =	vst.idx.msk $0xffff, v5  }
0x2a0: {  	v62 =	vadd.s32 v1, v4;
	v5 =	vld [tilespmem:s0+$0x50];
	_ =	sdelay $0x4  }
0x2a1: {  	[tilespmem:v62+s19+$0x0] =	vst.idx.msk $0xffff, v5  }
0x2a2: {  	v63 =	vadd.s32 v2, v4;
	v5 =	vld [tilespmem:s0+$0x60];
	_ =	sdelay $0x4  }
0x2a3: {  	[tilespmem:v63+s19+$0x0] =	vst.idx.msk $0xffff, v5  }
0x2a4: {  	s20 =	sadd.s32 s26, s4;
	v4 =	vadd.s32 v3, v4;
	v5 =	vld [tilespmem:s0+$0x70]  }
0x2a5: {  	s0 =	sadd.s32 $0x1, s20  }
0x2a6: {  	s26 =	sshll.u32 s0, $0x7  }
0x2a7: {  	s0 =	sshll.u32 s0, $0xA;
	s1 =	sand.u32 $0x3F80, s26  }
0x2a8: {  	s0 =	sand.u32 $0xFFE0000, s0;
	s1 =	sadd.s32 s2, s1  }
0x2a9: {  	s20 =	simm.s32 $0xC600;
	s0 =	sadd.s32 s0, s1;
	[tilespmem:v4+s19+$0x0] =	vst.idx.msk $0xffff, v5  }
0x2aa: {  	[hbm4b:s0+s3] =	stream.linear.scatter [tilespmem:s20], [sflag:$0x4], $0x80, $0x38;
	[tilespmem:$0xE800] =	vst v63  }
0x2ab: {  	s26 =	simm.s32 $0xC688;
	s20 =	sadd.s32 $0x10, s0  }
0x2ac: {  	[hbm4b:s20+s3] =	stream.linear.scatter [tilespmem:s26], [sflag:$0x4], $0x80, $0x38;
	[tilespmem:$0xE800] =	vst v63  }
0x2ad: {  	s26 =	simm.s32 $0xC710;
	s20 =	sadd.s32 $0x20, s0  }
0x2ae: {  	[hbm4b:s20+s3] =	stream.linear.scatter [tilespmem:s26], [sflag:$0x4], $0x80, $0x38;
	[tilespmem:$0xE800] =	vst v63  }
0x2af: {  	s26 =	simm.s32 $0xC798;
	s20 =	sadd.s32 $0x30, s0  }
0x2b0: {  	[hbm4b:s20+s3] =	stream.linear.scatter [tilespmem:s26], [sflag:$0x4], $0x80, $0x38;
	[tilespmem:$0xE800] =	vst v63  }
0x2b1: {  	s26 =	simm.s32 $0xC820;
	s20 =	sadd.s32 $0x40, s0  }
0x2b2: {  	[hbm4b:s20+s3] =	stream.linear.scatter [tilespmem:s26], [sflag:$0x4], $0x80, $0x38;
	[tilespmem:$0xE800] =	vst v63  }
0x2b3: {  	s31 =	simm.s32 $0xC9B8;
	s26 =	simm.s32 $0xC8A8;
	s20 =	sadd.s32 $0x50, s0  }
0x2b4: {  	[hbm4b:s20+s3] =	stream.linear.scatter [tilespmem:s26], [sflag:$0x4], $0x80, $0x38;
	[tilespmem:$0xE800] =	vst v63  }
0x2b5: {  	s30 =	simm.s32 $0x2200;
	s26 =	simm.s32 $0xC930;
	s20 =	sadd.s32 $0x60, s0  }
0x2b6: {  	[hbm4b:s20+s3] =	stream.linear.scatter [tilespmem:s26], [sflag:$0x4], $0x80, $0x38;
	[tilespmem:$0xE800] =	vst v63  }
0x2b7: {  	s1 =	sadd.s32 $0x70, s0;
	s29 =	sadd.s32 $0x4000, s0;
	s26 =	simm.s32 $0x440  }
.LBB2_17:
0x2b8: {  	[hbm4b:s1+s3] =	stream.linear.scatter [tilespmem:s31], [sflag:$0x4], $0x80, $0x38;
	[tilespmem:$0xE800] =	vst v63  }
0x2b9: {  	s0 =	smov.u32 s26;
	s1 =	smov.u32 s30  }
0x2ba: {  	s20 =	sadd.s32 $0x1100, s30;
	s26 =	sshra.s32 s1, $0x2;
	s1 =	sadd.s32 $0xC600, s0  }
0x2bb: {  	[hbm4b:s29+s3] =	stream.linear.scatter [tilespmem:s1], [sflag:$0x4], $0x80, $0x38;
	[tilespmem:$0xE800] =	vst v63  }
0x2bc: {  	p0 =	sne.s32 s30, $0x7700;
	s30 =	sadd.s32 $0x10, s29;
	s1 =	sadd.s32 $0xC688, s0  }
0x2bd: {  	[hbm4b:s30+s3] =	stream.linear.scatter [tilespmem:s1], [sflag:$0x4], $0x80, $0x38;
	[tilespmem:$0xE800] =	vst v63  }
0x2be: {  	s1 =	sadd.s32 $0xC710, s0;
	s30 =	sadd.s32 $0x20, s29  }
0x2bf: {  	[hbm4b:s30+s3] =	stream.linear.scatter [tilespmem:s1], [sflag:$0x4], $0x80, $0x38;
	[tilespmem:$0xE800] =	vst v63  }
0x2c0: {  	s1 =	sadd.s32 $0xC798, s0;
	s30 =	sadd.s32 $0x30, s29  }
0x2c1: {  	[hbm4b:s30+s3] =	stream.linear.scatter [tilespmem:s1], [sflag:$0x4], $0x80, $0x38;
	[tilespmem:$0xE800] =	vst v63  }
0x2c2: {  	s1 =	sadd.s32 $0xC820, s0;
	s30 =	sadd.s32 $0x40, s29  }
0x2c3: {  	[hbm4b:s30+s3] =	stream.linear.scatter [tilespmem:s1], [sflag:$0x4], $0x80, $0x38;
	[tilespmem:$0xE800] =	vst v63  }
.Ltmp7:
0x2c4: {  	s1 =	sadd.s32 $0xC8A8, s0;
	s30 =	sadd.s32 $0x50, s29;
	(pc) =	sbr.rel @p0 .LBB2_17-.Ltmp7, $4  }
0x2c5: {  	[hbm4b:s30+s3] =	stream.linear.scatter [tilespmem:s1], [sflag:$0x4], $0x80, $0x38;
	[tilespmem:$0xE800] =	vst v63  }
0x2c6: {  	s31 =	sadd.s32 $0xC9B8, s0;
	s1 =	sadd.s32 $0xC930, s0;
	s30 =	sadd.s32 $0x60, s29  }
0x2c7: {  	[hbm4b:s30+s3] =	stream.linear.scatter [tilespmem:s1], [sflag:$0x4], $0x80, $0x38;
	[tilespmem:$0xE800] =	vst v63  }
0x2c8: {  	s1 =	sadd.s32 $0x70, s29;
	s29 =	sadd.s32 $0x4000, s29;
	s30 =	smov.u32 s20  }
0x2c9: {  	[hbm4b:s1+s3] =	stream.linear.scatter [tilespmem:s31], [sflag:$0x4], $0x80, $0x38;
	[tilespmem:$0xE800] =	vst v63  }
0x2ca: {  	s0 =	sadd.s32 $0xC600, s26  }
0x2cb: {  	[hbm4b:s29+s3] =	stream.linear.scatter [tilespmem:s0], [sflag:$0x4], $0x80, $0x38;
	[tilespmem:$0xE800] =	vst v63  }
0x2cc: {  	s30 =	sadd.s32 $0xC688, s26;
	s31 =	sadd.s32 $0x10, s29  }
0x2cd: {  	[hbm4b:s31+s3] =	stream.linear.scatter [tilespmem:s30], [sflag:$0x4], $0x80, $0x38;
	[tilespmem:$0xE800] =	vst v63  }
0x2ce: {  	s1 =	sadd.s32 $0xC710, s26;
	s20 =	sadd.s32 $0x20, s29  }
0x2cf: {  	[hbm4b:s20+s3] =	stream.linear.scatter [tilespmem:s1], [sflag:$0x4], $0x80, $0x38;
	[tilespmem:$0xE800] =	vst v63  }
0x2d0: {  	s30 =	sadd.s32 $0xC798, s26;
	s31 =	sadd.s32 $0x30, s29  }
0x2d1: {  	[hbm4b:s31+s3] =	stream.linear.scatter [tilespmem:s30], [sflag:$0x4], $0x80, $0x38;
	[tilespmem:$0xE800] =	vst v63  }
0x2d2: {  	s1 =	sadd.s32 $0xC820, s26;
	s20 =	sadd.s32 $0x40, s29  }
0x2d3: {  	[hbm4b:s20+s3] =	stream.linear.scatter [tilespmem:s1], [sflag:$0x4], $0x80, $0x38;
	[tilespmem:$0xE800] =	vst v63  }
0x2d4: {  	s25 =	sadd.s32 $0x1, s25;
	s30 =	sadd.s32 $0xC8A8, s26;
	s31 =	sadd.s32 $0x50, s29  }
0x2d5: {  	[hbm4b:s31+s3] =	stream.linear.scatter [tilespmem:s30], [sflag:$0x4], $0x80, $0x38;
	[tilespmem:$0xE800] =	vst v63  }
0x2d6: {  	p0 =	sne.s32 s25, $0x63;
	s1 =	sadd.s32 $0xC930, s26;
	s20 =	sadd.s32 $0x60, s29  }
0x2d7: {  	[hbm4b:s20+s3] =	stream.linear.scatter [tilespmem:s1], [sflag:$0x4], $0x80, $0x38;
	[tilespmem:$0xE800] =	vst v63  }
.Ltmp8:
0x2d8: {  	_ = 	snop;
	(pc) =	sbr.rel @p0 .LBB2_10-.Ltmp8, $4  }
0x2d9: {  	s26 =	sadd.s32 $0xC9B8, s26;
	s30 =	sadd.s32 $0x70, s29  }
0x2da: {  	[hbm4b:s30+s3] =	stream.linear.scatter [tilespmem:s26], [sflag:$0x4], $0x80, $0x38;
	[tilespmem:$0xE800] =	vst v63  }
0x2db: {  	s31 =	sadd.s32 $0x180, s28  }
0x2dc: {  	[tilespmem:s15], [sflag:$0x2] =	stream.indirect.gather [hbm4b:s5+s13], $0x40, s31, s13, $0xb8;
	[tilespmem:$0xE800] =	vst v63  }
0x2dd: {  	_ =	swait.ge [sflag:s16], $0x2000  }
0x2de: {  	[sflag:s16] =	ssyncset.done $0x0  }
0x2df: {  	[sflag:s16] =	ssyncadd.s32 $0xFFFFE000  }
0x2e0: {  	s0 =	simm.s32 $0x0;
	_ =	swait.ge [sflag:s22], $0x2000  }
0x2e1: {  	v4 =	vmov s0;
	[sflag:s22] =	ssyncset.done $0x0  }
0x2e2: {  	s25 =	simm.s32 $0x6480;
	v4 =	vand.u32 $0x7C, v4;
	[sflag:s22] =	ssyncadd.s32 $0xFFFFE000  }
0x2e3: {  	v6 =	vadd.s32 v0, v4;
	v5 =	vld [tilespmem:s25+$0xFFFFFF80];
	_ =	sdelay $0x4  }
0x2e4: {  	[tilespmem:v6+s17+$0x0] =	vst.idx.msk $0xffff, v5  }
0x2e5: {  	v6 =	vadd.s32 v1, v4;
	v5 =	vld [tilespmem:s25+$0xFFFFFF90];
	_ =	sdelay $0x4  }
0x2e6: {  	[tilespmem:v6+s17+$0x0] =	vst.idx.msk $0xffff, v5  }
0x2e7: {  	v6 =	vadd.s32 v2, v4;
	v5 =	vld [tilespmem:s25+$0xFFFFFFA0];
	_ =	sdelay $0x4  }
0x2e8: {  	[tilespmem:v6+s17+$0x0] =	vst.idx.msk $0xffff, v5  }
0x2e9: {  	v4 =	vadd.s32 v3, v4;
	v5 =	vld [tilespmem:s25+$0xFFFFFFB0];
	_ =	sdelay $0x2  }
0x2ea: {  	s29 =	simm.s32 $0x1  }
0x2eb: {  	v6 =	vmov s29  }
0x2ec: {  	[tilespmem:v4+s17+$0x0] =	vst.idx.msk $0xffff, v5;
	v4 =	vand.u32 $0x7D, v6  }
0x2ed: {  	v5 =	vld [tilespmem:s25+$0xFFFFFFC0];
	v6 =	vadd.s32 v0, v4;
	_ =	sdelay $0x4  }
0x2ee: {  	[tilespmem:v6+s17+$0x0] =	vst.idx.msk $0xffff, v5  }
0x2ef: {  	v6 =	vadd.s32 v1, v4;
	v5 =	vld [tilespmem:s25+$0xFFFFFFD0];
	_ =	sdelay $0x4  }
0x2f0: {  	[tilespmem:v6+s17+$0x0] =	vst.idx.msk $0xffff, v5  }
0x2f1: {  	v6 =	vadd.s32 v2, v4;
	v5 =	vld [tilespmem:s25+$0xFFFFFFE0];
	_ =	sdelay $0x4  }
0x2f2: {  	[tilespmem:v6+s17+$0x0] =	vst.idx.msk $0xffff, v5  }
0x2f3: {  	v4 =	vadd.s32 v3, v4;
	v5 =	vld [tilespmem:s25+$0xFFFFFFF0];
	_ =	sdelay $0x2  }
0x2f4: {  	s30 =	simm.s32 $0x2  }
0x2f5: {  	v6 =	vmov s30  }
0x2f6: {  	[tilespmem:v4+s17+$0x0] =	vst.idx.msk $0xffff, v5;
	v4 =	vand.u32 $0x7E, v6  }
0x2f7: {  	v5 =	vld [tilespmem:s25+$0x0];
	v6 =	vadd.s32 v0, v4;
	_ =	sdelay $0x4  }
0x2f8: {  	[tilespmem:v6+s17+$0x0] =	vst.idx.msk $0xffff, v5  }
0x2f9: {  	v6 =	vadd.s32 v1, v4;
	v5 =	vld [tilespmem:s25+$0x10];
	_ =	sdelay $0x4  }
0x2fa: {  	[tilespmem:v6+s17+$0x0] =	vst.idx.msk $0xffff, v5  }
0x2fb: {  	v6 =	vadd.s32 v2, v4;
	v5 =	vld [tilespmem:s25+$0x20];
	_ =	sdelay $0x4  }
0x2fc: {  	[tilespmem:v6+s17+$0x0] =	vst.idx.msk $0xffff, v5  }
0x2fd: {  	v4 =	vadd.s32 v3, v4;
	v5 =	vld [tilespmem:s25+$0x30];
	_ =	sdelay $0x2  }
0x2fe: {  	s31 =	simm.s32 $0x3  }
0x2ff: {  	v6 =	vmov s31  }
0x300: {  	[tilespmem:v4+s17+$0x0] =	vst.idx.msk $0xffff, v5;
	v5 =	vand.u32 $0x7F, v6  }
0x301: {  	v4 =	vld [tilespmem:s25+$0x40];
	v6 =	vadd.s32 v0, v5;
	_ =	sdelay $0x4  }
0x302: {  	[tilespmem:v6+s17+$0x0] =	vst.idx.msk $0xffff, v4  }
0x303: {  	v6 =	vadd.s32 v1, v5;
	v4 =	vld [tilespmem:s25+$0x50];
	_ =	sdelay $0x4  }
0x304: {  	[tilespmem:v6+s17+$0x0] =	vst.idx.msk $0xffff, v4  }
0x305: {  	v6 =	vadd.s32 v2, v5;
	v4 =	vld [tilespmem:s25+$0x60];
	_ =	sdelay $0x4  }
0x306: {  	[tilespmem:v6+s17+$0x0] =	vst.idx.msk $0xffff, v4  }
0x307: {  	v5 =	vadd.s32 v3, v5;
	v4 =	vld [tilespmem:s25+$0x70];
	_ =	sdelay $0x2  }
0x308: {  	s26 =	simm.s32 $0x4  }
0x309: {  	s28 =	simm.s32 $0x8;
	v6 =	vmov s26  }
.LBB2_20:
0x30a: {  	p0 =	sne.s32 s28, $0x7C;
	v6 =	vand.u32 $0x7C, v6;
	[tilespmem:v5+s17+$0x0] =	vst.idx.msk $0xffff, v4;
	s25 =	sadd.s32 $0x100, s25  }
0x30b: {  	v4 =	vld [tilespmem:s25+$0xFFFFFF80];
	v5 =	vadd.s32 v0, v6;
	_ =	sdelay $0x4  }
0x30c: {  	[tilespmem:v5+s17+$0x0] =	vst.idx.msk $0xffff, v4  }
0x30d: {  	v5 =	vadd.s32 v1, v6;
	v4 =	vld [tilespmem:s25+$0xFFFFFF90];
	_ =	sdelay $0x4  }
0x30e: {  	[tilespmem:v5+s17+$0x0] =	vst.idx.msk $0xffff, v4  }
0x30f: {  	v5 =	vadd.s32 v2, v6;
	v4 =	vld [tilespmem:s25+$0xFFFFFFA0];
	_ =	sdelay $0x4  }
0x310: {  	[tilespmem:v5+s17+$0x0] =	vst.idx.msk $0xffff, v4  }
0x311: {  	v5 =	vadd.s32 v3, v6;
	v4 =	vld [tilespmem:s25+$0xFFFFFFB0];
	_ =	sdelay $0x2  }
0x312: {  	s0 =	sadd.s32 $0x1, s26  }
0x313: {  	v6 =	vmov s0  }
0x314: {  	[tilespmem:v5+s17+$0x0] =	vst.idx.msk $0xffff, v4;
	v4 =	vand.u32 $0x7D, v6  }
0x315: {  	v5 =	vld [tilespmem:s25+$0xFFFFFFC0];
	v6 =	vadd.s32 v0, v4;
	_ =	sdelay $0x4  }
0x316: {  	[tilespmem:v6+s17+$0x0] =	vst.idx.msk $0xffff, v5  }
0x317: {  	v6 =	vadd.s32 v1, v4;
	v5 =	vld [tilespmem:s25+$0xFFFFFFD0];
	_ =	sdelay $0x4  }
0x318: {  	[tilespmem:v6+s17+$0x0] =	vst.idx.msk $0xffff, v5  }
0x319: {  	v6 =	vadd.s32 v2, v4;
	v5 =	vld [tilespmem:s25+$0xFFFFFFE0];
	_ =	sdelay $0x4  }
0x31a: {  	[tilespmem:v6+s17+$0x0] =	vst.idx.msk $0xffff, v5  }
0x31b: {  	v4 =	vadd.s32 v3, v4;
	v5 =	vld [tilespmem:s25+$0xFFFFFFF0];
	_ =	sdelay $0x2  }
0x31c: {  	s0 =	sadd.s32 $0x2, s26  }
0x31d: {  	v6 =	vmov s0  }
0x31e: {  	[tilespmem:v4+s17+$0x0] =	vst.idx.msk $0xffff, v5;
	v4 =	vand.u32 $0x7E, v6  }
0x31f: {  	v5 =	vld [tilespmem:s25+$0x0];
	v6 =	vadd.s32 v0, v4;
	_ =	sdelay $0x4  }
0x320: {  	[tilespmem:v6+s17+$0x0] =	vst.idx.msk $0xffff, v5  }
0x321: {  	v6 =	vadd.s32 v1, v4;
	v5 =	vld [tilespmem:s25+$0x10];
	_ =	sdelay $0x4  }
0x322: {  	[tilespmem:v6+s17+$0x0] =	vst.idx.msk $0xffff, v5  }
0x323: {  	v6 =	vadd.s32 v2, v4;
	v5 =	vld [tilespmem:s25+$0x20];
	_ =	sdelay $0x4  }
0x324: {  	[tilespmem:v6+s17+$0x0] =	vst.idx.msk $0xffff, v5  }
0x325: {  	v4 =	vadd.s32 v3, v4;
	v5 =	vld [tilespmem:s25+$0x30];
	_ =	sdelay $0x2  }
0x326: {  	s0 =	sadd.s32 $0x3, s26;
	s26 =	smov.u32 s28  }
0x327: {  	v6 =	vmov s0  }
0x328: {  	[tilespmem:v4+s17+$0x0] =	vst.idx.msk $0xffff, v5;
	v5 =	vand.u32 $0x7F, v6  }
0x329: {  	v4 =	vld [tilespmem:s25+$0x40];
	v6 =	vadd.s32 v0, v5;
	_ =	sdelay $0x4  }
0x32a: {  	[tilespmem:v6+s17+$0x0] =	vst.idx.msk $0xffff, v4  }
0x32b: {  	v6 =	vadd.s32 v1, v5;
	v4 =	vld [tilespmem:s25+$0x50];
	_ =	sdelay $0x4  }
0x32c: {  	[tilespmem:v6+s17+$0x0] =	vst.idx.msk $0xffff, v4  }
0x32d: {  	v6 =	vadd.s32 v2, v5;
	v4 =	vld [tilespmem:s25+$0x60];
	_ =	sdelay $0x4  }
0x32e: {  	[tilespmem:v6+s17+$0x0] =	vst.idx.msk $0xffff, v4  }
.Ltmp9:
0x32f: {  	v5 =	vadd.s32 v3, v5;
	v4 =	vld [tilespmem:s25+$0x70];
	(pc) =	sbr.rel @p0 .LBB2_20-.Ltmp9, $2  }
0x330: {  	_ =	sdelay $0x2  }
0x331: {  	s28 =	sadd.s32 $0x4, s28;
	v6 =	vmov s26  }
0x332: {  	_ =	sdelay $0x3  }
0x333: {  	v6 =	vand.u32 $0x7C, v6;
	[tilespmem:v5+s17+$0x0] =	vst.idx.msk $0xffff, v4;
	s0 =	sadd.s32 $0x100, s25  }
0x334: {  	v4 =	vld [tilespmem:s0+$0xFFFFFF80];
	v5 =	vadd.s32 v0, v6;
	_ =	sdelay $0x4  }
0x335: {  	[tilespmem:v5+s17+$0x0] =	vst.idx.msk $0xffff, v4  }
0x336: {  	v5 =	vadd.s32 v1, v6;
	v4 =	vld [tilespmem:s0+$0xFFFFFF90];
	_ =	sdelay $0x4  }
0x337: {  	[tilespmem:v5+s17+$0x0] =	vst.idx.msk $0xffff, v4  }
0x338: {  	v5 =	vadd.s32 v2, v6;
	v4 =	vld [tilespmem:s0+$0xFFFFFFA0];
	_ =	sdelay $0x4  }
0x339: {  	[tilespmem:v5+s17+$0x0] =	vst.idx.msk $0xffff, v4  }
0x33a: {  	v5 =	vadd.s32 v3, v6;
	v4 =	vld [tilespmem:s0+$0xFFFFFFB0];
	_ =	sdelay $0x2  }
0x33b: {  	s1 =	sadd.s32 $0x1, s26  }
0x33c: {  	v55 =	vmov s1  }
0x33d: {  	[tilespmem:v5+s17+$0x0] =	vst.idx.msk $0xffff, v4;
	v4 =	vand.u32 $0x7D, v55  }
0x33e: {  	v5 =	vld [tilespmem:s0+$0xFFFFFFC0];
	v6 =	vadd.s32 v0, v4;
	_ =	sdelay $0x4  }
0x33f: {  	[tilespmem:v6+s17+$0x0] =	vst.idx.msk $0xffff, v5  }
0x340: {  	v56 =	vadd.s32 v1, v4;
	v5 =	vld [tilespmem:s0+$0xFFFFFFD0];
	_ =	sdelay $0x4  }
0x341: {  	[tilespmem:v56+s17+$0x0] =	vst.idx.msk $0xffff, v5  }
0x342: {  	v57 =	vadd.s32 v2, v4;
	v5 =	vld [tilespmem:s0+$0xFFFFFFE0];
	_ =	sdelay $0x4  }
0x343: {  	[tilespmem:v57+s17+$0x0] =	vst.idx.msk $0xffff, v5  }
0x344: {  	v4 =	vadd.s32 v3, v4;
	v5 =	vld [tilespmem:s0+$0xFFFFFFF0];
	_ =	sdelay $0x2  }
0x345: {  	s25 =	sadd.s32 $0x2, s26  }
0x346: {  	v58 =	vmov s25  }
0x347: {  	[tilespmem:v4+s17+$0x0] =	vst.idx.msk $0xffff, v5;
	v4 =	vand.u32 $0x7E, v58  }
0x348: {  	v5 =	vld [tilespmem:s0+$0x0];
	v6 =	vadd.s32 v0, v4;
	_ =	sdelay $0x4  }
0x349: {  	[tilespmem:v6+s17+$0x0] =	vst.idx.msk $0xffff, v5  }
0x34a: {  	v59 =	vadd.s32 v1, v4;
	v5 =	vld [tilespmem:s0+$0x10];
	_ =	sdelay $0x4  }
0x34b: {  	[tilespmem:v59+s17+$0x0] =	vst.idx.msk $0xffff, v5  }
0x34c: {  	v60 =	vadd.s32 v2, v4;
	v5 =	vld [tilespmem:s0+$0x20];
	_ =	sdelay $0x4  }
0x34d: {  	[tilespmem:v60+s17+$0x0] =	vst.idx.msk $0xffff, v5  }
0x34e: {  	v4 =	vadd.s32 v3, v4;
	v5 =	vld [tilespmem:s0+$0x30];
	_ =	sdelay $0x2  }
0x34f: {  	s30 =	sadd.s32 $0x3, s26  }
0x350: {  	v61 =	vmov s30  }
0x351: {  	[tilespmem:v4+s17+$0x0] =	vst.idx.msk $0xffff, v5;
	v4 =	vand.u32 $0x7F, v61  }
0x352: {  	v5 =	vld [tilespmem:s0+$0x40];
	v6 =	vadd.s32 v0, v4;
	_ =	sdelay $0x4  }
0x353: {  	[tilespmem:v6+s17+$0x0] =	vst.idx.msk $0xffff, v5  }
0x354: {  	v62 =	vadd.s32 v1, v4;
	v5 =	vld [tilespmem:s0+$0x50];
	_ =	sdelay $0x4  }
0x355: {  	[tilespmem:v62+s17+$0x0] =	vst.idx.msk $0xffff, v5  }
0x356: {  	v63 =	vadd.s32 v2, v4;
	v5 =	vld [tilespmem:s0+$0x60];
	_ =	sdelay $0x4  }
0x357: {  	[tilespmem:v63+s17+$0x0] =	vst.idx.msk $0xffff, v5  }
0x358: {  	v4 =	vadd.s32 v3, v4;
	v5 =	vld [tilespmem:s0+$0x70];
	_ =	sdelay $0x4  }
0x359: {  	s31 =	simm.s32 $0xA400;
	[tilespmem:v4+s17+$0x0] =	vst.idx.msk $0xffff, v5  }
0x35a: {  	[hbm4b:s9+s3] =	stream.linear.scatter [tilespmem:s31], [sflag:$0x3], $0x80, $0x38;
	[tilespmem:$0xE800] =	vst v63  }
0x35b: {  	s20 =	sadd.s32 $0x10, s9;
	s1 =	simm.s32 $0xA488  }
0x35c: {  	[hbm4b:s20+s3] =	stream.linear.scatter [tilespmem:s1], [sflag:$0x3], $0x80, $0x38;
	[tilespmem:$0xE800] =	vst v63  }
0x35d: {  	s26 =	sadd.s32 $0x20, s9;
	s28 =	simm.s32 $0x2200;
	s25 =	simm.s32 $0xA510  }
0x35e: {  	[hbm4b:s26+s3] =	stream.linear.scatter [tilespmem:s25], [sflag:$0x3], $0x80, $0x38;
	[tilespmem:$0xE800] =	vst v63  }
0x35f: {  	s29 =	simm.s32 $0xA7B8;
	s30 =	simm.s32 $0xA598;
	s31 =	sadd.s32 $0x30, s9  }
0x360: {  	[hbm4b:s31+s3] =	stream.linear.scatter [tilespmem:s30], [sflag:$0x3], $0x80, $0x38;
	[tilespmem:$0xE800] =	vst v63  }
0x361: {  	s1 =	simm.s32 $0xA620;
	s20 =	sadd.s32 $0x40, s9;
	s25 =	simm.s32 $0xA6A8  }
0x362: {  	[hbm4b:s20+s3] =	stream.linear.scatter [tilespmem:s1], [sflag:$0x3], $0x80, $0x38;
	[tilespmem:$0xE800] =	vst v63  }
0x363: {  	s26 =	sadd.s32 $0x50, s9;
	s30 =	simm.s32 $0xA730;
	s31 =	sadd.s32 $0x60, s9  }
0x364: {  	[hbm4b:s26+s3] =	stream.linear.scatter [tilespmem:s25], [sflag:$0x3], $0x80, $0x38;
	[tilespmem:$0xE800] =	vst v63  }
0x365: {  	s1 =	sadd.s32 $0x70, s9;
	s25 =	simm.s32 $0x440;
	s26 =	sadd.s32 $0x4000, s9  }
0x366: {  	[hbm4b:s31+s3] =	stream.linear.scatter [tilespmem:s30], [sflag:$0x3], $0x80, $0x38;
	[tilespmem:$0xE800] =	vst v63  }
.LBB2_22:
0x367: {  	[hbm4b:s1+s3] =	stream.linear.scatter [tilespmem:s29], [sflag:$0x3], $0x80, $0x38;
	[tilespmem:$0xE800] =	vst v63  }
0x368: {  	s0 =	smov.u32 s25;
	s1 =	smov.u32 s28  }
0x369: {  	s20 =	sadd.s32 $0x1100, s28;
	s25 =	sshra.s32 s1, $0x2;
	s1 =	sadd.s32 $0xA400, s0  }
0x36a: {  	[hbm4b:s26+s3] =	stream.linear.scatter [tilespmem:s1], [sflag:$0x3], $0x80, $0x38;
	[tilespmem:$0xE800] =	vst v63  }
0x36b: {  	p0 =	sne.s32 s28, $0x7700;
	s28 =	sadd.s32 $0x10, s26;
	s1 =	sadd.s32 $0xA488, s0  }
0x36c: {  	[hbm4b:s28+s3] =	stream.linear.scatter [tilespmem:s1], [sflag:$0x3], $0x80, $0x38;
	[tilespmem:$0xE800] =	vst v63  }
0x36d: {  	s1 =	sadd.s32 $0xA510, s0;
	s28 =	sadd.s32 $0x20, s26  }
0x36e: {  	[hbm4b:s28+s3] =	stream.linear.scatter [tilespmem:s1], [sflag:$0x3], $0x80, $0x38;
	[tilespmem:$0xE800] =	vst v63  }
0x36f: {  	s1 =	sadd.s32 $0xA598, s0;
	s28 =	sadd.s32 $0x30, s26  }
0x370: {  	[hbm4b:s28+s3] =	stream.linear.scatter [tilespmem:s1], [sflag:$0x3], $0x80, $0x38;
	[tilespmem:$0xE800] =	vst v63  }
0x371: {  	s1 =	sadd.s32 $0xA620, s0;
	s28 =	sadd.s32 $0x40, s26  }
0x372: {  	[hbm4b:s28+s3] =	stream.linear.scatter [tilespmem:s1], [sflag:$0x3], $0x80, $0x38;
	[tilespmem:$0xE800] =	vst v63  }
.Ltmp10:
0x373: {  	s1 =	sadd.s32 $0xA6A8, s0;
	s28 =	sadd.s32 $0x50, s26;
	(pc) =	sbr.rel @p0 .LBB2_22-.Ltmp10, $4  }
0x374: {  	[hbm4b:s28+s3] =	stream.linear.scatter [tilespmem:s1], [sflag:$0x3], $0x80, $0x38;
	[tilespmem:$0xE800] =	vst v63  }
0x375: {  	s29 =	sadd.s32 $0xA7B8, s0;
	s1 =	sadd.s32 $0xA730, s0;
	s28 =	sadd.s32 $0x60, s26  }
0x376: {  	[hbm4b:s28+s3] =	stream.linear.scatter [tilespmem:s1], [sflag:$0x3], $0x80, $0x38;
	[tilespmem:$0xE800] =	vst v63  }
0x377: {  	s1 =	sadd.s32 $0x70, s26;
	s26 =	sadd.s32 $0x4000, s26;
	s28 =	smov.u32 s20  }
0x378: {  	[hbm4b:s1+s3] =	stream.linear.scatter [tilespmem:s29], [sflag:$0x3], $0x80, $0x38;
	[tilespmem:$0xE800] =	vst v63  }
0x379: {  	s0 =	sadd.s32 $0xA400, s25  }
0x37a: {  	[hbm4b:s26+s3] =	stream.linear.scatter [tilespmem:s0], [sflag:$0x3], $0x80, $0x38;
	[tilespmem:$0xE800] =	vst v63  }
0x37b: {  	s20 =	sadd.s32 $0xA488, s25;
	s29 =	sadd.s32 $0x10, s26  }
0x37c: {  	[hbm4b:s29+s3] =	stream.linear.scatter [tilespmem:s20], [sflag:$0x3], $0x80, $0x38;
	[tilespmem:$0xE800] =	vst v63  }
0x37d: {  	s30 =	sadd.s32 $0xA510, s25;
	s31 =	sadd.s32 $0x20, s26  }
0x37e: {  	[hbm4b:s31+s3] =	stream.linear.scatter [tilespmem:s30], [sflag:$0x3], $0x80, $0x38;
	[tilespmem:$0xE800] =	vst v63  }
0x37f: {  	s20 =	sadd.s32 $0xA598, s25;
	s29 =	sadd.s32 $0x30, s26  }
0x380: {  	[hbm4b:s29+s3] =	stream.linear.scatter [tilespmem:s20], [sflag:$0x3], $0x80, $0x38;
	[tilespmem:$0xE800] =	vst v63  }
0x381: {  	s30 =	sadd.s32 $0xA620, s25;
	s31 =	sadd.s32 $0x40, s26  }
0x382: {  	[hbm4b:s31+s3] =	stream.linear.scatter [tilespmem:s30], [sflag:$0x3], $0x80, $0x38;
	[tilespmem:$0xE800] =	vst v63  }
0x383: {  	s20 =	sadd.s32 $0xA6A8, s25;
	s29 =	sadd.s32 $0x50, s26  }
0x384: {  	[hbm4b:s29+s3] =	stream.linear.scatter [tilespmem:s20], [sflag:$0x3], $0x80, $0x38;
	[tilespmem:$0xE800] =	vst v63  }
0x385: {  	s30 =	sadd.s32 $0xA730, s25;
	s31 =	sadd.s32 $0x60, s26  }
0x386: {  	[hbm4b:s31+s3] =	stream.linear.scatter [tilespmem:s30], [sflag:$0x3], $0x80, $0x38;
	[tilespmem:$0xE800] =	vst v63  }
0x387: {  	s20 =	sadd.s32 $0xA7B8, s25;
	s25 =	sadd.s32 $0x70, s26  }
0x388: {  	[hbm4b:s25+s3] =	stream.linear.scatter [tilespmem:s20], [sflag:$0x3], $0x80, $0x38;
	[tilespmem:$0xE800] =	vst v63  }
0x389: {  	_ =	swait.ge [sflag:s18], $0x2000  }
0x38a: {  	[sflag:s18] =	ssyncset.done $0x0  }
0x38b: {  	[sflag:s18] =	ssyncadd.s32 $0xFFFFE000  }
0x38c: {  	s26 =	simm.s32 $0x0;
	_ =	swait.ge [sflag:s23], $0x2000  }
0x38d: {  	v4 =	vmov s26;
	[sflag:s23] =	ssyncset.done $0x0  }
0x38e: {  	v4 =	vand.u32 $0x7C, v4;
	s25 =	simm.s32 $0x8480;
	[sflag:s23] =	ssyncadd.s32 $0xFFFFE000  }
0x38f: {  	v6 =	vadd.s32 v0, v4;
	v5 =	vld [tilespmem:s25+$0xFFFFFF80];
	_ =	sdelay $0x4  }
0x390: {  	[tilespmem:v6+s19+$0x0] =	vst.idx.msk $0xffff, v5  }
0x391: {  	v6 =	vadd.s32 v1, v4;
	v5 =	vld [tilespmem:s25+$0xFFFFFF90];
	_ =	sdelay $0x4  }
0x392: {  	[tilespmem:v6+s19+$0x0] =	vst.idx.msk $0xffff, v5  }
0x393: {  	v6 =	vadd.s32 v2, v4;
	v5 =	vld [tilespmem:s25+$0xFFFFFFA0];
	_ =	sdelay $0x4  }
0x394: {  	[tilespmem:v6+s19+$0x0] =	vst.idx.msk $0xffff, v5  }
0x395: {  	v4 =	vadd.s32 v3, v4;
	v5 =	vld [tilespmem:s25+$0xFFFFFFB0];
	_ =	sdelay $0x2  }
0x396: {  	s29 =	simm.s32 $0x1  }
0x397: {  	v6 =	vmov s29  }
0x398: {  	[tilespmem:v4+s19+$0x0] =	vst.idx.msk $0xffff, v5;
	v4 =	vand.u32 $0x7D, v6  }
0x399: {  	v5 =	vld [tilespmem:s25+$0xFFFFFFC0];
	v6 =	vadd.s32 v0, v4;
	_ =	sdelay $0x4  }
0x39a: {  	[tilespmem:v6+s19+$0x0] =	vst.idx.msk $0xffff, v5  }
0x39b: {  	v6 =	vadd.s32 v1, v4;
	v5 =	vld [tilespmem:s25+$0xFFFFFFD0];
	_ =	sdelay $0x4  }
0x39c: {  	[tilespmem:v6+s19+$0x0] =	vst.idx.msk $0xffff, v5  }
0x39d: {  	v6 =	vadd.s32 v2, v4;
	v5 =	vld [tilespmem:s25+$0xFFFFFFE0];
	_ =	sdelay $0x4  }
0x39e: {  	[tilespmem:v6+s19+$0x0] =	vst.idx.msk $0xffff, v5  }
0x39f: {  	v4 =	vadd.s32 v3, v4;
	v5 =	vld [tilespmem:s25+$0xFFFFFFF0];
	_ =	sdelay $0x2  }
0x3a0: {  	s30 =	simm.s32 $0x2  }
0x3a1: {  	v6 =	vmov s30  }
0x3a2: {  	[tilespmem:v4+s19+$0x0] =	vst.idx.msk $0xffff, v5;
	v4 =	vand.u32 $0x7E, v6  }
0x3a3: {  	v5 =	vld [tilespmem:s25+$0x0];
	v6 =	vadd.s32 v0, v4;
	_ =	sdelay $0x4  }
0x3a4: {  	[tilespmem:v6+s19+$0x0] =	vst.idx.msk $0xffff, v5  }
0x3a5: {  	v6 =	vadd.s32 v1, v4;
	v5 =	vld [tilespmem:s25+$0x10];
	_ =	sdelay $0x4  }
0x3a6: {  	[tilespmem:v6+s19+$0x0] =	vst.idx.msk $0xffff, v5  }
0x3a7: {  	v6 =	vadd.s32 v2, v4;
	v5 =	vld [tilespmem:s25+$0x20];
	_ =	sdelay $0x4  }
0x3a8: {  	[tilespmem:v6+s19+$0x0] =	vst.idx.msk $0xffff, v5  }
0x3a9: {  	v4 =	vadd.s32 v3, v4;
	v5 =	vld [tilespmem:s25+$0x30];
	_ =	sdelay $0x2  }
0x3aa: {  	s31 =	simm.s32 $0x3  }
0x3ab: {  	v6 =	vmov s31  }
0x3ac: {  	[tilespmem:v4+s19+$0x0] =	vst.idx.msk $0xffff, v5;
	v5 =	vand.u32 $0x7F, v6  }
0x3ad: {  	v4 =	vld [tilespmem:s25+$0x40];
	v6 =	vadd.s32 v0, v5;
	_ =	sdelay $0x4  }
0x3ae: {  	[tilespmem:v6+s19+$0x0] =	vst.idx.msk $0xffff, v4  }
0x3af: {  	v6 =	vadd.s32 v1, v5;
	v4 =	vld [tilespmem:s25+$0x50];
	_ =	sdelay $0x4  }
0x3b0: {  	[tilespmem:v6+s19+$0x0] =	vst.idx.msk $0xffff, v4  }
0x3b1: {  	v6 =	vadd.s32 v2, v5;
	v4 =	vld [tilespmem:s25+$0x60];
	_ =	sdelay $0x4  }
0x3b2: {  	[tilespmem:v6+s19+$0x0] =	vst.idx.msk $0xffff, v4  }
0x3b3: {  	v5 =	vadd.s32 v3, v5;
	v4 =	vld [tilespmem:s25+$0x70];
	_ =	sdelay $0x2  }
0x3b4: {  	s26 =	simm.s32 $0x4  }
0x3b5: {  	s28 =	simm.s32 $0x8;
	v6 =	vmov s26  }
.LBB2_24:
0x3b6: {  	p0 =	sne.s32 s28, $0x7C;
	v6 =	vand.u32 $0x7C, v6;
	[tilespmem:v5+s19+$0x0] =	vst.idx.msk $0xffff, v4;
	s25 =	sadd.s32 $0x100, s25  }
0x3b7: {  	v4 =	vld [tilespmem:s25+$0xFFFFFF80];
	v5 =	vadd.s32 v0, v6;
	_ =	sdelay $0x4  }
0x3b8: {  	[tilespmem:v5+s19+$0x0] =	vst.idx.msk $0xffff, v4  }
0x3b9: {  	v5 =	vadd.s32 v1, v6;
	v4 =	vld [tilespmem:s25+$0xFFFFFF90];
	_ =	sdelay $0x4  }
0x3ba: {  	[tilespmem:v5+s19+$0x0] =	vst.idx.msk $0xffff, v4  }
0x3bb: {  	v5 =	vadd.s32 v2, v6;
	v4 =	vld [tilespmem:s25+$0xFFFFFFA0];
	_ =	sdelay $0x4  }
0x3bc: {  	[tilespmem:v5+s19+$0x0] =	vst.idx.msk $0xffff, v4  }
0x3bd: {  	v5 =	vadd.s32 v3, v6;
	v4 =	vld [tilespmem:s25+$0xFFFFFFB0];
	_ =	sdelay $0x2  }
0x3be: {  	s0 =	sadd.s32 $0x1, s26  }
0x3bf: {  	v6 =	vmov s0  }
0x3c0: {  	[tilespmem:v5+s19+$0x0] =	vst.idx.msk $0xffff, v4;
	v4 =	vand.u32 $0x7D, v6  }
0x3c1: {  	v5 =	vld [tilespmem:s25+$0xFFFFFFC0];
	v6 =	vadd.s32 v0, v4;
	_ =	sdelay $0x4  }
0x3c2: {  	[tilespmem:v6+s19+$0x0] =	vst.idx.msk $0xffff, v5  }
0x3c3: {  	v6 =	vadd.s32 v1, v4;
	v5 =	vld [tilespmem:s25+$0xFFFFFFD0];
	_ =	sdelay $0x4  }
0x3c4: {  	[tilespmem:v6+s19+$0x0] =	vst.idx.msk $0xffff, v5  }
0x3c5: {  	v6 =	vadd.s32 v2, v4;
	v5 =	vld [tilespmem:s25+$0xFFFFFFE0];
	_ =	sdelay $0x4  }
0x3c6: {  	[tilespmem:v6+s19+$0x0] =	vst.idx.msk $0xffff, v5  }
0x3c7: {  	v4 =	vadd.s32 v3, v4;
	v5 =	vld [tilespmem:s25+$0xFFFFFFF0];
	_ =	sdelay $0x2  }
0x3c8: {  	s0 =	sadd.s32 $0x2, s26  }
0x3c9: {  	v6 =	vmov s0  }
0x3ca: {  	[tilespmem:v4+s19+$0x0] =	vst.idx.msk $0xffff, v5;
	v4 =	vand.u32 $0x7E, v6  }
0x3cb: {  	v5 =	vld [tilespmem:s25+$0x0];
	v6 =	vadd.s32 v0, v4;
	_ =	sdelay $0x4  }
0x3cc: {  	[tilespmem:v6+s19+$0x0] =	vst.idx.msk $0xffff, v5  }
0x3cd: {  	v6 =	vadd.s32 v1, v4;
	v5 =	vld [tilespmem:s25+$0x10];
	_ =	sdelay $0x4  }
0x3ce: {  	[tilespmem:v6+s19+$0x0] =	vst.idx.msk $0xffff, v5  }
0x3cf: {  	v6 =	vadd.s32 v2, v4;
	v5 =	vld [tilespmem:s25+$0x20];
	_ =	sdelay $0x4  }
0x3d0: {  	[tilespmem:v6+s19+$0x0] =	vst.idx.msk $0xffff, v5  }
0x3d1: {  	v4 =	vadd.s32 v3, v4;
	v5 =	vld [tilespmem:s25+$0x30];
	_ =	sdelay $0x2  }
0x3d2: {  	s0 =	sadd.s32 $0x3, s26;
	s26 =	smov.u32 s28  }
0x3d3: {  	v6 =	vmov s0  }
0x3d4: {  	[tilespmem:v4+s19+$0x0] =	vst.idx.msk $0xffff, v5;
	v5 =	vand.u32 $0x7F, v6  }
0x3d5: {  	v4 =	vld [tilespmem:s25+$0x40];
	v6 =	vadd.s32 v0, v5;
	_ =	sdelay $0x4  }
0x3d6: {  	[tilespmem:v6+s19+$0x0] =	vst.idx.msk $0xffff, v4  }
0x3d7: {  	v6 =	vadd.s32 v1, v5;
	v4 =	vld [tilespmem:s25+$0x50];
	_ =	sdelay $0x4  }
0x3d8: {  	[tilespmem:v6+s19+$0x0] =	vst.idx.msk $0xffff, v4  }
0x3d9: {  	v6 =	vadd.s32 v2, v5;
	v4 =	vld [tilespmem:s25+$0x60];
	_ =	sdelay $0x4  }
0x3da: {  	[tilespmem:v6+s19+$0x0] =	vst.idx.msk $0xffff, v4  }
.Ltmp11:
0x3db: {  	v5 =	vadd.s32 v3, v5;
	v4 =	vld [tilespmem:s25+$0x70];
	(pc) =	sbr.rel @p0 .LBB2_24-.Ltmp11, $2  }
0x3dc: {  	_ =	sdelay $0x2  }
0x3dd: {  	s28 =	sadd.s32 $0x4, s28;
	v6 =	vmov s26  }
0x3de: {  	_ =	sdelay $0x3  }
0x3df: {  	v6 =	vand.u32 $0x7C, v6;
	[tilespmem:v5+s19+$0x0] =	vst.idx.msk $0xffff, v4;
	s0 =	sadd.s32 $0x100, s25  }
0x3e0: {  	v4 =	vld [tilespmem:s0+$0xFFFFFF80];
	v5 =	vadd.s32 v0, v6;
	_ =	sdelay $0x4  }
0x3e1: {  	[tilespmem:v5+s19+$0x0] =	vst.idx.msk $0xffff, v4  }
0x3e2: {  	v5 =	vadd.s32 v1, v6;
	v4 =	vld [tilespmem:s0+$0xFFFFFF90];
	_ =	sdelay $0x4  }
0x3e3: {  	[tilespmem:v5+s19+$0x0] =	vst.idx.msk $0xffff, v4  }
0x3e4: {  	v5 =	vadd.s32 v2, v6;
	v4 =	vld [tilespmem:s0+$0xFFFFFFA0];
	_ =	sdelay $0x4  }
0x3e5: {  	[tilespmem:v5+s19+$0x0] =	vst.idx.msk $0xffff, v4  }
0x3e6: {  	v5 =	vadd.s32 v3, v6;
	v4 =	vld [tilespmem:s0+$0xFFFFFFB0];
	_ =	sdelay $0x2  }
0x3e7: {  	s1 =	sadd.s32 $0x1, s26  }
0x3e8: {  	v55 =	vmov s1  }
0x3e9: {  	[tilespmem:v5+s19+$0x0] =	vst.idx.msk $0xffff, v4;
	v4 =	vand.u32 $0x7D, v55  }
0x3ea: {  	v5 =	vld [tilespmem:s0+$0xFFFFFFC0];
	v6 =	vadd.s32 v0, v4;
	_ =	sdelay $0x4  }
0x3eb: {  	[tilespmem:v6+s19+$0x0] =	vst.idx.msk $0xffff, v5  }
0x3ec: {  	v56 =	vadd.s32 v1, v4;
	v5 =	vld [tilespmem:s0+$0xFFFFFFD0];
	_ =	sdelay $0x4  }
0x3ed: {  	[tilespmem:v56+s19+$0x0] =	vst.idx.msk $0xffff, v5  }
0x3ee: {  	v57 =	vadd.s32 v2, v4;
	v5 =	vld [tilespmem:s0+$0xFFFFFFE0];
	_ =	sdelay $0x4  }
0x3ef: {  	[tilespmem:v57+s19+$0x0] =	vst.idx.msk $0xffff, v5  }
0x3f0: {  	v4 =	vadd.s32 v3, v4;
	v5 =	vld [tilespmem:s0+$0xFFFFFFF0];
	_ =	sdelay $0x2  }
0x3f1: {  	s25 =	sadd.s32 $0x2, s26  }
0x3f2: {  	v58 =	vmov s25  }
0x3f3: {  	[tilespmem:v4+s19+$0x0] =	vst.idx.msk $0xffff, v5;
	v4 =	vand.u32 $0x7E, v58  }
0x3f4: {  	v5 =	vld [tilespmem:s0+$0x0];
	v6 =	vadd.s32 v0, v4;
	_ =	sdelay $0x4  }
0x3f5: {  	[tilespmem:v6+s19+$0x0] =	vst.idx.msk $0xffff, v5  }
0x3f6: {  	v59 =	vadd.s32 v1, v4;
	v5 =	vld [tilespmem:s0+$0x10];
	_ =	sdelay $0x4  }
0x3f7: {  	[tilespmem:v59+s19+$0x0] =	vst.idx.msk $0xffff, v5  }
0x3f8: {  	v60 =	vadd.s32 v2, v4;
	v5 =	vld [tilespmem:s0+$0x20];
	_ =	sdelay $0x4  }
0x3f9: {  	[tilespmem:v60+s19+$0x0] =	vst.idx.msk $0xffff, v5  }
0x3fa: {  	v4 =	vadd.s32 v3, v4;
	v5 =	vld [tilespmem:s0+$0x30];
	_ =	sdelay $0x2  }
0x3fb: {  	s30 =	sadd.s32 $0x3, s26  }
0x3fc: {  	v61 =	vmov s30  }
0x3fd: {  	[tilespmem:v4+s19+$0x0] =	vst.idx.msk $0xffff, v5;
	v4 =	vand.u32 $0x7F, v61  }
0x3fe: {  	v5 =	vld [tilespmem:s0+$0x40];
	v6 =	vadd.s32 v0, v4;
	_ =	sdelay $0x4  }
0x3ff: {  	[tilespmem:v6+s19+$0x0] =	vst.idx.msk $0xffff, v5  }
0x400: {  	v62 =	vadd.s32 v1, v4;
	v5 =	vld [tilespmem:s0+$0x50];
	_ =	sdelay $0x4  }
0x401: {  	[tilespmem:v62+s19+$0x0] =	vst.idx.msk $0xffff, v5  }
0x402: {  	v63 =	vadd.s32 v2, v4;
	v5 =	vld [tilespmem:s0+$0x60];
	_ =	sdelay $0x4  }
0x403: {  	[tilespmem:v63+s19+$0x0] =	vst.idx.msk $0xffff, v5  }
0x404: {  	v4 =	vadd.s32 v3, v4;
	v5 =	vld [tilespmem:s0+$0x70];
	_ =	sdelay $0x4  }
0x405: {  	s31 =	simm.s32 $0xC600;
	[tilespmem:v4+s19+$0x0] =	vst.idx.msk $0xffff, v5  }
0x406: {  	[hbm4b:s10+s3] =	stream.linear.scatter [tilespmem:s31], [sflag:$0x4], $0x80, $0x38;
	[tilespmem:$0xE800] =	vst v63  }
0x407: {  	s20 =	sadd.s32 $0x10, s10;
	s1 =	simm.s32 $0xC688  }
0x408: {  	[hbm4b:s20+s3] =	stream.linear.scatter [tilespmem:s1], [sflag:$0x4], $0x80, $0x38;
	[tilespmem:$0xE800] =	vst v63  }
0x409: {  	s26 =	sadd.s32 $0x20, s10;
	s28 =	simm.s32 $0x2200;
	s25 =	simm.s32 $0xC710  }
0x40a: {  	[hbm4b:s26+s3] =	stream.linear.scatter [tilespmem:s25], [sflag:$0x4], $0x80, $0x38;
	[tilespmem:$0xE800] =	vst v63  }
0x40b: {  	s29 =	simm.s32 $0xC9B8;
	s30 =	simm.s32 $0xC798;
	s31 =	sadd.s32 $0x30, s10  }
0x40c: {  	[hbm4b:s31+s3] =	stream.linear.scatter [tilespmem:s30], [sflag:$0x4], $0x80, $0x38;
	[tilespmem:$0xE800] =	vst v63  }
0x40d: {  	s1 =	simm.s32 $0xC820;
	s20 =	sadd.s32 $0x40, s10;
	s25 =	simm.s32 $0xC8A8  }
0x40e: {  	[hbm4b:s20+s3] =	stream.linear.scatter [tilespmem:s1], [sflag:$0x4], $0x80, $0x38;
	[tilespmem:$0xE800] =	vst v63  }
0x40f: {  	s26 =	sadd.s32 $0x50, s10;
	s30 =	simm.s32 $0xC930;
	s31 =	sadd.s32 $0x60, s10  }
0x410: {  	[hbm4b:s26+s3] =	stream.linear.scatter [tilespmem:s25], [sflag:$0x4], $0x80, $0x38;
	[tilespmem:$0xE800] =	vst v63  }
0x411: {  	s1 =	sadd.s32 $0x70, s10;
	s25 =	simm.s32 $0x440;
	s26 =	sadd.s32 $0x4000, s10  }
0x412: {  	[hbm4b:s31+s3] =	stream.linear.scatter [tilespmem:s30], [sflag:$0x4], $0x80, $0x38;
	[tilespmem:$0xE800] =	vst v63  }
.LBB2_26:
0x413: {  	[hbm4b:s1+s3] =	stream.linear.scatter [tilespmem:s29], [sflag:$0x4], $0x80, $0x38;
	[tilespmem:$0xE800] =	vst v63  }
0x414: {  	s0 =	smov.u32 s25;
	s1 =	smov.u32 s28  }
0x415: {  	s20 =	sadd.s32 $0x1100, s28;
	s25 =	sshra.s32 s1, $0x2;
	s1 =	sadd.s32 $0xC600, s0  }
0x416: {  	[hbm4b:s26+s3] =	stream.linear.scatter [tilespmem:s1], [sflag:$0x4], $0x80, $0x38;
	[tilespmem:$0xE800] =	vst v63  }
0x417: {  	p0 =	sne.s32 s28, $0x7700;
	s28 =	sadd.s32 $0x10, s26;
	s1 =	sadd.s32 $0xC688, s0  }
0x418: {  	[hbm4b:s28+s3] =	stream.linear.scatter [tilespmem:s1], [sflag:$0x4], $0x80, $0x38;
	[tilespmem:$0xE800] =	vst v63  }
0x419: {  	s1 =	sadd.s32 $0xC710, s0;
	s28 =	sadd.s32 $0x20, s26  }
0x41a: {  	[hbm4b:s28+s3] =	stream.linear.scatter [tilespmem:s1], [sflag:$0x4], $0x80, $0x38;
	[tilespmem:$0xE800] =	vst v63  }
0x41b: {  	s1 =	sadd.s32 $0xC798, s0;
	s28 =	sadd.s32 $0x30, s26  }
0x41c: {  	[hbm4b:s28+s3] =	stream.linear.scatter [tilespmem:s1], [sflag:$0x4], $0x80, $0x38;
	[tilespmem:$0xE800] =	vst v63  }
0x41d: {  	s1 =	sadd.s32 $0xC820, s0;
	s28 =	sadd.s32 $0x40, s26  }
0x41e: {  	[hbm4b:s28+s3] =	stream.linear.scatter [tilespmem:s1], [sflag:$0x4], $0x80, $0x38;
	[tilespmem:$0xE800] =	vst v63  }
.Ltmp12:
0x41f: {  	s1 =	sadd.s32 $0xC8A8, s0;
	s28 =	sadd.s32 $0x50, s26;
	(pc) =	sbr.rel @p0 .LBB2_26-.Ltmp12, $4  }
0x420: {  	[hbm4b:s28+s3] =	stream.linear.scatter [tilespmem:s1], [sflag:$0x4], $0x80, $0x38;
	[tilespmem:$0xE800] =	vst v63  }
0x421: {  	s29 =	sadd.s32 $0xC9B8, s0;
	s1 =	sadd.s32 $0xC930, s0;
	s28 =	sadd.s32 $0x60, s26  }
0x422: {  	[hbm4b:s28+s3] =	stream.linear.scatter [tilespmem:s1], [sflag:$0x4], $0x80, $0x38;
	[tilespmem:$0xE800] =	vst v63  }
0x423: {  	s1 =	sadd.s32 $0x70, s26;
	s26 =	sadd.s32 $0x4000, s26;
	s28 =	smov.u32 s20  }
0x424: {  	[hbm4b:s1+s3] =	stream.linear.scatter [tilespmem:s29], [sflag:$0x4], $0x80, $0x38;
	[tilespmem:$0xE800] =	vst v63  }
0x425: {  	s0 =	sadd.s32 $0xC600, s25  }
0x426: {  	[hbm4b:s26+s3] =	stream.linear.scatter [tilespmem:s0], [sflag:$0x4], $0x80, $0x38;
	[tilespmem:$0xE800] =	vst v63  }
0x427: {  	s30 =	sadd.s32 $0xC688, s25;
	s31 =	sadd.s32 $0x10, s26  }
0x428: {  	[hbm4b:s31+s3] =	stream.linear.scatter [tilespmem:s30], [sflag:$0x4], $0x80, $0x38;
	[tilespmem:$0xE800] =	vst v63  }
0x429: {  	s1 =	sadd.s32 $0xC710, s25;
	s20 =	sadd.s32 $0x20, s26  }
0x42a: {  	[hbm4b:s20+s3] =	stream.linear.scatter [tilespmem:s1], [sflag:$0x4], $0x80, $0x38;
	[tilespmem:$0xE800] =	vst v63  }
0x42b: {  	s28 =	sadd.s32 $0xC798, s25;
	s29 =	sadd.s32 $0x30, s26  }
0x42c: {  	[hbm4b:s29+s3] =	stream.linear.scatter [tilespmem:s28], [sflag:$0x4], $0x80, $0x38;
	[tilespmem:$0xE800] =	vst v63  }
0x42d: {  	s30 =	sadd.s32 $0xC820, s25;
	s31 =	sadd.s32 $0x40, s26  }
0x42e: {  	[hbm4b:s31+s3] =	stream.linear.scatter [tilespmem:s30], [sflag:$0x4], $0x80, $0x38;
	[tilespmem:$0xE800] =	vst v63  }
0x42f: {  	s1 =	sadd.s32 $0xC8A8, s25;
	s20 =	sadd.s32 $0x50, s26  }
0x430: {  	[hbm4b:s20+s3] =	stream.linear.scatter [tilespmem:s1], [sflag:$0x4], $0x80, $0x38;
	[tilespmem:$0xE800] =	vst v63  }
0x431: {  	s28 =	sadd.s32 $0xC930, s25;
	s29 =	sadd.s32 $0x60, s26  }
0x432: {  	[hbm4b:s29+s3] =	stream.linear.scatter [tilespmem:s28], [sflag:$0x4], $0x80, $0x38;
	[tilespmem:$0xE800] =	vst v63  }
0x433: {  	s24 =	sadd.s32 $0x1, s24;
	s30 =	sadd.s32 $0xC9B8, s25;
	s31 =	sadd.s32 $0x70, s26  }
0x434: {  	[hbm4b:s31+s3] =	stream.linear.scatter [tilespmem:s30], [sflag:$0x4], $0x80, $0x38;
	[tilespmem:$0xE800] =	vst v63  }
0x435: {  	p0 =	sne.s32 s24, s11;
	_ =	swait.ge [sflag:s22], $0x2000  }
.Ltmp13:
0x436: {  	[sflag:s22] =	ssyncset.done $0x0;
	(pc) =	sbr.rel @p0 .LBB2_1-.Ltmp13, $4  }
0x437: {  	[sflag:s22] =	ssyncadd.s32 $0xFFFFE000  }
0x438: {  	_ =	swait.ge [sflag:s23], $0x2000  }
0x439: {  	[sflag:s23] =	ssyncset.done $0x0  }
0x43a: {  	[sflag:s23] =	ssyncadd.s32 $0xFFFFE000  }
0x43b: {  	_ =	sfence.sel $0x180000  }
0x43c: {  	[bflag:$0x0] =	sbarrier.arrive $0xFFFF  }
0x43d: {  	_ =	strace $0x90000047  }
0x43e: {  	s0 =	stileid.u32;
	[bflag:$0x2] =	sbarrier.arrive $0xFFFF  }
0x43f: {  	p0 =	sne.s32 s0, $0x0;
	s0 =	rddreg [dreg:$0x3]  }
0x440: {  	s0 =	sadd.s32 @!p0 $0x100000, s0  }
0x441: {  	[sflag:s0] =	ssyncadd.tile.s32 @!p0 $0x1;
	_ =	shalt  }
.Lfunc_end2:
_tile_overlayer_lowered:
.L_overlay_start_2:
0x442: {  	(tag) =	ssettag $0x2  }
0x443: {  	s0 =	rddreg [dreg:$0x0];
	s2 =	stileid.u32  }
0x444: {  	s1 =	rddreg [dreg:$0x1];
	p0 =	sne.s32 s2, $0x0  }
0x445: {  	s3 =	rddreg [dreg:$0x2];
	[bflag:$0x3] =	sbarrier.arrive $0xFFFF;
	s2 =	simm.s32 @!p0 $0x1C05  }
0x446: {  	[timem:s3], [sflag:s2] =	dma.local @!p0 [hbm:s0], s1  }
0x447: {  	s0 =	simm.s32 @!p0 $0x5  }
0x448: {  	_ =	swait.ge @!p0 [sflag:s0], s1  }
0x449: {  	s1 =	ssub.s32 @!p0 $0x0, s1;
	[sflag:s0] =	ssyncset.done @!p0 $0x0  }
0x44a: {  	[sflag:s0] =	ssyncadd.s32 @!p0 s1  }
0x44b: {  	[bflag:$0x3] =	sbarrier.arrive $0xFFFF  }
0x44c: {  	_ =	shalt  }

</sc_bundles>
